<compile_context>
chip_gen: v7x
topology: tpu7x:2x2x1
jax: 0.10.2.dev20260603
libtpu: 0.0.44.dev20260713+nightly
codegen_flags: <defaults>
</compile_context>

<pallas_src>
import functools

import jax
import jax.numpy as jnp
import numpy as np
from jax import lax
from jax.experimental import pallas as pl
from jax.experimental.pallas import tpu as pltpu
from jax.experimental.pallas import tpu_sc as plsc

QUANT = 20
B = 8
N = 2_000_000
NUM_WORKERS = 32
LANE = 16

COL_TILES = N // 128
TILES_PER_W = COL_TILES // NUM_WORKERS
CT = 8
CHUNK_COLS = CT * 128
NCHUNK = TILES_PER_W // CT
NPAIR = NCHUNK // 2
HIST = B * QUANT * LANE
SC_REM = COL_TILES - NUM_WORKERS * TILES_PER_W

_INV_STEP = np.float32(1.0) / np.float32(1.0 / QUANT)


def _sc_hist_kernel(x_hbm, out_hbm, buf0, buf1, tail, hist, sem0, sem1):
    wid = lax.axis_index("s") * 2 + lax.axis_index("c")
    wbase = wid * (TILES_PER_W * 128)

    lanes = lax.iota(jnp.int32, 16)
    ones = jnp.ones((16,), jnp.float32)
    all_roffs = [lanes + _r * QUANT * 16 for _r in range(B)]

    zeros = jnp.zeros((16,), jnp.float32)

    @plsc.parallel_loop(0, HIST, step=16, unroll=4)
    def _(i):
        hist[pl.ds(i, 16)] = zeros

    def process(buf, ncols=CHUNK_COLS):
        for r0 in range(0, B, 4):
            @plsc.parallel_loop(0, ncols, step=16, unroll=8)
            def _(i):
                for k in range(r0, r0 + 4):
                    v = buf[k, pl.ds(i, 16)]
                    bins = (v * _INV_STEP).astype(jnp.int32)
                    plsc.addupdate_scatter(hist, [bins * 16 + all_roffs[k]], ones)

    def start(col, buf, sem):
        col = pl.multiple_of(col, 128)
        return pltpu.async_copy(x_hbm.at[:, pl.ds(col, CHUNK_COLS)], buf, sem)

    def drain(buf, sem):
        pltpu.make_async_copy(
            x_hbm.at[:, pl.ds(0, CHUNK_COLS)], buf, sem).wait()

    start(wbase, buf0, sem0)

    def pair_body(j, _):
        col0 = wbase + j * (2 * CHUNK_COLS)
        h1 = start(col0 + CHUNK_COLS, buf1, sem1)
        drain(buf0, sem0)
        process(buf0)
        start(col0 + 2 * CHUNK_COLS, buf0, sem0)
        h1.wait()
        process(buf1)
        return 0

    lax.fori_loop(0, NPAIR, pair_body, 0)
    drain(buf0, sem0)
    process(buf0)

    @pl.when(wid < SC_REM)
    def _():
        col = pl.multiple_of((NUM_WORKERS * TILES_PER_W + wid) * 128, 128)
        pltpu.sync_copy(x_hbm.at[:, pl.ds(col, 128)], tail)
        process(tail, 128)

    pltpu.sync_copy(hist, out_hbm.at[pl.ds(wid * HIST, HIST)])


def _entropy_kernel(p_ref, o_ref):
    s = jnp.sum(p_ref[...], axis=0)
    sel = (lax.broadcasted_iota(jnp.int32, (QUANT * LANE, QUANT), 0) // LANE
           == lax.broadcasted_iota(jnp.int32, (QUANT * LANE, QUANT), 1)
           ).astype(jnp.float32)
    counts = jax.lax.dot_general(
        s, sel, (((1,), (0,)), ((), ())),
        precision=lax.Precision.HIGHEST,
        preferred_element_type=jnp.float32)
    prob = counts * jnp.float32(1.0 / N)
    safe = jnp.where(prob > 0, prob, jnp.float32(1.0))
    contrib = jnp.where(prob > 0, -prob * jnp.log2(safe), jnp.float32(0.0))
    o_ref[0, 0] = jnp.sum(contrib)


@jax.jit
def kernel(output_seg):
    mesh = plsc.VectorSubcoreMesh(core_axis_name="c", subcore_axis_name="s")
    sc_hist = functools.partial(
        pl.kernel,
        mesh=mesh,
        out_type=jax.ShapeDtypeStruct((NUM_WORKERS * HIST,), jnp.float32),
        scratch_types=[
            pltpu.VMEM((B, CHUNK_COLS), jnp.float32),
            pltpu.VMEM((B, CHUNK_COLS), jnp.float32),
            pltpu.VMEM((B, 128), jnp.float32),
            pltpu.VMEM((HIST,), jnp.float32),
            pltpu.SemaphoreType.DMA,
            pltpu.SemaphoreType.DMA,
        ],
        compiler_params=pltpu.CompilerParams(needs_layout_passes=False),
    )(_sc_hist_kernel)

    p2 = sc_hist(output_seg).reshape(NUM_WORKERS, B, QUANT * LANE)

    loss = pl.pallas_call(
        _entropy_kernel,
        out_shape=jax.ShapeDtypeStruct((1, 1), jnp.float32),
        out_specs=pl.BlockSpec(memory_space=pltpu.SMEM),
    )(p2)
    return loss[0, 0]

# --- scband reference (transcript-rebuilt; emitter-appended) ---
"""Pipeline reference for scband-smooth-loss-73744588472820 (READ-ONLY COPY).

The authoritative reference and input builder live on the scoring server;
editing this copy changes nothing except your own understanding.
"""

import jax, jax.numpy as jnp
import numpy as np

QUANTIZE = 20.0


def setup_inputs(seed: int = 0) -> dict:
    key = jax.random.key(seed)
    output_seg = jax.random.uniform(key, (8, 2000000), dtype=jnp.float32)
    return {"output_seg": output_seg}


def reference(output_seg):
    quantize = QUANTIZE
    loss = jnp.float32(0.0)
    B = output_seg.shape[0]
    for i in range(B):
        A = output_seg[i]
        n = A.shape[0]
        predict_in_range = jnp.floor(A / (1.0 / quantize))
        for x in range(0, int(quantize)):
            # count_nonzero(predict_in_range == x)
            x_count = jnp.sum(jnp.where(predict_in_range == x, 1.0, 0.0))
            prob = x_count / n
            safe_prob = jnp.where(prob > 0, prob, 1.0)
            contrib = jnp.where(prob > 0, -1.0 * prob * jnp.log2(safe_prob), 0.0)
            loss = loss + contrib
    return loss

if __name__ == "__main__":
    import jax
    _d = setup_inputs()
    print(jax.jit(kernel)(*tuple(_d.values())))

</pallas_src>

<mosaic_0001>
#map = affine_map<(d0, d1) -> (0, 0)>
#map1 = affine_map<(d0, d1) -> (0)>
module attributes {stable_mosaic.version = 14 : i64} {
  func.func @_sc_hist_kernel(%arg0: i32, %arg1: i32, %arg2: memref<8x2000000xf32, #tpu.memory_space<hbm>>, %arg3: memref<81920xf32, #tpu.memory_space<hbm>>, %arg4: memref<8x1024xf32, #tpu.memory_space<vmem>>, %arg5: memref<8x1024xf32, #tpu.memory_space<vmem>>, %arg6: memref<8x128xf32, #tpu.memory_space<vmem>>, %arg7: memref<2560xf32, #tpu.memory_space<vmem>>, %arg8: memref<!tpu.dma_semaphore, #tpu.memory_space<semaphore_mem>>, %arg9: memref<!tpu.dma_semaphore, #tpu.memory_space<semaphore_mem>>) attributes {dimension_semantics = [#tpu.dimension_semantics<core_parallel>, #tpu.dimension_semantics<subcore_parallel>], iteration_bounds = array<i64: 2, 16>, scalar_prefetch = 0 : i64, scratch_operands = 6 : i64, tpu.core_type = #tpu.core_type<sc_vector_subcore>, window_params = [{transform_indices = #map}, {transform_indices = #map1}]} {
    %mul3A = arith.constant 2 : i32
    %mul3A_0 = arith.muli %arg1, %mul3A : i32
    %add3A = arith.addi %mul3A_0, %arg0 : i32
    %mul3A_1 = arith.constant 62464 : i32
    %mul3A_2 = arith.muli %add3A, %mul3A_1 : i32
    %iota3A = tpu.iota {dimensions = array<i32: 0>} : vector<16xi32>
    %broadcast_in_dim3A = arith.constant 1.000000e+00 : f32
    %broadcast_in_dim3A_3 = vector.broadcast %broadcast_in_dim3A : f32 to vector<16xf32>
    %add3A_4 = arith.constant 0 : i32
    %add3A_5 = vector.broadcast %add3A_4 : i32 to vector<16xi32>
    %add3A_6 = arith.addi %iota3A, %add3A_5 : vector<16xi32>
    %add3A_7 = arith.constant 320 : i32
    %add3A_8 = vector.broadcast %add3A_7 : i32 to vector<16xi32>
    %add3A_9 = arith.addi %iota3A, %add3A_8 : vector<16xi32>
    %add3A_10 = arith.constant 640 : i32
    %add3A_11 = vector.broadcast %add3A_10 : i32 to vector<16xi32>
    %add3A_12 = arith.addi %iota3A, %add3A_11 : vector<16xi32>
    %add3A_13 = arith.constant 960 : i32
    %add3A_14 = vector.broadcast %add3A_13 : i32 to vector<16xi32>
    %add3A_15 = arith.addi %iota3A, %add3A_14 : vector<16xi32>
    %add3A_16 = arith.constant 1280 : i32
    %add3A_17 = vector.broadcast %add3A_16 : i32 to vector<16xi32>
    %add3A_18 = arith.addi %iota3A, %add3A_17 : vector<16xi32>
    %add3A_19 = arith.constant 1600 : i32
    %add3A_20 = vector.broadcast %add3A_19 : i32 to vector<16xi32>
    %add3A_21 = arith.addi %iota3A, %add3A_20 : vector<16xi32>
    %add3A_22 = arith.constant 1920 : i32
    %add3A_23 = vector.broadcast %add3A_22 : i32 to vector<16xi32>
    %add3A_24 = arith.addi %iota3A, %add3A_23 : vector<16xi32>
    %add3A_25 = arith.constant 2240 : i32
    %add3A_26 = vector.broadcast %add3A_25 : i32 to vector<16xi32>
    %add3A_27 = arith.addi %iota3A, %add3A_26 : vector<16xi32>
    %broadcast_in_dim3A_28 = arith.constant 0.000000e+00 : f32
    %broadcast_in_dim3A_29 = vector.broadcast %broadcast_in_dim3A_28 : f32 to vector<16xf32>
    %parallel_loop3A = arith.constant 0 : i32
    %parallel_loop3A_30 = arith.constant 2560 : i32
    %parallel_loop3A_31 = arith.constant 16 : i32
    scf.for %parallel_loop3A_56 = %parallel_loop3A to %parallel_loop3A_30 step %parallel_loop3A_31  : i32 {
      %parallel_loop3A_57 = arith.index_cast %parallel_loop3A_56 : i32 to index
      %parallel_loop3A_58 = tpu.vector_load %arg7[%parallel_loop3A_57] {strides = array<i32>} : memref<2560xf32, #tpu.memory_space<vmem>>, vector<16xf32>,
      tpu.vector_store %arg7[%parallel_loop3A_57], %broadcast_in_dim3A_29 {strides = array<i32>} : memref<2560xf32, #tpu.memory_space<vmem>>, vector<16xf32>,
    } {sc.loop_unroll_factor = 4 : i64, sc.parallel_access}
    %multiple_of3A = tpu.assume_multiple %mul3A_2, 128 : i32
    %dma_start3A = arith.constant 0 : i32
    %dma_start3A_32 = tpu.memref_slice %arg2[%dma_start3A, %multiple_of3A] : memref<8x2000000xf32, #tpu.memory_space<hbm>> -> memref<8x1024xf32, #tpu.memory_space<hbm>>
    %dma_start3A_33 = arith.constant 0 : i32
    %dma_start3A_34 = tpu.memref_slice %arg2[%dma_start3A_33, %multiple_of3A] : memref<8x2000000xf32, #tpu.memory_space<hbm>> -> memref<8x1024xf32, #tpu.memory_space<hbm>>
    tpu.enqueue_dma source(%dma_start3A_34 : memref<8x1024xf32, #tpu.memory_space<hbm>>) target(%arg4 : memref<8x1024xf32, #tpu.memory_space<vmem>>) target_semaphore(%arg8 : memref<!tpu.dma_semaphore, #tpu.memory_space<semaphore_mem>>)
    %scan3A = arith.constant 0 : i32
    %scan3A_35 = arith.constant 0 : i32
    %scan3A_36 = arith.constant 30 : i32
    %scan3A_37 = arith.addi %scan3A_35, %scan3A_36 : i32
    %scan3A_38 = arith.constant 1 : i32
    %scan3A_39 = scf.for %scan3A_56 = %scan3A_35 to %scan3A_37 step %scan3A_38 iter_args(%scan3A_57 = %scan3A) -> (i32)  : i32 {
      %mul3A_58 = arith.constant 2048 : i32
      %mul3A_59 = arith.muli %scan3A_56, %mul3A_58 : i32
      %add3A_60 = arith.addi %mul3A_2, %mul3A_59 : i32
      %add3A_61 = arith.constant 1024 : i32
      %add3A_62 = arith.addi %add3A_60, %add3A_61 : i32
      %multiple_of3A_63 = tpu.assume_multiple %add3A_62, 128 : i32
      %dma_start3A_64 = arith.constant 0 : i32
      %dma_start3A_65 = tpu.memref_slice %arg2[%dma_start3A_64, %multiple_of3A_63] : memref<8x2000000xf32, #tpu.memory_space<hbm>> -> memref<8x1024xf32, #tpu.memory_space<hbm>>
      %dma_start3A_66 = arith.constant 0 : i32
      %dma_start3A_67 = tpu.memref_slice %arg2[%dma_start3A_66, %multiple_of3A_63] : memref<8x2000000xf32, #tpu.memory_space<hbm>> -> memref<8x1024xf32, #tpu.memory_space<hbm>>
      tpu.enqueue_dma source(%dma_start3A_67 : memref<8x1024xf32, #tpu.memory_space<hbm>>) target(%arg5 : memref<8x1024xf32, #tpu.memory_space<vmem>>) target_semaphore(%arg9 : memref<!tpu.dma_semaphore, #tpu.memory_space<semaphore_mem>>)
      %dma_wait3A_68 = arith.constant 0 : i32
      %dma_wait3A_69 = arith.constant 0 : i32
      %dma_wait3A_70 = tpu.memref_slice %arg2[%dma_wait3A_68, %dma_wait3A_69] : memref<8x2000000xf32, #tpu.memory_space<hbm>> -> memref<8x1024xf32, #tpu.memory_space<hbm>>
      %dma_wait3A_71 = arith.constant 0 : i32
      %dma_wait3A_72 = arith.constant 0 : i32
      %dma_wait3A_73 = tpu.memref_slice %arg2[%dma_wait3A_71, %dma_wait3A_72] : memref<8x2000000xf32, #tpu.memory_space<hbm>> -> memref<8x1024xf32, #tpu.memory_space<hbm>>
      tpu.wait_dma2 semaphore(%arg8 : memref<!tpu.dma_semaphore, #tpu.memory_space<semaphore_mem>>) src(%dma_wait3A_73 : memref<8x1024xf32, #tpu.memory_space<hbm>>) dst(%arg4 : memref<8x1024xf32, #tpu.memory_space<vmem>>)
      %parallel_loop3A_74 = arith.constant 0 : i32
      %parallel_loop3A_75 = arith.constant 1024 : i32
      %parallel_loop3A_76 = arith.constant 16 : i32
      scf.for %parallel_loop3A_98 = %parallel_loop3A_74 to %parallel_loop3A_75 step %parallel_loop3A_76  : i32 {
        %parallel_loop3A_99 = arith.constant 0 : i32
        %parallel_loop3A_100 = arith.index_cast %parallel_loop3A_99 : i32 to index
        %parallel_loop3A_101 = arith.index_cast %parallel_loop3A_98 : i32 to index
        %parallel_loop3A_102 = tpu.vector_load %arg4[%parallel_loop3A_100, %parallel_loop3A_101] {strides = array<i32>} : memref<8x1024xf32, #tpu.memory_space<vmem>>, vector<16xf32>,
        %parallel_loop3A_103 = arith.constant 2.000000e+01 : f32
        %parallel_loop3A_104 = vector.broadcast %parallel_loop3A_103 : f32 to vector<16xf32>
        %parallel_loop3A_105 = arith.mulf %parallel_loop3A_102, %parallel_loop3A_104 : vector<16xf32>
        %parallel_loop3A_106 = arith.fptosi %parallel_loop3A_105 : vector<16xf32> to vector<16xi32>
        %parallel_loop3A_107 = arith.constant 16 : i32
        %parallel_loop3A_108 = vector.broadcast %parallel_loop3A_107 : i32 to vector<16xi32>
        %parallel_loop3A_109 = arith.muli %parallel_loop3A_106, %parallel_loop3A_108 : vector<16xi32>
        %parallel_loop3A_110 = arith.addi %parallel_loop3A_109, %add3A_6 : vector<16xi32>
        tpu.vector_store_idx %arg7[%parallel_loop3A_110], %broadcast_in_dim3A_3 {add = true} : memref<2560xf32, #tpu.memory_space<vmem>>[vector<16xi32>], vector<16xf32>,
        %parallel_loop3A_111 = arith.constant 1 : i32
        %parallel_loop3A_112 = arith.index_cast %parallel_loop3A_111 : i32 to index
        %parallel_loop3A_113 = arith.index_cast %parallel_loop3A_98 : i32 to index
        %parallel_loop3A_114 = tpu.vector_load %arg4[%parallel_loop3A_112, %parallel_loop3A_113] {strides = array<i32>} : memref<8x1024xf32, #tpu.memory_space<vmem>>, vector<16xf32>,
        %parallel_loop3A_115 = arith.constant 2.000000e+01 : f32
        %parallel_loop3A_116 = vector.broadcast %parallel_loop3A_115 : f32 to vector<16xf32>
        %parallel_loop3A_117 = arith.mulf %parallel_loop3A_114, %parallel_loop3A_116 : vector<16xf32>
        %parallel_loop3A_118 = arith.fptosi %parallel_loop3A_117 : vector<16xf32> to vector<16xi32>
        %parallel_loop3A_119 = arith.constant 16 : i32
        %parallel_loop3A_120 = vector.broadcast %parallel_loop3A_119 : i32 to vector<16xi32>
        %parallel_loop3A_121 = arith.muli %parallel_loop3A_118, %parallel_loop3A_120 : vector<16xi32>
        %parallel_loop3A_122 = arith.addi %parallel_loop3A_121, %add3A_9 : vector<16xi32>
        tpu.vector_store_idx %arg7[%parallel_loop3A_122], %broadcast_in_dim3A_3 {add = true} : memref<2560xf32, #tpu.memory_space<vmem>>[vector<16xi32>], vector<16xf32>,
        %parallel_loop3A_123 = arith.constant 2 : i32
        %parallel_loop3A_124 = arith.index_cast %parallel_loop3A_123 : i32 to index
        %parallel_loop3A_125 = arith.index_cast %parallel_loop3A_98 : i32 to index
        %parallel_loop3A_126 = tpu.vector_load %arg4[%parallel_loop3A_124, %parallel_loop3A_125] {strides = array<i32>} : memref<8x1024xf32, #tpu.memory_space<vmem>>, vector<16xf32>,
        %parallel_loop3A_127 = arith.constant 2.000000e+01 : f32
        %parallel_loop3A_128 = vector.broadcast %parallel_loop3A_127 : f32 to vector<16xf32>
        %parallel_loop3A_129 = arith.mulf %parallel_loop3A_126, %parallel_loop3A_128 : vector<16xf32>
        %parallel_loop3A_130 = arith.fptosi %parallel_loop3A_129 : vector<16xf32> to vector<16xi32>
        %parallel_loop3A_131 = arith.constant 16 : i32
        %parallel_loop3A_132 = vector.broadcast %parallel_loop3A_131 : i32 to vector<16xi32>
        %parallel_loop3A_133 = arith.muli %parallel_loop3A_130, %parallel_loop3A_132 : vector<16xi32>
        %parallel_loop3A_134 = arith.addi %parallel_loop3A_133, %add3A_12 : vector<16xi32>
        tpu.vector_store_idx %arg7[%parallel_loop3A_134], %broadcast_in_dim3A_3 {add = true} : memref<2560xf32, #tpu.memory_space<vmem>>[vector<16xi32>], vector<16xf32>,
        %parallel_loop3A_135 = arith.constant 3 : i32
        %parallel_loop3A_136 = arith.index_cast %parallel_loop3A_135 : i32 to index
        %parallel_loop3A_137 = arith.index_cast %parallel_loop3A_98 : i32 to index
        %parallel_loop3A_138 = tpu.vector_load %arg4[%parallel_loop3A_136, %parallel_loop3A_137] {strides = array<i32>} : memref<8x1024xf32, #tpu.memory_space<vmem>>, vector<16xf32>,
        %parallel_loop3A_139 = arith.constant 2.000000e+01 : f32
        %parallel_loop3A_140 = vector.broadcast %parallel_loop3A_139 : f32 to vector<16xf32>
        %parallel_loop3A_141 = arith.mulf %parallel_loop3A_138, %parallel_loop3A_140 : vector<16xf32>
        %parallel_loop3A_142 = arith.fptosi %parallel_loop3A_141 : vector<16xf32> to vector<16xi32>
        %parallel_loop3A_143 = arith.constant 16 : i32
        %parallel_loop3A_144 = vector.broadcast %parallel_loop3A_143 : i32 to vector<16xi32>
        %parallel_loop3A_145 = arith.muli %parallel_loop3A_142, %parallel_loop3A_144 : vector<16xi32>
        %parallel_loop3A_146 = arith.addi %parallel_loop3A_145, %add3A_15 : vector<16xi32>
        tpu.vector_store_idx %arg7[%parallel_loop3A_146], %broadcast_in_dim3A_3 {add = true} : memref<2560xf32, #tpu.memory_space<vmem>>[vector<16xi32>], vector<16xf32>,
      } {sc.loop_unroll_factor = 8 : i64, sc.parallel_access}
      %parallel_loop3A_77 = arith.constant 0 : i32
      %parallel_loop3A_78 = arith.constant 1024 : i32
      %parallel_loop3A_79 = arith.constant 16 : i32
      scf.for %parallel_loop3A_98 = %parallel_loop3A_77 to %parallel_loop3A_78 step %parallel_loop3A_79  : i32 {
        %parallel_loop3A_99 = arith.constant 4 : i32
        %parallel_loop3A_100 = arith.index_cast %parallel_loop3A_99 : i32 to index
        %parallel_loop3A_101 = arith.index_cast %parallel_loop3A_98 : i32 to index
        %parallel_loop3A_102 = tpu.vector_load %arg4[%parallel_loop3A_100, %parallel_loop3A_101] {strides = array<i32>} : memref<8x1024xf32, #tpu.memory_space<vmem>>, vector<16xf32>,
        %parallel_loop3A_103 = arith.constant 2.000000e+01 : f32
        %parallel_loop3A_104 = vector.broadcast %parallel_loop3A_103 : f32 to vector<16xf32>
        %parallel_loop3A_105 = arith.mulf %parallel_loop3A_102, %parallel_loop3A_104 : vector<16xf32>
        %parallel_loop3A_106 = arith.fptosi %parallel_loop3A_105 : vector<16xf32> to vector<16xi32>
        %parallel_loop3A_107 = arith.constant 16 : i32
        %parallel_loop3A_108 = vector.broadcast %parallel_loop3A_107 : i32 to vector<16xi32>
        %parallel_loop3A_109 = arith.muli %parallel_loop3A_106, %parallel_loop3A_108 : vector<16xi32>
        %parallel_loop3A_110 = arith.addi %parallel_loop3A_109, %add3A_18 : vector<16xi32>
        tpu.vector_store_idx %arg7[%parallel_loop3A_110], %broadcast_in_dim3A_3 {add = true} : memref<2560xf32, #tpu.memory_space<vmem>>[vector<16xi32>], vector<16xf32>,
        %parallel_loop3A_111 = arith.constant 5 : i32
        %parallel_loop3A_112 = arith.index_cast %parallel_loop3A_111 : i32 to index
        %parallel_loop3A_113 = arith.index_cast %parallel_loop3A_98 : i32 to index
        %parallel_loop3A_114 = tpu.vector_load %arg4[%parallel_loop3A_112, %parallel_loop3A_113] {strides = array<i32>} : memref<8x1024xf32, #tpu.memory_space<vmem>>, vector<16xf32>,
        %parallel_loop3A_115 = arith.constant 2.000000e+01 : f32
        %parallel_loop3A_116 = vector.broadcast %parallel_loop3A_115 : f32 to vector<16xf32>
        %parallel_loop3A_117 = arith.mulf %parallel_loop3A_114, %parallel_loop3A_116 : vector<16xf32>
        %parallel_loop3A_118 = arith.fptosi %parallel_loop3A_117 : vector<16xf32> to vector<16xi32>
        %parallel_loop3A_119 = arith.constant 16 : i32
        %parallel_loop3A_120 = vector.broadcast %parallel_loop3A_119 : i32 to vector<16xi32>
        %parallel_loop3A_121 = arith.muli %parallel_loop3A_118, %parallel_loop3A_120 : vector<16xi32>
        %parallel_loop3A_122 = arith.addi %parallel_loop3A_121, %add3A_21 : vector<16xi32>
        tpu.vector_store_idx %arg7[%parallel_loop3A_122], %broadcast_in_dim3A_3 {add = true} : memref<2560xf32, #tpu.memory_space<vmem>>[vector<16xi32>], vector<16xf32>,
        %parallel_loop3A_123 = arith.constant 6 : i32
        %parallel_loop3A_124 = arith.index_cast %parallel_loop3A_123 : i32 to index
        %parallel_loop3A_125 = arith.index_cast %parallel_loop3A_98 : i32 to index
        %parallel_loop3A_126 = tpu.vector_load %arg4[%parallel_loop3A_124, %parallel_loop3A_125] {strides = array<i32>} : memref<8x1024xf32, #tpu.memory_space<vmem>>, vector<16xf32>,
        %parallel_loop3A_127 = arith.constant 2.000000e+01 : f32
        %parallel_loop3A_128 = vector.broadcast %parallel_loop3A_127 : f32 to vector<16xf32>
        %parallel_loop3A_129 = arith.mulf %parallel_loop3A_126, %parallel_loop3A_128 : vector<16xf32>
        %parallel_loop3A_130 = arith.fptosi %parallel_loop3A_129 : vector<16xf32> to vector<16xi32>
        %parallel_loop3A_131 = arith.constant 16 : i32
        %parallel_loop3A_132 = vector.broadcast %parallel_loop3A_131 : i32 to vector<16xi32>
        %parallel_loop3A_133 = arith.muli %parallel_loop3A_130, %parallel_loop3A_132 : vector<16xi32>
        %parallel_loop3A_134 = arith.addi %parallel_loop3A_133, %add3A_24 : vector<16xi32>
        tpu.vector_store_idx %arg7[%parallel_loop3A_134], %broadcast_in_dim3A_3 {add = true} : memref<2560xf32, #tpu.memory_space<vmem>>[vector<16xi32>], vector<16xf32>,
        %parallel_loop3A_135 = arith.constant 7 : i32
        %parallel_loop3A_136 = arith.index_cast %parallel_loop3A_135 : i32 to index
        %parallel_loop3A_137 = arith.index_cast %parallel_loop3A_98 : i32 to index
        %parallel_loop3A_138 = tpu.vector_load %arg4[%parallel_loop3A_136, %parallel_loop3A_137] {strides = array<i32>} : memref<8x1024xf32, #tpu.memory_space<vmem>>, vector<16xf32>,
        %parallel_loop3A_139 = arith.constant 2.000000e+01 : f32
        %parallel_loop3A_140 = vector.broadcast %parallel_loop3A_139 : f32 to vector<16xf32>
        %parallel_loop3A_141 = arith.mulf %parallel_loop3A_138, %parallel_loop3A_140 : vector<16xf32>
        %parallel_loop3A_142 = arith.fptosi %parallel_loop3A_141 : vector<16xf32> to vector<16xi32>
        %parallel_loop3A_143 = arith.constant 16 : i32
        %parallel_loop3A_144 = vector.broadcast %parallel_loop3A_143 : i32 to vector<16xi32>
        %parallel_loop3A_145 = arith.muli %parallel_loop3A_142, %parallel_loop3A_144 : vector<16xi32>
        %parallel_loop3A_146 = arith.addi %parallel_loop3A_145, %add3A_27 : vector<16xi32>
        tpu.vector_store_idx %arg7[%parallel_loop3A_146], %broadcast_in_dim3A_3 {add = true} : memref<2560xf32, #tpu.memory_space<vmem>>[vector<16xi32>], vector<16xf32>,
      } {sc.loop_unroll_factor = 8 : i64, sc.parallel_access}
      %add3A_80 = arith.constant 2048 : i32
      %add3A_81 = arith.addi %add3A_60, %add3A_80 : i32
      %multiple_of3A_82 = tpu.assume_multiple %add3A_81, 128 : i32
      %dma_start3A_83 = arith.constant 0 : i32
      %dma_start3A_84 = tpu.memref_slice %arg2[%dma_start3A_83, %multiple_of3A_82] : memref<8x2000000xf32, #tpu.memory_space<hbm>> -> memref<8x1024xf32, #tpu.memory_space<hbm>>
      %dma_start3A_85 = arith.constant 0 : i32
      %dma_start3A_86 = tpu.memref_slice %arg2[%dma_start3A_85, %multiple_of3A_82] : memref<8x2000000xf32, #tpu.memory_space<hbm>> -> memref<8x1024xf32, #tpu.memory_space<hbm>>
      tpu.enqueue_dma source(%dma_start3A_86 : memref<8x1024xf32, #tpu.memory_space<hbm>>) target(%arg4 : memref<8x1024xf32, #tpu.memory_space<vmem>>) target_semaphore(%arg8 : memref<!tpu.dma_semaphore, #tpu.memory_space<semaphore_mem>>)
      %dma_wait3A_87 = arith.constant 0 : i32
      %dma_wait3A_88 = tpu.memref_slice %arg2[%dma_wait3A_87, %multiple_of3A_63] : memref<8x2000000xf32, #tpu.memory_space<hbm>> -> memref<8x1024xf32, #tpu.memory_space<hbm>>
      %dma_wait3A_89 = arith.constant 0 : i32
      %dma_wait3A_90 = tpu.memref_slice %arg2[%dma_wait3A_89, %multiple_of3A_63] : memref<8x2000000xf32, #tpu.memory_space<hbm>> -> memref<8x1024xf32, #tpu.memory_space<hbm>>
      tpu.wait_dma2 semaphore(%arg9 : memref<!tpu.dma_semaphore, #tpu.memory_space<semaphore_mem>>) src(%dma_wait3A_90 : memref<8x1024xf32, #tpu.memory_space<hbm>>) dst(%arg5 : memref<8x1024xf32, #tpu.memory_space<vmem>>)
      %parallel_loop3A_91 = arith.constant 0 : i32
      %parallel_loop3A_92 = arith.constant 1024 : i32
      %parallel_loop3A_93 = arith.constant 16 : i32
      scf.for %parallel_loop3A_98 = %parallel_loop3A_91 to %parallel_loop3A_92 step %parallel_loop3A_93  : i32 {
        %parallel_loop3A_99 = arith.constant 0 : i32
        %parallel_loop3A_100 = arith.index_cast %parallel_loop3A_99 : i32 to index
        %parallel_loop3A_101 = arith.index_cast %parallel_loop3A_98 : i32 to index
        %parallel_loop3A_102 = tpu.vector_load %arg5[%parallel_loop3A_100, %parallel_loop3A_101] {strides = array<i32>} : memref<8x1024xf32, #tpu.memory_space<vmem>>, vector<16xf32>,
        %parallel_loop3A_103 = arith.constant 2.000000e+01 : f32
        %parallel_loop3A_104 = vector.broadcast %parallel_loop3A_103 : f32 to vector<16xf32>
        %parallel_loop3A_105 = arith.mulf %parallel_loop3A_102, %parallel_loop3A_104 : vector<16xf32>
        %parallel_loop3A_106 = arith.fptosi %parallel_loop3A_105 : vector<16xf32> to vector<16xi32>
        %parallel_loop3A_107 = arith.constant 16 : i32
        %parallel_loop3A_108 = vector.broadcast %parallel_loop3A_107 : i32 to vector<16xi32>
        %parallel_loop3A_109 = arith.muli %parallel_loop3A_106, %parallel_loop3A_108 : vector<16xi32>
        %parallel_loop3A_110 = arith.addi %parallel_loop3A_109, %add3A_6 : vector<16xi32>
        tpu.vector_store_idx %arg7[%parallel_loop3A_110], %broadcast_in_dim3A_3 {add = true} : memref<2560xf32, #tpu.memory_space<vmem>>[vector<16xi32>], vector<16xf32>,
        %parallel_loop3A_111 = arith.constant 1 : i32
        %parallel_loop3A_112 = arith.index_cast %parallel_loop3A_111 : i32 to index
        %parallel_loop3A_113 = arith.index_cast %parallel_loop3A_98 : i32 to index
        %parallel_loop3A_114 = tpu.vector_load %arg5[%parallel_loop3A_112, %parallel_loop3A_113] {strides = array<i32>} : memref<8x1024xf32, #tpu.memory_space<vmem>>, vector<16xf32>,
        %parallel_loop3A_115 = arith.constant 2.000000e+01 : f32
        %parallel_loop3A_116 = vector.broadcast %parallel_loop3A_115 : f32 to vector<16xf32>
        %parallel_loop3A_117 = arith.mulf %parallel_loop3A_114, %parallel_loop3A_116 : vector<16xf32>
        %parallel_loop3A_118 = arith.fptosi %parallel_loop3A_117 : vector<16xf32> to vector<16xi32>
        %parallel_loop3A_119 = arith.constant 16 : i32
        %parallel_loop3A_120 = vector.broadcast %parallel_loop3A_119 : i32 to vector<16xi32>
        %parallel_loop3A_121 = arith.muli %parallel_loop3A_118, %parallel_loop3A_120 : vector<16xi32>
        %parallel_loop3A_122 = arith.addi %parallel_loop3A_121, %add3A_9 : vector<16xi32>
        tpu.vector_store_idx %arg7[%parallel_loop3A_122], %broadcast_in_dim3A_3 {add = true} : memref<2560xf32, #tpu.memory_space<vmem>>[vector<16xi32>], vector<16xf32>,
        %parallel_loop3A_123 = arith.constant 2 : i32
        %parallel_loop3A_124 = arith.index_cast %parallel_loop3A_123 : i32 to index
        %parallel_loop3A_125 = arith.index_cast %parallel_loop3A_98 : i32 to index
        %parallel_loop3A_126 = tpu.vector_load %arg5[%parallel_loop3A_124, %parallel_loop3A_125] {strides = array<i32>} : memref<8x1024xf32, #tpu.memory_space<vmem>>, vector<16xf32>,
        %parallel_loop3A_127 = arith.constant 2.000000e+01 : f32
        %parallel_loop3A_128 = vector.broadcast %parallel_loop3A_127 : f32 to vector<16xf32>
        %parallel_loop3A_129 = arith.mulf %parallel_loop3A_126, %parallel_loop3A_128 : vector<16xf32>
        %parallel_loop3A_130 = arith.fptosi %parallel_loop3A_129 : vector<16xf32> to vector<16xi32>
        %parallel_loop3A_131 = arith.constant 16 : i32
        %parallel_loop3A_132 = vector.broadcast %parallel_loop3A_131 : i32 to vector<16xi32>
        %parallel_loop3A_133 = arith.muli %parallel_loop3A_130, %parallel_loop3A_132 : vector<16xi32>
        %parallel_loop3A_134 = arith.addi %parallel_loop3A_133, %add3A_12 : vector<16xi32>
        tpu.vector_store_idx %arg7[%parallel_loop3A_134], %broadcast_in_dim3A_3 {add = true} : memref<2560xf32, #tpu.memory_space<vmem>>[vector<16xi32>], vector<16xf32>,
        %parallel_loop3A_135 = arith.constant 3 : i32
        %parallel_loop3A_136 = arith.index_cast %parallel_loop3A_135 : i32 to index
        %parallel_loop3A_137 = arith.index_cast %parallel_loop3A_98 : i32 to index
        %parallel_loop3A_138 = tpu.vector_load %arg5[%parallel_loop3A_136, %parallel_loop3A_137] {strides = array<i32>} : memref<8x1024xf32, #tpu.memory_space<vmem>>, vector<16xf32>,
        %parallel_loop3A_139 = arith.constant 2.000000e+01 : f32
        %parallel_loop3A_140 = vector.broadcast %parallel_loop3A_139 : f32 to vector<16xf32>
        %parallel_loop3A_141 = arith.mulf %parallel_loop3A_138, %parallel_loop3A_140 : vector<16xf32>
        %parallel_loop3A_142 = arith.fptosi %parallel_loop3A_141 : vector<16xf32> to vector<16xi32>
        %parallel_loop3A_143 = arith.constant 16 : i32
        %parallel_loop3A_144 = vector.broadcast %parallel_loop3A_143 : i32 to vector<16xi32>
        %parallel_loop3A_145 = arith.muli %parallel_loop3A_142, %parallel_loop3A_144 : vector<16xi32>
        %parallel_loop3A_146 = arith.addi %parallel_loop3A_145, %add3A_15 : vector<16xi32>
        tpu.vector_store_idx %arg7[%parallel_loop3A_146], %broadcast_in_dim3A_3 {add = true} : memref<2560xf32, #tpu.memory_space<vmem>>[vector<16xi32>], vector<16xf32>,
      } {sc.loop_unroll_factor = 8 : i64, sc.parallel_access}
      %parallel_loop3A_94 = arith.constant 0 : i32
      %parallel_loop3A_95 = arith.constant 1024 : i32
      %parallel_loop3A_96 = arith.constant 16 : i32
      scf.for %parallel_loop3A_98 = %parallel_loop3A_94 to %parallel_loop3A_95 step %parallel_loop3A_96  : i32 {
        %parallel_loop3A_99 = arith.constant 4 : i32
        %parallel_loop3A_100 = arith.index_cast %parallel_loop3A_99 : i32 to index
        %parallel_loop3A_101 = arith.index_cast %parallel_loop3A_98 : i32 to index
        %parallel_loop3A_102 = tpu.vector_load %arg5[%parallel_loop3A_100, %parallel_loop3A_101] {strides = array<i32>} : memref<8x1024xf32, #tpu.memory_space<vmem>>, vector<16xf32>,
        %parallel_loop3A_103 = arith.constant 2.000000e+01 : f32
        %parallel_loop3A_104 = vector.broadcast %parallel_loop3A_103 : f32 to vector<16xf32>
        %parallel_loop3A_105 = arith.mulf %parallel_loop3A_102, %parallel_loop3A_104 : vector<16xf32>
        %parallel_loop3A_106 = arith.fptosi %parallel_loop3A_105 : vector<16xf32> to vector<16xi32>
        %parallel_loop3A_107 = arith.constant 16 : i32
        %parallel_loop3A_108 = vector.broadcast %parallel_loop3A_107 : i32 to vector<16xi32>
        %parallel_loop3A_109 = arith.muli %parallel_loop3A_106, %parallel_loop3A_108 : vector<16xi32>
        %parallel_loop3A_110 = arith.addi %parallel_loop3A_109, %add3A_18 : vector<16xi32>
        tpu.vector_store_idx %arg7[%parallel_loop3A_110], %broadcast_in_dim3A_3 {add = true} : memref<2560xf32, #tpu.memory_space<vmem>>[vector<16xi32>], vector<16xf32>,
        %parallel_loop3A_111 = arith.constant 5 : i32
        %parallel_loop3A_112 = arith.index_cast %parallel_loop3A_111 : i32 to index
        %parallel_loop3A_113 = arith.index_cast %parallel_loop3A_98 : i32 to index
        %parallel_loop3A_114 = tpu.vector_load %arg5[%parallel_loop3A_112, %parallel_loop3A_113] {strides = array<i32>} : memref<8x1024xf32, #tpu.memory_space<vmem>>, vector<16xf32>,
        %parallel_loop3A_115 = arith.constant 2.000000e+01 : f32
        %parallel_loop3A_116 = vector.broadcast %parallel_loop3A_115 : f32 to vector<16xf32>
        %parallel_loop3A_117 = arith.mulf %parallel_loop3A_114, %parallel_loop3A_116 : vector<16xf32>
        %parallel_loop3A_118 = arith.fptosi %parallel_loop3A_117 : vector<16xf32> to vector<16xi32>
        %parallel_loop3A_119 = arith.constant 16 : i32
        %parallel_loop3A_120 = vector.broadcast %parallel_loop3A_119 : i32 to vector<16xi32>
        %parallel_loop3A_121 = arith.muli %parallel_loop3A_118, %parallel_loop3A_120 : vector<16xi32>
        %parallel_loop3A_122 = arith.addi %parallel_loop3A_121, %add3A_21 : vector<16xi32>
        tpu.vector_store_idx %arg7[%parallel_loop3A_122], %broadcast_in_dim3A_3 {add = true} : memref<2560xf32, #tpu.memory_space<vmem>>[vector<16xi32>], vector<16xf32>,
        %parallel_loop3A_123 = arith.constant 6 : i32
        %parallel_loop3A_124 = arith.index_cast %parallel_loop3A_123 : i32 to index
        %parallel_loop3A_125 = arith.index_cast %parallel_loop3A_98 : i32 to index
        %parallel_loop3A_126 = tpu.vector_load %arg5[%parallel_loop3A_124, %parallel_loop3A_125] {strides = array<i32>} : memref<8x1024xf32, #tpu.memory_space<vmem>>, vector<16xf32>,
        %parallel_loop3A_127 = arith.constant 2.000000e+01 : f32
        %parallel_loop3A_128 = vector.broadcast %parallel_loop3A_127 : f32 to vector<16xf32>
        %parallel_loop3A_129 = arith.mulf %parallel_loop3A_126, %parallel_loop3A_128 : vector<16xf32>
        %parallel_loop3A_130 = arith.fptosi %parallel_loop3A_129 : vector<16xf32> to vector<16xi32>
        %parallel_loop3A_131 = arith.constant 16 : i32
        %parallel_loop3A_132 = vector.broadcast %parallel_loop3A_131 : i32 to vector<16xi32>
        %parallel_loop3A_133 = arith.muli %parallel_loop3A_130, %parallel_loop3A_132 : vector<16xi32>
        %parallel_loop3A_134 = arith.addi %parallel_loop3A_133, %add3A_24 : vector<16xi32>
        tpu.vector_store_idx %arg7[%parallel_loop3A_134], %broadcast_in_dim3A_3 {add = true} : memref<2560xf32, #tpu.memory_space<vmem>>[vector<16xi32>], vector<16xf32>,
        %parallel_loop3A_135 = arith.constant 7 : i32
        %parallel_loop3A_136 = arith.index_cast %parallel_loop3A_135 : i32 to index
        %parallel_loop3A_137 = arith.index_cast %parallel_loop3A_98 : i32 to index
        %parallel_loop3A_138 = tpu.vector_load %arg5[%parallel_loop3A_136, %parallel_loop3A_137] {strides = array<i32>} : memref<8x1024xf32, #tpu.memory_space<vmem>>, vector<16xf32>,
        %parallel_loop3A_139 = arith.constant 2.000000e+01 : f32
        %parallel_loop3A_140 = vector.broadcast %parallel_loop3A_139 : f32 to vector<16xf32>
        %parallel_loop3A_141 = arith.mulf %parallel_loop3A_138, %parallel_loop3A_140 : vector<16xf32>
        %parallel_loop3A_142 = arith.fptosi %parallel_loop3A_141 : vector<16xf32> to vector<16xi32>
        %parallel_loop3A_143 = arith.constant 16 : i32
        %parallel_loop3A_144 = vector.broadcast %parallel_loop3A_143 : i32 to vector<16xi32>
        %parallel_loop3A_145 = arith.muli %parallel_loop3A_142, %parallel_loop3A_144 : vector<16xi32>
        %parallel_loop3A_146 = arith.addi %parallel_loop3A_145, %add3A_27 : vector<16xi32>
        tpu.vector_store_idx %arg7[%parallel_loop3A_146], %broadcast_in_dim3A_3 {add = true} : memref<2560xf32, #tpu.memory_space<vmem>>[vector<16xi32>], vector<16xf32>,
      } {sc.loop_unroll_factor = 8 : i64, sc.parallel_access}
      %scan3A_97 = arith.constant 0 : i32
      scf.yield %scan3A_97 : i32
    }
    %scan3A_40 = arith.constant 30 : i32
    %dma_wait3A = arith.constant 0 : i32
    %dma_wait3A_41 = arith.constant 0 : i32
    %dma_wait3A_42 = tpu.memref_slice %arg2[%dma_wait3A, %dma_wait3A_41] : memref<8x2000000xf32, #tpu.memory_space<hbm>> -> memref<8x1024xf32, #tpu.memory_space<hbm>>
    %dma_wait3A_43 = arith.constant 0 : i32
    %dma_wait3A_44 = arith.constant 0 : i32
    %dma_wait3A_45 = tpu.memref_slice %arg2[%dma_wait3A_43, %dma_wait3A_44] : memref<8x2000000xf32, #tpu.memory_space<hbm>> -> memref<8x1024xf32, #tpu.memory_space<hbm>>
    tpu.wait_dma2 semaphore(%arg8 : memref<!tpu.dma_semaphore, #tpu.memory_space<semaphore_mem>>) src(%dma_wait3A_45 : memref<8x1024xf32, #tpu.memory_space<hbm>>) dst(%arg4 : memref<8x1024xf32, #tpu.memory_space<vmem>>)
    %parallel_loop3A_46 = arith.constant 0 : i32
    %parallel_loop3A_47 = arith.constant 1024 : i32
    %parallel_loop3A_48 = arith.constant 16 : i32
    scf.for %parallel_loop3A_56 = %parallel_loop3A_46 to %parallel_loop3A_47 step %parallel_loop3A_48  : i32 {
      %parallel_loop3A_57 = arith.constant 0 : i32
      %parallel_loop3A_58 = arith.index_cast %parallel_loop3A_57 : i32 to index
      %parallel_loop3A_59 = arith.index_cast %parallel_loop3A_56 : i32 to index
      %parallel_loop3A_60 = tpu.vector_load %arg4[%parallel_loop3A_58, %parallel_loop3A_59] {strides = array<i32>} : memref<8x1024xf32, #tpu.memory_space<vmem>>, vector<16xf32>,
      %parallel_loop3A_61 = arith.constant 2.000000e+01 : f32
      %parallel_loop3A_62 = vector.broadcast %parallel_loop3A_61 : f32 to vector<16xf32>
      %parallel_loop3A_63 = arith.mulf %parallel_loop3A_60, %parallel_loop3A_62 : vector<16xf32>
      %parallel_loop3A_64 = arith.fptosi %parallel_loop3A_63 : vector<16xf32> to vector<16xi32>
      %parallel_loop3A_65 = arith.constant 16 : i32
      %parallel_loop3A_66 = vector.broadcast %parallel_loop3A_65 : i32 to vector<16xi32>
      %parallel_loop3A_67 = arith.muli %parallel_loop3A_64, %parallel_loop3A_66 : vector<16xi32>
      %parallel_loop3A_68 = arith.addi %parallel_loop3A_67, %add3A_6 : vector<16xi32>
      tpu.vector_store_idx %arg7[%parallel_loop3A_68], %broadcast_in_dim3A_3 {add = true} : memref<2560xf32, #tpu.memory_space<vmem>>[vector<16xi32>], vector<16xf32>,
      %parallel_loop3A_69 = arith.constant 1 : i32
      %parallel_loop3A_70 = arith.index_cast %parallel_loop3A_69 : i32 to index
      %parallel_loop3A_71 = arith.index_cast %parallel_loop3A_56 : i32 to index
      %parallel_loop3A_72 = tpu.vector_load %arg4[%parallel_loop3A_70, %parallel_loop3A_71] {strides = array<i32>} : memref<8x1024xf32, #tpu.memory_space<vmem>>, vector<16xf32>,
      %parallel_loop3A_73 = arith.constant 2.000000e+01 : f32
      %parallel_loop3A_74 = vector.broadcast %parallel_loop3A_73 : f32 to vector<16xf32>
      %parallel_loop3A_75 = arith.mulf %parallel_loop3A_72, %parallel_loop3A_74 : vector<16xf32>
      %parallel_loop3A_76 = arith.fptosi %parallel_loop3A_75 : vector<16xf32> to vector<16xi32>
      %parallel_loop3A_77 = arith.constant 16 : i32
      %parallel_loop3A_78 = vector.broadcast %parallel_loop3A_77 : i32 to vector<16xi32>
      %parallel_loop3A_79 = arith.muli %parallel_loop3A_76, %parallel_loop3A_78 : vector<16xi32>
      %parallel_loop3A_80 = arith.addi %parallel_loop3A_79, %add3A_9 : vector<16xi32>
      tpu.vector_store_idx %arg7[%parallel_loop3A_80], %broadcast_in_dim3A_3 {add = true} : memref<2560xf32, #tpu.memory_space<vmem>>[vector<16xi32>], vector<16xf32>,
      %parallel_loop3A_81 = arith.constant 2 : i32
      %parallel_loop3A_82 = arith.index_cast %parallel_loop3A_81 : i32 to index
      %parallel_loop3A_83 = arith.index_cast %parallel_loop3A_56 : i32 to index
      %parallel_loop3A_84 = tpu.vector_load %arg4[%parallel_loop3A_82, %parallel_loop3A_83] {strides = array<i32>} : memref<8x1024xf32, #tpu.memory_space<vmem>>, vector<16xf32>,
      %parallel_loop3A_85 = arith.constant 2.000000e+01 : f32
      %parallel_loop3A_86 = vector.broadcast %parallel_loop3A_85 : f32 to vector<16xf32>
      %parallel_loop3A_87 = arith.mulf %parallel_loop3A_84, %parallel_loop3A_86 : vector<16xf32>
      %parallel_loop3A_88 = arith.fptosi %parallel_loop3A_87 : vector<16xf32> to vector<16xi32>
      %parallel_loop3A_89 = arith.constant 16 : i32
      %parallel_loop3A_90 = vector.broadcast %parallel_loop3A_89 : i32 to vector<16xi32>
      %parallel_loop3A_91 = arith.muli %parallel_loop3A_88, %parallel_loop3A_90 : vector<16xi32>
      %parallel_loop3A_92 = arith.addi %parallel_loop3A_91, %add3A_12 : vector<16xi32>
      tpu.vector_store_idx %arg7[%parallel_loop3A_92], %broadcast_in_dim3A_3 {add = true} : memref<2560xf32, #tpu.memory_space<vmem>>[vector<16xi32>], vector<16xf32>,
      %parallel_loop3A_93 = arith.constant 3 : i32
      %parallel_loop3A_94 = arith.index_cast %parallel_loop3A_93 : i32 to index
      %parallel_loop3A_95 = arith.index_cast %parallel_loop3A_56 : i32 to index
      %parallel_loop3A_96 = tpu.vector_load %arg4[%parallel_loop3A_94, %parallel_loop3A_95] {strides = array<i32>} : memref<8x1024xf32, #tpu.memory_space<vmem>>, vector<16xf32>,
      %parallel_loop3A_97 = arith.constant 2.000000e+01 : f32
      %parallel_loop3A_98 = vector.broadcast %parallel_loop3A_97 : f32 to vector<16xf32>
      %parallel_loop3A_99 = arith.mulf %parallel_loop3A_96, %parallel_loop3A_98 : vector<16xf32>
      %parallel_loop3A_100 = arith.fptosi %parallel_loop3A_99 : vector<16xf32> to vector<16xi32>
      %parallel_loop3A_101 = arith.constant 16 : i32
      %parallel_loop3A_102 = vector.broadcast %parallel_loop3A_101 : i32 to vector<16xi32>
      %parallel_loop3A_103 = arith.muli %parallel_loop3A_100, %parallel_loop3A_102 : vector<16xi32>
      %parallel_loop3A_104 = arith.addi %parallel_loop3A_103, %add3A_15 : vector<16xi32>
      tpu.vector_store_idx %arg7[%parallel_loop3A_104], %broadcast_in_dim3A_3 {add = true} : memref<2560xf32, #tpu.memory_space<vmem>>[vector<16xi32>], vector<16xf32>,
    } {sc.loop_unroll_factor = 8 : i64, sc.parallel_access}
    %parallel_loop3A_49 = arith.constant 0 : i32
    %parallel_loop3A_50 = arith.constant 1024 : i32
    %parallel_loop3A_51 = arith.constant 16 : i32
    scf.for %parallel_loop3A_56 = %parallel_loop3A_49 to %parallel_loop3A_50 step %parallel_loop3A_51  : i32 {
      %parallel_loop3A_57 = arith.constant 4 : i32
      %parallel_loop3A_58 = arith.index_cast %parallel_loop3A_57 : i32 to index
      %parallel_loop3A_59 = arith.index_cast %parallel_loop3A_56 : i32 to index
      %parallel_loop3A_60 = tpu.vector_load %arg4[%parallel_loop3A_58, %parallel_loop3A_59] {strides = array<i32>} : memref<8x1024xf32, #tpu.memory_space<vmem>>, vector<16xf32>,
      %parallel_loop3A_61 = arith.constant 2.000000e+01 : f32
      %parallel_loop3A_62 = vector.broadcast %parallel_loop3A_61 : f32 to vector<16xf32>
      %parallel_loop3A_63 = arith.mulf %parallel_loop3A_60, %parallel_loop3A_62 : vector<16xf32>
      %parallel_loop3A_64 = arith.fptosi %parallel_loop3A_63 : vector<16xf32> to vector<16xi32>
      %parallel_loop3A_65 = arith.constant 16 : i32
      %parallel_loop3A_66 = vector.broadcast %parallel_loop3A_65 : i32 to vector<16xi32>
      %parallel_loop3A_67 = arith.muli %parallel_loop3A_64, %parallel_loop3A_66 : vector<16xi32>
      %parallel_loop3A_68 = arith.addi %parallel_loop3A_67, %add3A_18 : vector<16xi32>
      tpu.vector_store_idx %arg7[%parallel_loop3A_68], %broadcast_in_dim3A_3 {add = true} : memref<2560xf32, #tpu.memory_space<vmem>>[vector<16xi32>], vector<16xf32>,
      %parallel_loop3A_69 = arith.constant 5 : i32
      %parallel_loop3A_70 = arith.index_cast %parallel_loop3A_69 : i32 to index
      %parallel_loop3A_71 = arith.index_cast %parallel_loop3A_56 : i32 to index
      %parallel_loop3A_72 = tpu.vector_load %arg4[%parallel_loop3A_70, %parallel_loop3A_71] {strides = array<i32>} : memref<8x1024xf32, #tpu.memory_space<vmem>>, vector<16xf32>,
      %parallel_loop3A_73 = arith.constant 2.000000e+01 : f32
      %parallel_loop3A_74 = vector.broadcast %parallel_loop3A_73 : f32 to vector<16xf32>
      %parallel_loop3A_75 = arith.mulf %parallel_loop3A_72, %parallel_loop3A_74 : vector<16xf32>
      %parallel_loop3A_76 = arith.fptosi %parallel_loop3A_75 : vector<16xf32> to vector<16xi32>
      %parallel_loop3A_77 = arith.constant 16 : i32
      %parallel_loop3A_78 = vector.broadcast %parallel_loop3A_77 : i32 to vector<16xi32>
      %parallel_loop3A_79 = arith.muli %parallel_loop3A_76, %parallel_loop3A_78 : vector<16xi32>
      %parallel_loop3A_80 = arith.addi %parallel_loop3A_79, %add3A_21 : vector<16xi32>
      tpu.vector_store_idx %arg7[%parallel_loop3A_80], %broadcast_in_dim3A_3 {add = true} : memref<2560xf32, #tpu.memory_space<vmem>>[vector<16xi32>], vector<16xf32>,
      %parallel_loop3A_81 = arith.constant 6 : i32
      %parallel_loop3A_82 = arith.index_cast %parallel_loop3A_81 : i32 to index
      %parallel_loop3A_83 = arith.index_cast %parallel_loop3A_56 : i32 to index
      %parallel_loop3A_84 = tpu.vector_load %arg4[%parallel_loop3A_82, %parallel_loop3A_83] {strides = array<i32>} : memref<8x1024xf32, #tpu.memory_space<vmem>>, vector<16xf32>,
      %parallel_loop3A_85 = arith.constant 2.000000e+01 : f32
      %parallel_loop3A_86 = vector.broadcast %parallel_loop3A_85 : f32 to vector<16xf32>
      %parallel_loop3A_87 = arith.mulf %parallel_loop3A_84, %parallel_loop3A_86 : vector<16xf32>
      %parallel_loop3A_88 = arith.fptosi %parallel_loop3A_87 : vector<16xf32> to vector<16xi32>
      %parallel_loop3A_89 = arith.constant 16 : i32
      %parallel_loop3A_90 = vector.broadcast %parallel_loop3A_89 : i32 to vector<16xi32>
      %parallel_loop3A_91 = arith.muli %parallel_loop3A_88, %parallel_loop3A_90 : vector<16xi32>
      %parallel_loop3A_92 = arith.addi %parallel_loop3A_91, %add3A_24 : vector<16xi32>
      tpu.vector_store_idx %arg7[%parallel_loop3A_92], %broadcast_in_dim3A_3 {add = true} : memref<2560xf32, #tpu.memory_space<vmem>>[vector<16xi32>], vector<16xf32>,
      %parallel_loop3A_93 = arith.constant 7 : i32
      %parallel_loop3A_94 = arith.index_cast %parallel_loop3A_93 : i32 to index
      %parallel_loop3A_95 = arith.index_cast %parallel_loop3A_56 : i32 to index
      %parallel_loop3A_96 = tpu.vector_load %arg4[%parallel_loop3A_94, %parallel_loop3A_95] {strides = array<i32>} : memref<8x1024xf32, #tpu.memory_space<vmem>>, vector<16xf32>,
      %parallel_loop3A_97 = arith.constant 2.000000e+01 : f32
      %parallel_loop3A_98 = vector.broadcast %parallel_loop3A_97 : f32 to vector<16xf32>
      %parallel_loop3A_99 = arith.mulf %parallel_loop3A_96, %parallel_loop3A_98 : vector<16xf32>
      %parallel_loop3A_100 = arith.fptosi %parallel_loop3A_99 : vector<16xf32> to vector<16xi32>
      %parallel_loop3A_101 = arith.constant 16 : i32
      %parallel_loop3A_102 = vector.broadcast %parallel_loop3A_101 : i32 to vector<16xi32>
      %parallel_loop3A_103 = arith.muli %parallel_loop3A_100, %parallel_loop3A_102 : vector<16xi32>
      %parallel_loop3A_104 = arith.addi %parallel_loop3A_103, %add3A_27 : vector<16xi32>
      tpu.vector_store_idx %arg7[%parallel_loop3A_104], %broadcast_in_dim3A_3 {add = true} : memref<2560xf32, #tpu.memory_space<vmem>>[vector<16xi32>], vector<16xf32>,
    } {sc.loop_unroll_factor = 8 : i64, sc.parallel_access}
    %lt3A = arith.constant 9 : i32
    %lt3A_52 = arith.cmpi slt, %add3A, %lt3A : i32
    %convert_element_type3A = arith.extui %lt3A_52 : i1 to i32
    %cond3A = arith.constant 0 : i32
    %cond3A_53 = arith.cmpi ne, %convert_element_type3A, %cond3A : i32
    scf.if %cond3A_53 {
      %add3A_56 = arith.constant 15616 : i32
      %add3A_57 = arith.addi %add3A_56, %add3A : i32
      %mul3A_58 = arith.constant 128 : i32
      %mul3A_59 = arith.muli %add3A_57, %mul3A_58 : i32
      %multiple_of3A_60 = tpu.assume_multiple %mul3A_59, 128 : i32
      "tpu.region"() ({
        %run_scoped3A = tpu.sem_alloc : memref<!tpu.dma_semaphore, #tpu.memory_space<semaphore_mem>>
        %dma_start3A_67 = arith.constant 0 : i32
        %dma_start3A_68 = tpu.memref_slice %arg2[%dma_start3A_67, %multiple_of3A_60] : memref<8x2000000xf32, #tpu.memory_space<hbm>> -> memref<8x128xf32, #tpu.memory_space<hbm>>
        %dma_start3A_69 = arith.constant 0 : i32
        %dma_start3A_70 = tpu.memref_slice %arg2[%dma_start3A_69, %multiple_of3A_60] : memref<8x2000000xf32, #tpu.memory_space<hbm>> -> memref<8x128xf32, #tpu.memory_space<hbm>>
        tpu.enqueue_dma source(%dma_start3A_70 : memref<8x128xf32, #tpu.memory_space<hbm>>) target(%arg6 : memref<8x128xf32, #tpu.memory_space<vmem>>) target_semaphore(%run_scoped3A : memref<!tpu.dma_semaphore, #tpu.memory_space<semaphore_mem>>)
        %dma_wait3A_71 = arith.constant 0 : i32
        %dma_wait3A_72 = tpu.memref_slice %arg2[%dma_wait3A_71, %multiple_of3A_60] : memref<8x2000000xf32, #tpu.memory_space<hbm>> -> memref<8x128xf32, #tpu.memory_space<hbm>>
        %dma_wait3A_73 = arith.constant 0 : i32
        %dma_wait3A_74 = tpu.memref_slice %arg2[%dma_wait3A_73, %multiple_of3A_60] : memref<8x2000000xf32, #tpu.memory_space<hbm>> -> memref<8x128xf32, #tpu.memory_space<hbm>>
        tpu.wait_dma2 semaphore(%run_scoped3A : memref<!tpu.dma_semaphore, #tpu.memory_space<semaphore_mem>>) src(%dma_wait3A_74 : memref<8x128xf32, #tpu.memory_space<hbm>>) dst(%arg6 : memref<8x128xf32, #tpu.memory_space<vmem>>)
        tpu.yield
      }) : () -> ()
      %parallel_loop3A_61 = arith.constant 0 : i32
      %parallel_loop3A_62 = arith.constant 128 : i32
      %parallel_loop3A_63 = arith.constant 16 : i32
      scf.for %parallel_loop3A_67 = %parallel_loop3A_61 to %parallel_loop3A_62 step %parallel_loop3A_63  : i32 {
        %parallel_loop3A_68 = arith.constant 0 : i32
        %parallel_loop3A_69 = arith.index_cast %parallel_loop3A_68 : i32 to index
        %parallel_loop3A_70 = arith.index_cast %parallel_loop3A_67 : i32 to index
        %parallel_loop3A_71 = tpu.vector_load %arg6[%parallel_loop3A_69, %parallel_loop3A_70] {strides = array<i32>} : memref<8x128xf32, #tpu.memory_space<vmem>>, vector<16xf32>,
        %parallel_loop3A_72 = arith.constant 2.000000e+01 : f32
        %parallel_loop3A_73 = vector.broadcast %parallel_loop3A_72 : f32 to vector<16xf32>
        %parallel_loop3A_74 = arith.mulf %parallel_loop3A_71, %parallel_loop3A_73 : vector<16xf32>
        %parallel_loop3A_75 = arith.fptosi %parallel_loop3A_74 : vector<16xf32> to vector<16xi32>
        %parallel_loop3A_76 = arith.constant 16 : i32
        %parallel_loop3A_77 = vector.broadcast %parallel_loop3A_76 : i32 to vector<16xi32>
        %parallel_loop3A_78 = arith.muli %parallel_loop3A_75, %parallel_loop3A_77 : vector<16xi32>
        %parallel_loop3A_79 = arith.addi %parallel_loop3A_78, %add3A_6 : vector<16xi32>
        tpu.vector_store_idx %arg7[%parallel_loop3A_79], %broadcast_in_dim3A_3 {add = true} : memref<2560xf32, #tpu.memory_space<vmem>>[vector<16xi32>], vector<16xf32>,
        %parallel_loop3A_80 = arith.constant 1 : i32
        %parallel_loop3A_81 = arith.index_cast %parallel_loop3A_80 : i32 to index
        %parallel_loop3A_82 = arith.index_cast %parallel_loop3A_67 : i32 to index
        %parallel_loop3A_83 = tpu.vector_load %arg6[%parallel_loop3A_81, %parallel_loop3A_82] {strides = array<i32>} : memref<8x128xf32, #tpu.memory_space<vmem>>, vector<16xf32>,
        %parallel_loop3A_84 = arith.constant 2.000000e+01 : f32
        %parallel_loop3A_85 = vector.broadcast %parallel_loop3A_84 : f32 to vector<16xf32>
        %parallel_loop3A_86 = arith.mulf %parallel_loop3A_83, %parallel_loop3A_85 : vector<16xf32>
        %parallel_loop3A_87 = arith.fptosi %parallel_loop3A_86 : vector<16xf32> to vector<16xi32>
        %parallel_loop3A_88 = arith.constant 16 : i32
        %parallel_loop3A_89 = vector.broadcast %parallel_loop3A_88 : i32 to vector<16xi32>
        %parallel_loop3A_90 = arith.muli %parallel_loop3A_87, %parallel_loop3A_89 : vector<16xi32>
        %parallel_loop3A_91 = arith.addi %parallel_loop3A_90, %add3A_9 : vector<16xi32>
        tpu.vector_store_idx %arg7[%parallel_loop3A_91], %broadcast_in_dim3A_3 {add = true} : memref<2560xf32, #tpu.memory_space<vmem>>[vector<16xi32>], vector<16xf32>,
        %parallel_loop3A_92 = arith.constant 2 : i32
        %parallel_loop3A_93 = arith.index_cast %parallel_loop3A_92 : i32 to index
        %parallel_loop3A_94 = arith.index_cast %parallel_loop3A_67 : i32 to index
        %parallel_loop3A_95 = tpu.vector_load %arg6[%parallel_loop3A_93, %parallel_loop3A_94] {strides = array<i32>} : memref<8x128xf32, #tpu.memory_space<vmem>>, vector<16xf32>,
        %parallel_loop3A_96 = arith.constant 2.000000e+01 : f32
        %parallel_loop3A_97 = vector.broadcast %parallel_loop3A_96 : f32 to vector<16xf32>
        %parallel_loop3A_98 = arith.mulf %parallel_loop3A_95, %parallel_loop3A_97 : vector<16xf32>
        %parallel_loop3A_99 = arith.fptosi %parallel_loop3A_98 : vector<16xf32> to vector<16xi32>
        %parallel_loop3A_100 = arith.constant 16 : i32
        %parallel_loop3A_101 = vector.broadcast %parallel_loop3A_100 : i32 to vector<16xi32>
        %parallel_loop3A_102 = arith.muli %parallel_loop3A_99, %parallel_loop3A_101 : vector<16xi32>
        %parallel_loop3A_103 = arith.addi %parallel_loop3A_102, %add3A_12 : vector<16xi32>
        tpu.vector_store_idx %arg7[%parallel_loop3A_103], %broadcast_in_dim3A_3 {add = true} : memref<2560xf32, #tpu.memory_space<vmem>>[vector<16xi32>], vector<16xf32>,
        %parallel_loop3A_104 = arith.constant 3 : i32
        %parallel_loop3A_105 = arith.index_cast %parallel_loop3A_104 : i32 to index
        %parallel_loop3A_106 = arith.index_cast %parallel_loop3A_67 : i32 to index
        %parallel_loop3A_107 = tpu.vector_load %arg6[%parallel_loop3A_105, %parallel_loop3A_106] {strides = array<i32>} : memref<8x128xf32, #tpu.memory_space<vmem>>, vector<16xf32>,
        %parallel_loop3A_108 = arith.constant 2.000000e+01 : f32
        %parallel_loop3A_109 = vector.broadcast %parallel_loop3A_108 : f32 to vector<16xf32>
        %parallel_loop3A_110 = arith.mulf %parallel_loop3A_107, %parallel_loop3A_109 : vector<16xf32>
        %parallel_loop3A_111 = arith.fptosi %parallel_loop3A_110 : vector<16xf32> to vector<16xi32>
        %parallel_loop3A_112 = arith.constant 16 : i32
        %parallel_loop3A_113 = vector.broadcast %parallel_loop3A_112 : i32 to vector<16xi32>
        %parallel_loop3A_114 = arith.muli %parallel_loop3A_111, %parallel_loop3A_113 : vector<16xi32>
        %parallel_loop3A_115 = arith.addi %parallel_loop3A_114, %add3A_15 : vector<16xi32>
        tpu.vector_store_idx %arg7[%parallel_loop3A_115], %broadcast_in_dim3A_3 {add = true} : memref<2560xf32, #tpu.memory_space<vmem>>[vector<16xi32>], vector<16xf32>,
      } {sc.loop_unroll_factor = 8 : i64, sc.parallel_access}
      %parallel_loop3A_64 = arith.constant 0 : i32
      %parallel_loop3A_65 = arith.constant 128 : i32
      %parallel_loop3A_66 = arith.constant 16 : i32
      scf.for %parallel_loop3A_67 = %parallel_loop3A_64 to %parallel_loop3A_65 step %parallel_loop3A_66  : i32 {
        %parallel_loop3A_68 = arith.constant 4 : i32
        %parallel_loop3A_69 = arith.index_cast %parallel_loop3A_68 : i32 to index
        %parallel_loop3A_70 = arith.index_cast %parallel_loop3A_67 : i32 to index
        %parallel_loop3A_71 = tpu.vector_load %arg6[%parallel_loop3A_69, %parallel_loop3A_70] {strides = array<i32>} : memref<8x128xf32, #tpu.memory_space<vmem>>, vector<16xf32>,
        %parallel_loop3A_72 = arith.constant 2.000000e+01 : f32
        %parallel_loop3A_73 = vector.broadcast %parallel_loop3A_72 : f32 to vector<16xf32>
        %parallel_loop3A_74 = arith.mulf %parallel_loop3A_71, %parallel_loop3A_73 : vector<16xf32>
        %parallel_loop3A_75 = arith.fptosi %parallel_loop3A_74 : vector<16xf32> to vector<16xi32>
        %parallel_loop3A_76 = arith.constant 16 : i32
        %parallel_loop3A_77 = vector.broadcast %parallel_loop3A_76 : i32 to vector<16xi32>
        %parallel_loop3A_78 = arith.muli %parallel_loop3A_75, %parallel_loop3A_77 : vector<16xi32>
        %parallel_loop3A_79 = arith.addi %parallel_loop3A_78, %add3A_18 : vector<16xi32>
        tpu.vector_store_idx %arg7[%parallel_loop3A_79], %broadcast_in_dim3A_3 {add = true} : memref<2560xf32, #tpu.memory_space<vmem>>[vector<16xi32>], vector<16xf32>,
        %parallel_loop3A_80 = arith.constant 5 : i32
        %parallel_loop3A_81 = arith.index_cast %parallel_loop3A_80 : i32 to index
        %parallel_loop3A_82 = arith.index_cast %parallel_loop3A_67 : i32 to index
        %parallel_loop3A_83 = tpu.vector_load %arg6[%parallel_loop3A_81, %parallel_loop3A_82] {strides = array<i32>} : memref<8x128xf32, #tpu.memory_space<vmem>>, vector<16xf32>,
        %parallel_loop3A_84 = arith.constant 2.000000e+01 : f32
        %parallel_loop3A_85 = vector.broadcast %parallel_loop3A_84 : f32 to vector<16xf32>
        %parallel_loop3A_86 = arith.mulf %parallel_loop3A_83, %parallel_loop3A_85 : vector<16xf32>
        %parallel_loop3A_87 = arith.fptosi %parallel_loop3A_86 : vector<16xf32> to vector<16xi32>
        %parallel_loop3A_88 = arith.constant 16 : i32
        %parallel_loop3A_89 = vector.broadcast %parallel_loop3A_88 : i32 to vector<16xi32>
        %parallel_loop3A_90 = arith.muli %parallel_loop3A_87, %parallel_loop3A_89 : vector<16xi32>
        %parallel_loop3A_91 = arith.addi %parallel_loop3A_90, %add3A_21 : vector<16xi32>
        tpu.vector_store_idx %arg7[%parallel_loop3A_91], %broadcast_in_dim3A_3 {add = true} : memref<2560xf32, #tpu.memory_space<vmem>>[vector<16xi32>], vector<16xf32>,
        %parallel_loop3A_92 = arith.constant 6 : i32
        %parallel_loop3A_93 = arith.index_cast %parallel_loop3A_92 : i32 to index
        %parallel_loop3A_94 = arith.index_cast %parallel_loop3A_67 : i32 to index
        %parallel_loop3A_95 = tpu.vector_load %arg6[%parallel_loop3A_93, %parallel_loop3A_94] {strides = array<i32>} : memref<8x128xf32, #tpu.memory_space<vmem>>, vector<16xf32>,
        %parallel_loop3A_96 = arith.constant 2.000000e+01 : f32
        %parallel_loop3A_97 = vector.broadcast %parallel_loop3A_96 : f32 to vector<16xf32>
        %parallel_loop3A_98 = arith.mulf %parallel_loop3A_95, %parallel_loop3A_97 : vector<16xf32>
        %parallel_loop3A_99 = arith.fptosi %parallel_loop3A_98 : vector<16xf32> to vector<16xi32>
        %parallel_loop3A_100 = arith.constant 16 : i32
        %parallel_loop3A_101 = vector.broadcast %parallel_loop3A_100 : i32 to vector<16xi32>
        %parallel_loop3A_102 = arith.muli %parallel_loop3A_99, %parallel_loop3A_101 : vector<16xi32>
        %parallel_loop3A_103 = arith.addi %parallel_loop3A_102, %add3A_24 : vector<16xi32>
        tpu.vector_store_idx %arg7[%parallel_loop3A_103], %broadcast_in_dim3A_3 {add = true} : memref<2560xf32, #tpu.memory_space<vmem>>[vector<16xi32>], vector<16xf32>,
        %parallel_loop3A_104 = arith.constant 7 : i32
        %parallel_loop3A_105 = arith.index_cast %parallel_loop3A_104 : i32 to index
        %parallel_loop3A_106 = arith.index_cast %parallel_loop3A_67 : i32 to index
        %parallel_loop3A_107 = tpu.vector_load %arg6[%parallel_loop3A_105, %parallel_loop3A_106] {strides = array<i32>} : memref<8x128xf32, #tpu.memory_space<vmem>>, vector<16xf32>,
        %parallel_loop3A_108 = arith.constant 2.000000e+01 : f32
        %parallel_loop3A_109 = vector.broadcast %parallel_loop3A_108 : f32 to vector<16xf32>
        %parallel_loop3A_110 = arith.mulf %parallel_loop3A_107, %parallel_loop3A_109 : vector<16xf32>
        %parallel_loop3A_111 = arith.fptosi %parallel_loop3A_110 : vector<16xf32> to vector<16xi32>
        %parallel_loop3A_112 = arith.constant 16 : i32
        %parallel_loop3A_113 = vector.broadcast %parallel_loop3A_112 : i32 to vector<16xi32>
        %parallel_loop3A_114 = arith.muli %parallel_loop3A_111, %parallel_loop3A_113 : vector<16xi32>
        %parallel_loop3A_115 = arith.addi %parallel_loop3A_114, %add3A_27 : vector<16xi32>
        tpu.vector_store_idx %arg7[%parallel_loop3A_115], %broadcast_in_dim3A_3 {add = true} : memref<2560xf32, #tpu.memory_space<vmem>>[vector<16xi32>], vector<16xf32>,
      } {sc.loop_unroll_factor = 8 : i64, sc.parallel_access}
    } else {
    }
    %mul3A_54 = arith.constant 2560 : i32
    %mul3A_55 = arith.muli %add3A, %mul3A_54 : i32
    "tpu.region"() ({
      %run_scoped3A = tpu.sem_alloc : memref<!tpu.dma_semaphore, #tpu.memory_space<semaphore_mem>>
      %dma_start3A_56 = tpu.memref_slice %arg3[%mul3A_55] : memref<81920xf32, #tpu.memory_space<hbm>> -> memref<2560xf32, #tpu.memory_space<hbm>>
      %dma_start3A_57 = tpu.memref_slice %arg3[%mul3A_55] : memref<81920xf32, #tpu.memory_space<hbm>> -> memref<2560xf32, #tpu.memory_space<hbm>>
      tpu.enqueue_dma source(%arg7 : memref<2560xf32, #tpu.memory_space<vmem>>) target(%dma_start3A_57 : memref<2560xf32, #tpu.memory_space<hbm>>) target_semaphore(%run_scoped3A : memref<!tpu.dma_semaphore, #tpu.memory_space<semaphore_mem>>)
      %dma_wait3A_58 = tpu.memref_slice %arg3[%mul3A_55] : memref<81920xf32, #tpu.memory_space<hbm>> -> memref<2560xf32, #tpu.memory_space<hbm>>
      %dma_wait3A_59 = tpu.memref_slice %arg3[%mul3A_55] : memref<81920xf32, #tpu.memory_space<hbm>> -> memref<2560xf32, #tpu.memory_space<hbm>>
      tpu.wait_dma2 semaphore(%run_scoped3A : memref<!tpu.dma_semaphore, #tpu.memory_space<semaphore_mem>>) src(%arg7 : memref<2560xf32, #tpu.memory_space<vmem>>) dst(%dma_wait3A_59 : memref<2560xf32, #tpu.memory_space<hbm>>)
      tpu.yield
    }) : () -> ()
    return
  }
}

module attributes {stable_mosaic.version = 14 : i64} {
  func.func @_entropy_kernel(%arg0: memref<32x8x320xf32, #tpu.memory_space<vmem>>, %arg1: memref<1x1xf32, #tpu.memory_space<smem>>) attributes {dimension_semantics = [], scalar_prefetch = 0 : i64, scratch_operands = 0 : i64, tpu.core_type = #tpu.core_type<tc>} {
    %get3A = arith.constant 0 : index
    %get3A_0 = arith.constant 0 : index
    %get3A_1 = arith.constant 0 : index
    %get3A_2 = vector.load %arg0[%get3A, %get3A_0, %get3A_1] : memref<32x8x320xf32, #tpu.memory_space<vmem>>, vector<32x8x320xf32>
    %reduce_sum3A = arith.constant dense<0.000000e+00> : vector<8x320xf32>
    %reduce_sum3A_3 = vector.multi_reduction <add>, %get3A_2, %reduce_sum3A [0] : vector<32x8x320xf32> to vector<8x320xf32>
    %iota3A = tpu.iota {dimensions = array<i32: 0>} : vector<320x20xi32>
    %jit3A = arith.constant 16 : i32
    %div3A = vector.broadcast %jit3A : i32 to vector<320x20xi32>
    %div3A_4 = arith.divsi %iota3A, %div3A : vector<320x20xi32>
    %sign3A = arith.constant 0 : i32
    %sign3A_5 = vector.broadcast %sign3A : i32 to vector<320x20xi32>
    %sign3A_6 = arith.cmpi sgt, %iota3A, %sign3A_5 : vector<320x20xi32>
    %sign3A_7 = arith.extui %sign3A_6 : vector<320x20xi1> to vector<320x20xi32>
    %sign3A_8 = arith.constant 0 : i32
    %sign3A_9 = vector.broadcast %sign3A_8 : i32 to vector<320x20xi32>
    %sign3A_10 = arith.cmpi slt, %iota3A, %sign3A_9 : vector<320x20xi32>
    %sign3A_11 = arith.extui %sign3A_10 : vector<320x20xi1> to vector<320x20xi32>
    %sign3A_12 = arith.subi %sign3A_7, %sign3A_11 : vector<320x20xi32>
    %sign3A_13 = arith.constant 0 : i32
    %sign3A_14 = arith.cmpi sgt, %jit3A, %sign3A_13 : i32
    %sign3A_15 = arith.extui %sign3A_14 : i1 to i32
    %sign3A_16 = arith.constant 0 : i32
    %sign3A_17 = arith.cmpi slt, %jit3A, %sign3A_16 : i32
    %sign3A_18 = arith.extui %sign3A_17 : i1 to i32
    %sign3A_19 = arith.subi %sign3A_15, %sign3A_18 : i32
    %ne3A = vector.broadcast %sign3A_19 : i32 to vector<320x20xi32>
    %ne3A_20 = arith.cmpi ne, %sign3A_12, %ne3A : vector<320x20xi32>
    %rem3A = vector.broadcast %jit3A : i32 to vector<320x20xi32>
    %rem3A_21 = arith.remsi %iota3A, %rem3A : vector<320x20xi32>
    %ne3A_22 = arith.constant 0 : i32
    %ne3A_23 = vector.broadcast %ne3A_22 : i32 to vector<320x20xi32>
    %ne3A_24 = arith.cmpi ne, %rem3A_21, %ne3A_23 : vector<320x20xi32>
    %and3A = arith.andi %ne3A_20, %ne3A_24 : vector<320x20xi1>
    %sub3A = arith.constant 1 : i32
    %sub3A_25 = vector.broadcast %sub3A : i32 to vector<320x20xi32>
    %sub3A_26 = arith.subi %div3A_4, %sub3A_25 : vector<320x20xi32>
    %select_n3A = arith.select %and3A, %sub3A_26, %div3A_4 : vector<320x20xi1>, vector<320x20xi32>
    %iota3A_27 = tpu.iota {dimensions = array<i32: 1>} : vector<320x20xi32>
    %eq3A = arith.cmpi eq, %select_n3A, %iota3A_27 : vector<320x20xi32>
    %convert_element_type3A = arith.extui %eq3A : vector<320x20xi1> to vector<320x20xi32>
    %convert_element_type3A_28 = arith.sitofp %convert_element_type3A : vector<320x20xi32> to vector<320x20xf32>
    %dot_general3A = arith.constant dense<0.000000e+00> : vector<8x20xf32>
    %dot_general3A_29 = tpu.matmul %reduce_sum3A_3, %convert_element_type3A_28, %dot_general3A {dimension_numbers = #tpu.dot_dimension_numbers<[1], [0], [0], [1], [0, 0, 1, 1], [], []>, precision = #tpu.contract_precision<fp32>, transpose_lhs_hint = false} : vector<8x320xf32>, vector<320x20xf32>, vector<8x20xf32> -> vector<8x20xf32>
    %mul3A = arith.constant 5.000000e-07 : f32
    %mul3A_30 = vector.broadcast %mul3A : f32 to vector<8x20xf32>
    %mul3A_31 = arith.mulf %dot_general3A_29, %mul3A_30 : vector<8x20xf32>
    %gt3A = arith.constant 0.000000e+00 : f32
    %gt3A_32 = vector.broadcast %gt3A : f32 to vector<8x20xf32>
    %gt3A_33 = arith.cmpf ogt, %mul3A_31, %gt3A_32 : vector<8x20xf32>
    %jit3A_34 = arith.constant 1.000000e+00 : f32
    %broadcast_in_dim3A = vector.broadcast %jit3A_34 : f32 to vector<8x20xf32>
    %select_n3A_35 = arith.select %gt3A_33, %mul3A_31, %broadcast_in_dim3A : vector<8x20xi1>, vector<8x20xf32>
    %gt3A_36 = arith.constant 0.000000e+00 : f32
    %gt3A_37 = vector.broadcast %gt3A_36 : f32 to vector<8x20xf32>
    %gt3A_38 = arith.cmpf ogt, %mul3A_31, %gt3A_37 : vector<8x20xf32>
    %neg3A = arith.constant 0.000000e+00 : f32
    %neg3A_39 = vector.broadcast %neg3A : f32 to vector<8x20xf32>
    %neg3A_40 = arith.subf %neg3A_39, %mul3A_31 : vector<8x20xf32>
    %log3A = math.log %select_n3A_35 : vector<8x20xf32>
    %log3A_41 = arith.constant 2.000000e+00 : f32
    %log3A_42 = math.log %log3A_41 : f32
    %div3A_43 = vector.broadcast %log3A_42 : f32 to vector<8x20xf32>
    %div3A_44 = arith.divf %log3A, %div3A_43 : vector<8x20xf32>
    %mul3A_45 = arith.mulf %neg3A_40, %div3A_44 : vector<8x20xf32>
    %jit3A_46 = arith.constant 0.000000e+00 : f32
    %broadcast_in_dim3A_47 = vector.broadcast %jit3A_46 : f32 to vector<8x20xf32>
    %select_n3A_48 = arith.select %gt3A_38, %mul3A_45, %broadcast_in_dim3A_47 : vector<8x20xi1>, vector<8x20xf32>
    %reduce_sum3A_49 = vector.shape_cast %select_n3A_48 : vector<8x20xf32> to vector<1x8x20xf32>
    %reduce_sum3A_50 = arith.constant dense<0.000000e+00> : vector<1xf32>
    %reduce_sum3A_51 = vector.multi_reduction <add>, %reduce_sum3A_49, %reduce_sum3A_50 [1, 2] : vector<1x8x20xf32> to vector<1xf32>
    %reduce_sum3A_52 = vector.shape_cast %reduce_sum3A_51 : vector<1xf32> to vector<1x1x1xf32>
    %reduce_sum3A_53 = vector.extract %reduce_sum3A_52[0, 0, 0] : f32 from vector<1x1x1xf32>
    %swap3A = arith.constant 0 : index
    %swap3A_54 = arith.constant 0 : index
    %swap3A_55 = memref.load %arg1[%swap3A, %swap3A_54] : memref<1x1xf32, #tpu.memory_space<smem>>
    memref.store %reduce_sum3A_53, %arg1[%swap3A, %swap3A_54] : memref<1x1xf32, #tpu.memory_space<smem>>
    return
  }
}

</mosaic_0001>

<sc_bundles>
// kernel: kernel.4.cloned.1.call-start
scs
__scs_entry_jumppad:
0x0: {  	(pc) =	sbr.rel $0x88, $3  }
0x1: {  	(tag) =	ssettag $0x0;
	lr =	simm.s32 $0x1  }
0x2: {  	[smem:$0x3FA0] =	sst lr;
	_ =	strace $0xD0000000  }
0x3: {  	_ = 	snop  }
0x4: {  	_ = 	snop  }
0x5: {  	_ = 	snop  }
0x6: {  	_ = 	snop  }
0x7: {  	_ = 	snop  }
__scs_overlays_trampoline_lowered:
0x8: {  	[smem:$0x3FAF] =	sst s0  }
0x9: {  	[smem:$0x3FB0] =	sst s1  }
0xa: {  	[smem:$0x3FB1] =	sst s2  }
0xb: {  	[smem:$0x3FB2] =	sst s3  }
0xc: {  	[smem:$0x3FB3] =	sst s4  }
0xd: {  	[smem:$0x3FB4] =	sst s5  }
0xe: {  	[smem:$0x3FB5] =	sst s6  }
0xf: {  	[smem:$0x3FB6] =	sst s7  }
0x10: {  	[smem:$0x3FB7] =	sst s8  }
0x11: {  	[smem:$0x3FB8] =	sst s9;
	s0 =	simm.s32 @!p0 $0x0  }
0x12: {  	s1 =	sld [smem:$0x3F9E];
	s0 =	simm.s32 @p0 $0x1  }
0x13: {  	[smem:$0x3FB9] =	sst s0;
	s0 =	simm.s32 @!p1 $0x0  }
0x14: {  	s2 =	sld [smem:$0x3F9D];
	s0 =	simm.s32 @p1 $0x1  }
0x15: {  	[smem:$0x3FBA] =	sst s0;
	s0 =	simm.s32 @!p2 $0x0  }
0x16: {  	s3 =	sld [smem:$0x3FDB];
	s0 =	simm.s32 @p2 $0x1  }
0x17: {  	s4 =	simm.s32 $0x1BF5;
	[smem:$0x3FBC] =	sst s0  }
0x18: {  	s0 =	sld [smem:$0x3F9F];
	_ =	swait.ge [sflag:s4], $0x0  }
0x19: {  	s7 =	sld [smem:$0x3FA0]  }
0x1a: {  	s8 =	sadd.s32 $0xFFFFE003, lr  }
0x1b: {  	s9 =	sadd.s32 $0xFFFFFEF7, lr;
	s5 =	simm.s32 $0xFFFFFFFF;
	p2 =	slt.u32 s8, $0xFFFFF086  }
0x1c: {  	p1 =	slt.u32 s9, $0xF7A;
	s5 =	simm.s32 @!p2 $0x0  }
0x1d: {  	s5 =	simm.s32 @p1 $0x1;
	p0 =	seq.s32 s7, s2  }
0x1e: {  	s7 =	smul.u32 @!p0 $0xF7A, s2;
	p2 =	seq.s32 @!p0 s5, $0x0  }
0x1f: {  	s9 =	smul.u32 $0xF7A, s1;
	s8 =	simm.s32 @!p0 $0x1BF5;
	p2 =	por !p2, p0  }
0x20: {  	[sflag:s8] =	ssyncset.s32 @!p0 $0xFFFFF086;
	s6 =	sadd.s32 @!p0 s3, s7;
	s7 =	simm.s32 @!p0 $0x108  }
0x21: {  	s3 =	sadd.s32 s3, s9;
	s6 =	sadd.s32 @!p0 $0x88, s6;
	s7 =	simm.s32 @p2 $0x1082  }
0x22: {  	[simem:s7], [sflag:s8] =	dma.local @!p0 [hbm:s6], $0xF7A  }
0x23: {  	s9 =	sor.u32 $0xD0000000, s2;
	s6 =	simm.s32 $0x108;
	_ =	swait.ge @!p0 [sflag:s8], $0x0  }
0x24: {  	s3 =	sadd.s32 $0x88, s3;
	s6 =	simm.s32 @!p1 $0x1082;
	[sflag:s4] =	ssyncset.s32 $0xFFFFF086  }
0x25: {  	[simem:s6], [sflag:s4] =	dma.local [hbm:s3], $0xF7A  }
0x26: {  	[smem:$0x3FA0] =	sst s1;
	(tag) =	ssettag s2;
	_ =	strace s9  }
0x27: {  	s1 =	sld [smem:$0x3FB0]  }
0x28: {  	s2 =	sld [smem:$0x3FB1]  }
0x29: {  	s4 =	sld [smem:$0x3FB3]  }
0x2a: {  	p0 =	seq.s32 s5, $0x0;
	s5 =	sld [smem:$0x3FB4]  }
0x2b: {  	s6 =	sld [smem:$0x3FB5]  }
0x2c: {  	s7 =	sld [smem:$0x3FB6]  }
0x2d: {  	s3 =	simm.s32 $0x108;
	s8 =	sld [smem:$0x3FB7]  }
0x2e: {  	s3 =	simm.s32 @!p0 $0x1082;
	s9 =	sld [smem:$0x3FB8]  }
0x2f: {  	lr =	sadd.s32 s0, s3;
	s0 =	sld [smem:$0x3FAF]  }
0x30: {  	s3 =	sld [smem:$0x3FB2]  }
0x31: {  	[smem:$0x3FBB] =	sst s10  }
0x32: {  	s10 =	sld [smem:$0x3FB9];
	_ =	sdelay $0x3  }
0x33: {  	p0 =	seq.s32 s10, $0x1;
	s10 =	sld [smem:$0x3FBB];
	_ =	sdelay $0x3  }
0x34: {  	[smem:$0x3FBB] =	sst s10  }
0x35: {  	s10 =	sld [smem:$0x3FBA];
	_ =	sdelay $0x3  }
0x36: {  	p1 =	seq.s32 s10, $0x1;
	s10 =	sld [smem:$0x3FBB];
	_ =	sdelay $0x3  }
0x37: {  	[smem:$0x3FBB] =	sst s10  }
0x38: {  	s10 =	sld [smem:$0x3FBC]  }
0x39: {  	_ = 	snop;
	(pc) =	sbr.ind lr, $3  }
0x3a: {  	_ = 	snop  }
0x3b: {  	_ = 	snop  }
0x3c: {  	p2 =	seq.s32 s10, $0x1;
	s10 =	sld [smem:$0x3FBB]  }
0x3d: {  	_ =	shalt  }
0x3e: {  	_ =	shalt  }
0x3f: {  	_ =	shalt  }
0x40: {  	_ =	shalt  }
0x41: {  	_ =	shalt  }
0x42: {  	_ =	shalt  }
0x43: {  	_ =	shalt  }
0x44: {  	_ =	shalt  }
0x45: {  	_ =	shalt  }
0x46: {  	_ =	shalt  }
0x47: {  	_ =	shalt  }
0x48: {  	_ =	shalt  }
0x49: {  	_ =	shalt  }
0x4a: {  	_ =	shalt  }
0x4b: {  	_ =	shalt  }
0x4c: {  	_ =	shalt  }
0x4d: {  	_ =	shalt  }
0x4e: {  	_ =	shalt  }
0x4f: {  	_ =	shalt  }
0x50: {  	_ =	shalt  }
0x51: {  	_ =	shalt  }
0x52: {  	_ =	shalt  }
0x53: {  	_ =	shalt  }
0x54: {  	_ =	shalt  }
0x55: {  	_ =	shalt  }
0x56: {  	_ =	shalt  }
0x57: {  	_ =	shalt  }
0x58: {  	_ =	shalt  }
0x59: {  	_ =	shalt  }
0x5a: {  	_ =	shalt  }
0x5b: {  	_ =	shalt  }
0x5c: {  	_ =	shalt  }
0x5d: {  	_ =	shalt  }
0x5e: {  	_ =	shalt  }
0x5f: {  	_ =	shalt  }
0x60: {  	_ =	shalt  }
0x61: {  	_ =	shalt  }
0x62: {  	_ =	shalt  }
0x63: {  	_ =	shalt  }
0x64: {  	_ =	shalt  }
0x65: {  	_ =	shalt  }
0x66: {  	_ =	shalt  }
0x67: {  	_ =	shalt  }
0x68: {  	_ =	shalt  }
0x69: {  	_ =	shalt  }
0x6a: {  	_ =	shalt  }
0x6b: {  	_ =	shalt  }
0x6c: {  	_ =	shalt  }
0x6d: {  	_ =	shalt  }
0x6e: {  	_ =	shalt  }
0x6f: {  	_ =	shalt  }
0x70: {  	_ =	shalt  }
0x71: {  	_ =	shalt  }
0x72: {  	_ =	shalt  }
0x73: {  	_ =	shalt  }
0x74: {  	_ =	shalt  }
0x75: {  	_ =	shalt  }
0x76: {  	_ =	shalt  }
0x77: {  	_ =	shalt  }
0x78: {  	_ =	shalt  }
0x79: {  	_ =	shalt  }
0x7a: {  	_ =	shalt  }
0x7b: {  	_ =	shalt  }
0x7c: {  	_ =	shalt  }
0x7d: {  	_ =	shalt  }
0x7e: {  	_ =	shalt  }
0x7f: {  	_ =	shalt  }
0x80: {  	_ =	shalt  }
0x81: {  	_ =	shalt  }
0x82: {  	_ =	shalt  }
0x83: {  	_ =	shalt  }
0x84: {  	_ =	shalt  }
0x85: {  	_ =	shalt  }
0x86: {  	_ =	shalt  }
0x87: {  	_ =	shalt  }
.Lfunc_end0:
.L_simem_size_0:
called_computation_lowered:
.L_overlay_start_0:
0x88: {  	s2 =	sld [smem:$0x3FD9]  }
0x89: {  	s3 =	sld [smem:$0x3FFE];
	_ =	sdelay $0x1  }
0x8a: {  	s1 =	srdreg.scid  }
0x8b: {  	s0 =	sand.u32 $0x1, s1  }
0x8c: {  	s17 =	sshll.u32 s0, $0xA;
	s2 =	sadd.s32 s3, s2  }
0x8d: {  	s2 =	sadd.s32 s2, s17  }
0x8e: {  	[smem:$0x3FC7] =	sst s2  }
0x8f: {  	_ = 	snop  }
0x90: {  	s2 =	sld [smem:$0x3FC9];
	(tm) =	ssettm $0x1  }
0x91: {  	s18 =	sld [smem:$0x3FFB];
	_ =	sdelay $0x3  }
0x92: {  	_ =	strace s18  }
0x93: {  	s3 =	sld [smem:$0x3FFC];
	_ =	sdelay $0x3  }
0x94: {  	_ =	strace s3  }
0x95: {  	s3 =	sld [smem:$0x3FFD];
	_ =	sdelay $0x3  }
0x96: {  	_ =	strace s3  }
0x97: {  	_ =	strace $0x8FFFFFFF  }
0x98: {  	s19 =	sld [smem:$0x3FDB];
	_ =	sdelay $0x1  }
0x99: {  	s4 =	simm.s32 $_scs_section_size  }
0x9a: {  	s5 =	simm.s32 $_size__tile_overlayer_lowered;
	s6 =	simm.s32 $_tile_overlayer_lowered  }
0x9b: {  	s22 =	simm.s32 $0x1BFF;
	s21 =	sshll.u32 s6, $0x1;
	s3 =	sadd.s32 s4, s19  }
0x9c: {  	s7 =	simm.s32 $0x0;
	s20 =	sshll.u32 s5, $0x1;
	s5 =	sadd.s32 s21, s3  }
0x9d: {  	[timem:s7], [sflag:s22] =	dma.local [hbm:s5], s20  }
0x9e: {  	_ =	swait.ge [sflag:s22], s20  }
0x9f: {  	s4 =	ssub.s32 $0x0, s20;
	[sflag:s22] =	ssyncset.done $0x0  }
0xa0: {  	[sflag:s22] =	ssyncadd.s32 s4;
	_ =	sdelay $0x1  }
0xa1: {  	s23 =	simm.s32 $0x1B8B  }
0xa2: {  	_ =	swait.ge [sflag:s23], $0x1  }
0xa3: {  	[sflag:s23] =	ssyncset.done $0x0  }
0xa4: {  	s25 =	simm.s32 $0x1B8E;
	s24 =	sld [smem:$0x3FFE];
	[sflag:s23] =	ssyncadd.s32 $0xFFFFFFFF  }
0xa5: {  	s26 =	simm.s32 $execute0_lowered;
	[smem:$0x3FD2] =	sst s25  }
0xa6: {  	s5 =	sshll.u32 s26, $0x1;
	_ =	strace $0x80000046;
	[dreg:$0x1] =	wrdreg $0xFFFFFFFF  }
0xa7: {  	s28 =	simm.s32 $_size_execute0_lowered;
	s3 =	sadd.s32 s3, s5;
	[dreg:$0x0] =	wrdreg $0x0  }
0xa8: {  	s5 =	sshll.u32 s28, $0x1;
	[dreg:$0x2] =	wrdreg s3  }
0xa9: {  	[dreg:$0x3] =	wrdreg s5  }
0xaa: {  	[dreg:$0x4] =	wrdreg $0xC0  }
0xab: {  	_ =	task [dreg:s7], $0x5FFFF  }
0xac: {  	[dreg:$0x1] =	wrdreg $0xFFFFFFFF  }
0xad: {  	[dreg:$0x0] =	wrdreg $0x60  }
0xae: {  	[dreg:$0x2] =	wrdreg s2  }
0xaf: {  	[dreg:$0x3] =	wrdreg s24  }
0xb0: {  	[dreg:$0x4] =	wrdreg $0x9  }
0xb1: {  	_ =	task.clear_ibuf [dreg:s7], $0x5FFFF;
	_ =	strace $0x90000046  }
0xb2: {  	s29 =	simm.s32 $0x9;
	_ =	strace $0x80000048  }
0xb3: {  	_ =	swait.ge [sflag:s29], $0x1  }
0xb4: {  	[sflag:s29] =	ssyncadd.s32 $0xFFFFFFFF  }
0xb5: {  	_ =	strace $0x90000048  }
0xb6: {  	_ =	sfence  }
0xb7: {  	s30 =	sld [smem:$0x0];
	_ =	sdelay $0x2  }
0xb8: {  	s31 =	sshll.u32 s1, $0xD;
	s1 =	sshrl.u32 s1, $0x2  }
0xb9: {  	s3 =	sand.u32 $0x4000, s31;
	s1 =	sadd.s32 s1, s30  }
0xba: {  	s0 =	sor.u32 s3, s0;
	s1 =	sshll.u32 s1, $0x11  }
0xbb: {  	s0 =	sor.u32 s1, s0  }
0xbc: {  	s0 =	sadd.s32 $0x8F2B, s0  }
0xbd: {  	[sflag:s0] =	ssyncadd.remote.s32 $0x1  }
0xbe: {  	_ =	sfence.sel $0xFFFF  }
0xbf: {  	[dreg:$0x0] =	wrdreg $0xFFFFFFFF;
	(pc) =	sbr.abs _section_cstart, $3  }
0xc0: {  	[dreg:$0x1] =	wrdreg $0xFFFFFFFF  }
0xc1: {  	_ =	task.clear_ibuf [dreg:s7], $0x2FFFF;
	_ =	strace $0x9FFFFFFF  }
0xc2: {  	(tm) =	ssettm $0x7FFFFFFF  }
0xc3: {  	_ =	shalt  }
tec
execute0_lowered:
.L_overlay_start_1:
0x0: {  	(tag) =	ssettag $0x1  }
0x1: {  	s9 =	rddreg [dreg:$0x0]  }
0x2: {  	s4 =	rddreg [dreg:$0x1]  }
0x3: {  	s0 =	rddreg [dreg:$0x2];
	s3 =	srdreg.scid  }
0x4: {  	s1 =	stileid.u32;
	s2 =	simm.s32 $0x0;
	s10 =	simm.s32 $0x2000  }
0x5: {  	s11 =	simm.s32 $0x1;
	s3 =	sand.u32 $0x1, s3;
	s5 =	sshll.u32 s1, $0x1  }
0x6: {  	s12 =	simm.s32 $0x4400;
	s13 =	simm.s32 $0x2;
	s14 =	sor.u32 s3, s5  }
0x7: {  	s15 =	simm.s32 $0x3;
	s16 =	simm.s32 $0x0;
	s5 =	smul.u32 $0x140, s14  }
0x8: {  	[smem:$0x7FF] =	sst s2;
	s6 =	ssub.s32 $0x2, s3;
	s3 =	smul.u32 $0xF400, s14  }
.Ltmp0:
0x9: {  	_ =	strace $0x80000047;
	s7 =	sshll.u32 s14, $0x7;
	(pc) =	sbr.rel .LBB2_1-.Ltmp0, $4  }
0xa: {  	v0 =	vlaneseq.u32;
	s29 =	sshrl.u32 s6, $0x1;
	p0 =	sgt.u32 s14, $0x8;
	s14 =	simm.s32 $0x4000  }
0xb: {  	v1 =	vimm.f32 $0.0e+00;
	v2 =	vimm.f32 $1.000000000e+00;
	v3 =	vor.u32 $0x140, v0;
	s30 =	sadd.s32 s7, s9;
	s31 =	ssub.s32 s6, s29;
	s8 =	sadd.s32 s5, s4  }
0xc: {  	v4 =	vor.u32 $0x280, v0;
	v5 =	vor.u32 $0x3C0, v0;
	v6 =	vor.u32 $0x500, v0;
	s4 =	sadd.s32 s9, s3;
	s5 =	sadd.s32 $0x1E8000, s30;
	s7 =	smax.u32 s31, $0x1  }
0xd: {  	v7 =	vor.u32 $0x640, v0;
	v8 =	vor.u32 $0x780, v0;
	v9 =	vor.u32 $0x8C0, v0;
	s6 =	sadd.s32 $0x400, s8;
	s8 =	sadd.s32 $0x400, s9;
	s9 =	sadd.s32 $0x800, s9  }
.LBB2_19:
0xe: {  	s16 =	sadd.s32 $0x1, s16  }
0xf: {  	p1 =	sne.s32 s16, s7  }
.Ltmp1:
0x10: {  	_ = 	snop;
	(pc) =	sbr.rel @!p1 .LBB2_20-.Ltmp1, $4  }
0x11: {  	[hbm4b:s6+s2] =	stream.linear.scatter [tilespmem:s12], [sflag:$0x3], $0xA00, $0x38;
	[tilespmem:$0x4E00] =	vst v63  }
0x12: {  	_ =	swait.ge [sflag:s15], $0xA00  }
0x13: {  	[sflag:s15] =	ssyncset.done $0x0  }
0x14: {  	[sflag:s15] =	ssyncadd.s32 $0xFFFFF600  }
.LBB2_1:
0x15: {  	s17 =	simm.s32 $0x4420  }
0x16: {  	[tilespmem:s17+$0xFFFFFFE0] =	vst v1  }
0x17: {  	[tilespmem:s17+$0x10] =	vst v1  }
0x18: {  	s18 =	simm.s32 $0x0;
	[tilespmem:s17+$0x0] =	vst v1  }
.LBB2_2:
0x19: {  	s18 =	sadd.s32 $0x40, s18  }
0x1a: {  	[tilespmem:s17+$0xFFFFFFF0] =	vst v1;
	s17 =	sadd.s32 $0x40, s17;
	p1 =	slt.u32 s18, $0x9C0  }
.Ltmp2:
0x1b: {  	[tilespmem:s17+$0xFFFFFFE0] =	vst v1;
	(pc) =	sbr.rel @p1 .LBB2_2-.Ltmp2, $3  }
0x1c: {  	_ =	sdelay $0x1  }
0x1d: {  	[tilespmem:s17+$0x10] =	vst v1  }
0x1e: {  	[tilespmem:s17+$0x0] =	vst v1  }
0x1f: {  	[tilespmem:s17+$0xFFFFFFF0] =	vst v1;
	s17 =	simm.s32 $0x0  }
0x20: {  	[tilespmem:s17], [sflag:$0x1] =	stream.linear.gather [hbm4b:s4+s17], $0x2000, $0x38;
	[tilespmem:$0x4E00] =	vst v63  }
.LBB2_4:
0x21: {  	s18 =	sshll.u32 s17, $0xB  }
0x22: {  	s18 =	sadd.s32 s3, s18  }
0x23: {  	s19 =	sadd.s32 s8, s18  }
0x24: {  	[tilespmem:s10], [sflag:$0x2] =	stream.linear.gather [hbm4b:s19+s2], $0x2000, $0x38;
	[tilespmem:$0x4E00] =	vst v63  }
0x25: {  	_ =	swait.ge [sflag:s11], $0x2000  }
0x26: {  	[sflag:s11] =	ssyncset.done $0x0  }
0x27: {  	s20 =	simm.s32 $0x100;
	[sflag:s11] =	ssyncadd.s32 $0xFFFFE000  }
0x28: {  	v10 =	vld [tilespmem:s20+$0xFFFFFF70];
	_ =	sdelay $0x4  }
0x29: {  	v10 =	vmul.f32 $2.000000000e+01, v10;
	_ =	sdelay $0x1  }
0x2a: {  	v11 =	vld [tilespmem:s20+$0xFFFFFF10];
	v10 =	vtrunc.f32 v10  }
0x2b: {  	v12 =	vld [tilespmem:s20+$0xFFFFFF20];
	v10 =	vcvt.f32.s32 v10  }
0x2c: {  	v13 =	vld [tilespmem:s20+$0xFFFFFF30]  }
0x2d: {  	v10 =	vshll.u32 v10, $0x4  }
0x2e: {  	v10 =	vor.u32 v0, v10  }
0x2f: {  	v14 =	vld [tilespmem:s20+$0xFFFFFF00]  }
0x30: {  	v15 =	vld [tilespmem:s20+$0xFFFFFF40];
	v11 =	vmul.f32 $2.000000000e+01, v11;
	v12 =	vmul.f32 $2.000000000e+01, v12  }
0x31: {  	v13 =	vmul.f32 $2.000000000e+01, v13  }
0x32: {  	v11 =	vtrunc.f32 v11;
	v12 =	vtrunc.f32 v12  }
0x33: {  	v13 =	vtrunc.f32 v13;
	[tilespmem:v10+s12+$0x0] =	vst.idx.add.f32.msk $0xffff, v2;
	v10 =	vcvt.f32.s32 v11  }
0x34: {  	v12 =	vcvt.f32.s32 v12;
	v11 =	vmul.f32 $2.000000000e+01, v14;
	v14 =	vld [tilespmem:s20+$0xFFFFFFF0]  }
0x35: {  	v15 =	vmul.f32 $2.000000000e+01, v15;
	v13 =	vcvt.f32.s32 v13;
	v10 =	vshll.u32 v10, $0x4  }
0x36: {  	v16 =	vld [tilespmem:s20+$0xFFFFFF50];
	v12 =	vshll.u32 v12, $0x4;
	v11 =	vtrunc.f32 v11;
	v10 =	vor.u32 v0, v10  }
0x37: {  	v13 =	vshll.u32 v13, $0x4;
	v12 =	vor.u32 v0, v12;
	v11 =	vcvt.f32.s32 v11  }
0x38: {  	v15 =	vtrunc.f32 v15;
	v13 =	vor.u32 v0, v13  }
0x39: {  	v15 =	vcvt.f32.s32 v15;
	v11 =	vshll.u32 v11, $0x4;
	v14 =	vmul.f32 $2.000000000e+01, v14  }
0x3a: {  	v17 =	vld [tilespmem:s20+$0xFFFFFF60];
	v11 =	vor.u32 v0, v11  }
0x3b: {  	v16 =	vmul.f32 $2.000000000e+01, v16;
	v14 =	vtrunc.f32 v14;
	[tilespmem:v10+s12+$0x0] =	vst.idx.add.f32.msk $0xffff, v2;
	v10 =	vshll.u32 v15, $0x4  }
0x3c: {  	[tilespmem:v12+s12+$0x0] =	vst.idx.add.f32.msk $0xffff, v2;
	v14 =	vcvt.f32.s32 v14;
	v10 =	vor.u32 v0, v10  }
0x3d: {  	[tilespmem:v13+s12+$0x0] =	vst.idx.add.f32.msk $0xffff, v2;
	v15 =	vtrunc.f32 v16  }
0x3e: {  	v16 =	vld [tilespmem:s20+$0xFFFFFF90];
	v15 =	vcvt.f32.s32 v15;
	v12 =	vshll.u32 v14, $0x4  }
0x3f: {  	[tilespmem:v11+s12+$0x0] =	vst.idx.add.f32.msk $0xffff, v2;
	v11 =	vadd.s32 v3, v12  }
0x40: {  	v12 =	vshll.u32 v15, $0x4;
	v14 =	vld [tilespmem:s20+$0xFFFFFF80];
	v15 =	vmul.f32 $2.000000000e+01, v17  }
0x41: {  	v12 =	vor.u32 v0, v12;
	[tilespmem:v10+s12+$0x0] =	vst.idx.add.f32.msk $0xffff, v2  }
0x42: {  	v10 =	vtrunc.f32 v15;
	v15 =	vld [tilespmem:s20+$0xFFFFFFA0]  }
0x43: {  	v13 =	vmul.f32 $2.000000000e+01, v16;
	v16 =	vld [tilespmem:s20+$0xFFFFFFC0]  }
0x44: {  	v10 =	vcvt.f32.s32 v10;
	[tilespmem:v11+s12+$0x0] =	vst.idx.add.f32.msk $0xffff, v2  }
0x45: {  	v11 =	vtrunc.f32 v13;
	v13 =	vmul.f32 $2.000000000e+01, v14;
	v14 =	vld [tilespmem:s20+$0x70]  }
0x46: {  	v10 =	vshll.u32 v10, $0x4;
	v11 =	vcvt.f32.s32 v11;
	[tilespmem:v12+s12+$0x0] =	vst.idx.add.f32.msk $0xffff, v2  }
0x47: {  	v10 =	vor.u32 v0, v10;
	v12 =	vld [tilespmem:s20+$0xFFFFFFB0]  }
0x48: {  	v13 =	vtrunc.f32 v13;
	v15 =	vmul.f32 $2.000000000e+01, v15;
	v11 =	vshll.u32 v11, $0x4  }
0x49: {  	v13 =	vcvt.f32.s32 v13;
	v11 =	vadd.s32 v3, v11  }
0x4a: {  	v17 =	vld [tilespmem:s20+$0xFFFFFFD0];
	v15 =	vtrunc.f32 v15;
	v14 =	vmul.f32 $2.000000000e+01, v14  }
0x4b: {  	v16 =	vmul.f32 $2.000000000e+01, v16;
	v13 =	vshll.u32 v13, $0x4;
	v15 =	vcvt.f32.s32 v15  }
0x4c: {  	v13 =	vadd.s32 v3, v13;
	[tilespmem:v10+s12+$0x0] =	vst.idx.add.f32.msk $0xffff, v2;
	v10 =	vmul.f32 $2.000000000e+01, v12;
	v12 =	vtrunc.f32 v14  }
0x4d: {  	v16 =	vtrunc.f32 v16;
	v15 =	vshll.u32 v15, $0x4;
	v14 =	vld [tilespmem:s20+$0xFFFFFFE0];
	v12 =	vcvt.f32.s32 v12  }
0x4e: {  	v16 =	vcvt.f32.s32 v16;
	v15 =	vadd.s32 v3, v15;
	[tilespmem:v11+s12+$0x0] =	vst.idx.add.f32.msk $0xffff, v2  }
0x4f: {  	v10 =	vtrunc.f32 v10;
	v11 =	vmul.f32 $2.000000000e+01, v17;
	v17 =	vld [tilespmem:s20+$0x10];
	v12 =	vshll.u32 v12, $0x4  }
0x50: {  	v16 =	vshll.u32 v16, $0x4;
	v10 =	vcvt.f32.s32 v10;
	v12 =	vadd.s32 v4, v12  }
0x51: {  	v16 =	vadd.s32 v3, v16;
	v11 =	vtrunc.f32 v11;
	[tilespmem:v13+s12+$0x0] =	vst.idx.add.f32.msk $0xffff, v2  }
0x52: {  	v10 =	vshll.u32 v10, $0x4;
	v11 =	vcvt.f32.s32 v11;
	v13 =	vld [tilespmem:s20+$0x0];
	v14 =	vmul.f32 $2.000000000e+01, v14  }
0x53: {  	v10 =	vadd.s32 v3, v10;
	[tilespmem:v15+s12+$0x0] =	vst.idx.add.f32.msk $0xffff, v2  }
0x54: {  	v11 =	vshll.u32 v11, $0x4;
	v14 =	vtrunc.f32 v14;
	v15 =	vmul.f32 $2.000000000e+01, v17;
	v17 =	vld [tilespmem:s20+$0x20]  }
0x55: {  	v11 =	vadd.s32 v3, v11;
	v14 =	vcvt.f32.s32 v14;
	[tilespmem:v12+s12+$0x0] =	vst.idx.add.f32.msk $0xffff, v2  }
0x56: {  	v12 =	vtrunc.f32 v15;
	v15 =	vld [tilespmem:s20+$0xF0]  }
0x57: {  	[tilespmem:v16+s12+$0x0] =	vst.idx.add.f32.msk $0xffff, v2;
	v13 =	vmul.f32 $2.000000000e+01, v13;
	v14 =	vshll.u32 v14, $0x4  }
0x58: {  	[tilespmem:v10+s12+$0x0] =	vst.idx.add.f32.msk $0xffff, v2;
	v12 =	vcvt.f32.s32 v12;
	v10 =	vadd.s32 v3, v14  }
0x59: {  	v16 =	vld [tilespmem:s20+$0x40];
	v13 =	vtrunc.f32 v13  }
0x5a: {  	v12 =	vshll.u32 v12, $0x4;
	[tilespmem:v11+s12+$0x0] =	vst.idx.add.f32.msk $0xffff, v2;
	v11 =	vcvt.f32.s32 v13;
	v13 =	vmul.f32 $2.000000000e+01, v17  }
0x5b: {  	v14 =	vld [tilespmem:s20+$0x30];
	v12 =	vadd.s32 v4, v12;
	v15 =	vmul.f32 $2.000000000e+01, v15  }
0x5c: {  	v18 =	vld [tilespmem:s20+$0x50];
	v11 =	vshll.u32 v11, $0x4;
	v13 =	vtrunc.f32 v13  }
0x5d: {  	v17 =	vadd.s32 v4, v11;
	[tilespmem:v10+s12+$0x0] =	vst.idx.add.f32.msk $0xffff, v2;
	v10 =	vcvt.f32.s32 v13;
	v11 =	vtrunc.f32 v15  }
0x5e: {  	v13 =	vld [tilespmem:s20+$0x60];
	v15 =	vcvt.f32.s32 v11  }
0x5f: {  	v10 =	vshll.u32 v10, $0x4  }
0x60: {  	v19 =	vmul.f32 $2.000000000e+01, v14;
	[tilespmem:v12+s12+$0x0] =	vst.idx.add.f32.msk $0xffff, v2;
	v11 =	vadd.s32 v4, v10;
	v10 =	vshll.u32 v15, $0x4  }
0x61: {  	v14 =	vmul.f32 $2.000000000e+01, v16;
	v12 =	vld [tilespmem:s20+$0x90];
	v10 =	vadd.s32 v5, v10  }
0x62: {  	s21 =	simm.s32 $0x0;
	s22 =	simm.s32 $0x500;
	v16 =	vmul.f32 $2.000000000e+01, v18;
	[tilespmem:v17+s12+$0x0] =	vst.idx.add.f32.msk $0xffff, v2;
	v15 =	vtrunc.f32 v19  }
.LBB2_5:
0x63: {  	v17 =	vld [tilespmem:s22+$0xFFFFFF70];
	s21 =	sadd.s32 $0x80, s21;
	v14 =	vtrunc.f32 v14;
	v13 =	vmul.f32 $2.000000000e+01, v13  }
0x64: {  	v15 =	vcvt.f32.s32 v15;
	v18 =	vld [tilespmem:s22+$0xFFFFFF10];
	p1 =	slt.u32 s21, $0x380;
	v16 =	vtrunc.f32 v16  }
0x65: {  	v14 =	vcvt.f32.s32 v14;
	v19 =	vld [tilespmem:s22+$0xFFFFFF20];
	v13 =	vtrunc.f32 v13  }
0x66: {  	s19 =	simm.s32 $0x3F0;
	v15 =	vshll.u32 v15, $0x4;
	v16 =	vcvt.f32.s32 v16;
	v13 =	vcvt.f32.s32 v13;
	[tilespmem:v10+s12+$0x0] =	vst.idx.add.f32.msk $0xffff, v2  }
0x67: {  	v12 =	vmul.f32 $2.000000000e+01, v12;
	v15 =	vadd.s32 v4, v15;
	v14 =	vshll.u32 v14, $0x4;
	v10 =	vld [tilespmem:s22+$0xFFFFFF30]  }
0x68: {  	v16 =	vshll.u32 v16, $0x4;
	v20 =	vld [tilespmem:s22+$0xFFFFFF40];
	v17 =	vmul.f32 $2.000000000e+01, v17;
	v13 =	vshll.u32 v13, $0x4  }
0x69: {  	v14 =	vadd.s32 v4, v14;
	v16 =	vadd.s32 v4, v16;
	v18 =	vmul.f32 $2.000000000e+01, v18;
	v21 =	vld [tilespmem:s22+$0xFFFFFF50]  }
0x6a: {  	v13 =	vadd.s32 v4, v13;
	v19 =	vmul.f32 $2.000000000e+01, v19;
	v22 =	vld [tilespmem:s22+$0xFFFFFF60];
	v17 =	vtrunc.f32 v17  }
0x6b: {  	v23 =	vld [tilespmem:s22+$0xFFFFFF00];
	v18 =	vtrunc.f32 v18;
	v17 =	vcvt.f32.s32 v17  }
0x6c: {  	v19 =	vtrunc.f32 v19;
	v10 =	vmul.f32 $2.000000000e+01, v10;
	[tilespmem:v11+s12+$0x0] =	vst.idx.add.f32.msk $0xffff, v2  }
0x6d: {  	v11 =	vcvt.f32.s32 v18;
	v18 =	vmul.f32 $2.000000000e+01, v20;
	v17 =	vshll.u32 v17, $0x4;
	[tilespmem:v15+s12+$0x0] =	vst.idx.add.f32.msk $0xffff, v2  }
0x6e: {  	v10 =	vtrunc.f32 v10;
	v15 =	vmul.f32 $2.000000000e+01, v21;
	v17 =	vor.u32 v0, v17;
	[tilespmem:v14+s12+$0x0] =	vst.idx.add.f32.msk $0xffff, v2  }
0x6f: {  	v11 =	vshll.u32 v11, $0x4;
	v14 =	vtrunc.f32 v18;
	v18 =	vmul.f32 $2.000000000e+01, v22;
	[tilespmem:v16+s12+$0x0] =	vst.idx.add.f32.msk $0xffff, v2  }
0x70: {  	v11 =	vor.u32 v0, v11;
	v16 =	vmul.f32 $2.000000000e+01, v23;
	v15 =	vtrunc.f32 v15;
	[tilespmem:v13+s12+$0x0] =	vst.idx.add.f32.msk $0xffff, v2  }
0x71: {  	v13 =	vcvt.f32.s32 v19;
	v18 =	vtrunc.f32 v18;
	v19 =	vld [tilespmem:s20+$0x80]  }
0x72: {  	v10 =	vcvt.f32.s32 v10;
	v16 =	vtrunc.f32 v16;
	v20 =	vld [tilespmem:s20+$0xA0]  }
0x73: {  	v14 =	vcvt.f32.s32 v14;
	v13 =	vshll.u32 v13, $0x4;
	v16 =	vcvt.f32.s32 v16;
	[tilespmem:v17+s12+$0x0] =	vst.idx.add.f32.msk $0xffff, v2  }
0x74: {  	v10 =	vshll.u32 v10, $0x4;
	v15 =	vcvt.f32.s32 v15;
	v17 =	vcvt.f32.s32 v18;
	v18 =	vld [tilespmem:s22+$0xFFFFFFF0]  }
0x75: {  	v16 =	vshll.u32 v16, $0x4;
	[tilespmem:v11+s12+$0x0] =	vst.idx.add.f32.msk $0xffff, v2;
	v11 =	vor.u32 v0, v13;
	v13 =	vshll.u32 v14, $0x4  }
0x76: {  	v15 =	vshll.u32 v15, $0x4;
	v17 =	vshll.u32 v17, $0x4;
	v14 =	vor.u32 v0, v16;
	v16 =	vld [tilespmem:s22+$0xFFFFFF90]  }
0x77: {  	v10 =	vor.u32 v0, v10;
	v15 =	vor.u32 v0, v15;
	v13 =	vor.u32 v0, v13;
	v21 =	vld [tilespmem:s20+$0xB0]  }
0x78: {  	v17 =	vor.u32 v0, v17;
	v19 =	vmul.f32 $2.000000000e+01, v19;
	v20 =	vmul.f32 $2.000000000e+01, v20;
	v22 =	vld [tilespmem:s20+$0xC0]  }
0x79: {  	v12 =	vtrunc.f32 v12;
	v18 =	vmul.f32 $2.000000000e+01, v18;
	v23 =	vld [tilespmem:s20+$0xD0]  }
0x7a: {  	[tilespmem:v11+s12+$0x0] =	vst.idx.add.f32.msk $0xffff, v2;
	v11 =	vtrunc.f32 v19;
	v19 =	vtrunc.f32 v20  }
0x7b: {  	[tilespmem:v14+s12+$0x0] =	vst.idx.add.f32.msk $0xffff, v2;
	v14 =	vmul.f32 $2.000000000e+01, v16;
	v16 =	vtrunc.f32 v18  }
0x7c: {  	[tilespmem:v10+s12+$0x0] =	vst.idx.add.f32.msk $0xffff, v2;
	v10 =	vcvt.f32.s32 v16;
	v16 =	vmul.f32 $2.000000000e+01, v21  }
0x7d: {  	v14 =	vtrunc.f32 v14;
	[tilespmem:v13+s12+$0x0] =	vst.idx.add.f32.msk $0xffff, v2;
	v13 =	vmul.f32 $2.000000000e+01, v22  }
0x7e: {  	v14 =	vcvt.f32.s32 v14;
	[tilespmem:v15+s12+$0x0] =	vst.idx.add.f32.msk $0xffff, v2;
	v10 =	vshll.u32 v10, $0x4;
	v15 =	vmul.f32 $2.000000000e+01, v23  }
0x7f: {  	v16 =	vtrunc.f32 v16;
	[tilespmem:v17+s12+$0x0] =	vst.idx.add.f32.msk $0xffff, v2;
	v10 =	vadd.s32 v3, v10;
	v13 =	vtrunc.f32 v13  }
0x80: {  	v11 =	vcvt.f32.s32 v11;
	v17 =	vld [tilespmem:s22+$0xFFFFFF80];
	v14 =	vshll.u32 v14, $0x4;
	v15 =	vtrunc.f32 v15  }
0x81: {  	v12 =	vcvt.f32.s32 v12;
	v19 =	vcvt.f32.s32 v19;
	v14 =	vadd.s32 v3, v14;
	v18 =	vld [tilespmem:s22+$0xFFFFFFA0]  }
0x82: {  	v11 =	vshll.u32 v11, $0x4;
	v16 =	vcvt.f32.s32 v16;
	v13 =	vcvt.f32.s32 v13;
	v20 =	vld [tilespmem:s22+$0xFFFFFFB0]  }
0x83: {  	v12 =	vshll.u32 v12, $0x4;
	v19 =	vshll.u32 v19, $0x4;
	v15 =	vcvt.f32.s32 v15;
	v21 =	vld [tilespmem:s22+$0xFFFFFFC0]  }
0x84: {  	v13 =	vshll.u32 v13, $0x4;
	[tilespmem:v10+s12+$0x0] =	vst.idx.add.f32.msk $0xffff, v2;
	v10 =	vadd.s32 v5, v11;
	v11 =	vshll.u32 v16, $0x4  }
0x85: {  	v12 =	vadd.s32 v5, v12;
	v15 =	vshll.u32 v15, $0x4;
	v16 =	vmul.f32 $2.000000000e+01, v17;
	v17 =	vld [tilespmem:s22+$0x70]  }
0x86: {  	v19 =	vadd.s32 v5, v19;
	v11 =	vadd.s32 v5, v11;
	v18 =	vmul.f32 $2.000000000e+01, v18;
	v22 =	vld [tilespmem:s22+$0xFFFFFFD0]  }
0x87: {  	v13 =	vadd.s32 v5, v13;
	v16 =	vtrunc.f32 v16;
	v20 =	vmul.f32 $2.000000000e+01, v20;
	v23 =	vld [tilespmem:s22+$0xFFFFFFE0]  }
0x88: {  	v15 =	vadd.s32 v5, v15;
	[tilespmem:v14+s12+$0x0] =	vst.idx.add.f32.msk $0xffff, v2;
	v14 =	vtrunc.f32 v18;
	v18 =	vmul.f32 $2.000000000e+01, v21  }
0x89: {  	v16 =	vcvt.f32.s32 v16;
	v21 =	vld [tilespmem:s22+$0x10];
	v20 =	vtrunc.f32 v20  }
0x8a: {  	v18 =	vtrunc.f32 v18;
	v17 =	vmul.f32 $2.000000000e+01, v17;
	v24 =	vld [tilespmem:s20+$0xE0];
	s20 =	smov.u32 s22  }
0x8b: {  	v14 =	vcvt.f32.s32 v14;
	v16 =	vshll.u32 v16, $0x4;
	v22 =	vmul.f32 $2.000000000e+01, v22;
	[tilespmem:v10+s12+$0x0] =	vst.idx.add.f32.msk $0xffff, v2  }
0x8c: {  	v10 =	vadd.s32 v3, v16;
	v16 =	vmul.f32 $2.000000000e+01, v23;
	v17 =	vtrunc.f32 v17;
	[tilespmem:v12+s12+$0x0] =	vst.idx.add.f32.msk $0xffff, v2  }
0x8d: {  	v12 =	vshll.u32 v14, $0x4;
	v14 =	vtrunc.f32 v22;
	v17 =	vcvt.f32.s32 v17;
	[tilespmem:v19+s12+$0x0] =	vst.idx.add.f32.msk $0xffff, v2  }
0x8e: {  	v12 =	vadd.s32 v3, v12;
	v19 =	vcvt.f32.s32 v20;
	v16 =	vtrunc.f32 v16;
	[tilespmem:v11+s12+$0x0] =	vst.idx.add.f32.msk $0xffff, v2  }
0x8f: {  	v11 =	vcvt.f32.s32 v18;
	v14 =	vcvt.f32.s32 v14;
	v17 =	vshll.u32 v17, $0x4;
	[tilespmem:v13+s12+$0x0] =	vst.idx.add.f32.msk $0xffff, v2  }
0x90: {  	v13 =	vshll.u32 v19, $0x4;
	v16 =	vcvt.f32.s32 v16;
	v17 =	vadd.s32 v4, v17;
	[tilespmem:v15+s12+$0x0] =	vst.idx.add.f32.msk $0xffff, v2  }
0x91: {  	v11 =	vshll.u32 v11, $0x4;
	[tilespmem:v10+s12+$0x0] =	vst.idx.add.f32.msk $0xffff, v2;
	v10 =	vadd.s32 v3, v13;
	v13 =	vshll.u32 v14, $0x4  }
0x92: {  	v11 =	vadd.s32 v3, v11;
	v15 =	vshll.u32 v16, $0x4;
	v14 =	vld [tilespmem:s22+$0x0];
	v13 =	vadd.s32 v3, v13  }
0x93: {  	v16 =	vmul.f32 $2.000000000e+01, v21;
	[tilespmem:v12+s12+$0x0] =	vst.idx.add.f32.msk $0xffff, v2;
	v12 =	vadd.s32 v3, v15;
	v15 =	vmul.f32 $2.000000000e+01, v24  }
0x94: {  	v18 =	vld [tilespmem:s22+$0x20]  }
0x95: {  	v16 =	vtrunc.f32 v16;
	[tilespmem:v17+s12+$0x0] =	vst.idx.add.f32.msk $0xffff, v2;
	v15 =	vtrunc.f32 v15  }
0x96: {  	v16 =	vcvt.f32.s32 v16;
	v17 =	vld [tilespmem:s22+$0xF0];
	v15 =	vcvt.f32.s32 v15  }
0x97: {  	v14 =	vmul.f32 $2.000000000e+01, v14;
	[tilespmem:v10+s12+$0x0] =	vst.idx.add.f32.msk $0xffff, v2  }
0x98: {  	v10 =	vshll.u32 v16, $0x4;
	[tilespmem:v11+s12+$0x0] =	vst.idx.add.f32.msk $0xffff, v2;
	v11 =	vshll.u32 v15, $0x4  }
0x99: {  	v10 =	vadd.s32 v4, v10;
	v14 =	vtrunc.f32 v14;
	v15 =	vmul.f32 $2.000000000e+01, v18;
	[tilespmem:v13+s12+$0x0] =	vst.idx.add.f32.msk $0xffff, v2  }
0x9a: {  	v16 =	vadd.s32 v5, v11;
	v13 =	vcvt.f32.s32 v14;
	[tilespmem:v12+s12+$0x0] =	vst.idx.add.f32.msk $0xffff, v2  }
0x9b: {  	v11 =	vtrunc.f32 v15;
	v14 =	vld [tilespmem:s22+$0x30];
	v12 =	vmul.f32 $2.000000000e+01, v17  }
0x9c: {  	v13 =	vshll.u32 v13, $0x4;
	v11 =	vcvt.f32.s32 v11;
	v15 =	vld [tilespmem:s22+$0x40]  }
0x9d: {  	v17 =	vadd.s32 v4, v13;
	v18 =	vld [tilespmem:s22+$0x50];
	v12 =	vtrunc.f32 v12  }
.Ltmp3:
0x9e: {  	v11 =	vshll.u32 v11, $0x4;
	v13 =	vld [tilespmem:s22+$0x60];
	v19 =	vcvt.f32.s32 v12;
	(pc) =	sbr.rel @p1 .LBB2_5-.Ltmp3, $4  }
0x9f: {  	[tilespmem:v10+s12+$0x0] =	vst.idx.add.f32.msk $0xffff, v2;
	v11 =	vadd.s32 v4, v11  }
0xa0: {  	v12 =	vld [tilespmem:s22+$0x90];
	v20 =	vmul.f32 $2.000000000e+01, v14;
	v10 =	vshll.u32 v19, $0x4  }
0xa1: {  	v14 =	vmul.f32 $2.000000000e+01, v15;
	v10 =	vadd.s32 v5, v10;
	[tilespmem:v16+s12+$0x0] =	vst.idx.add.f32.msk $0xffff, v2  }
0xa2: {  	s22 =	sadd.s32 $0x400, s22;
	[tilespmem:v17+s12+$0x0] =	vst.idx.add.f32.msk $0xffff, v2;
	v15 =	vtrunc.f32 v20;
	v16 =	vmul.f32 $2.000000000e+01, v18  }
0xa3: {  	v14 =	vtrunc.f32 v14;
	v15 =	vcvt.f32.s32 v15  }
0xa4: {  	v14 =	vcvt.f32.s32 v14  }
0xa5: {  	v15 =	vshll.u32 v15, $0x4  }
0xa6: {  	v16 =	vtrunc.f32 v16;
	v15 =	vadd.s32 v4, v15;
	v14 =	vshll.u32 v14, $0x4  }
0xa7: {  	v16 =	vcvt.f32.s32 v16;
	v14 =	vadd.s32 v4, v14;
	_ =	sdelay $0x1  }
0xa8: {  	[tilespmem:v11+s12+$0x0] =	vst.idx.add.f32.msk $0xffff, v2;
	v16 =	vshll.u32 v16, $0x4  }
0xa9: {  	v11 =	vmul.f32 $2.000000000e+01, v13;
	v13 =	vld [tilespmem:s20+$0x80];
	v16 =	vadd.s32 v4, v16  }
0xaa: {  	[tilespmem:v15+s12+$0x0] =	vst.idx.add.f32.msk $0xffff, v2  }
0xab: {  	v11 =	vtrunc.f32 v11;
	[tilespmem:v14+s12+$0x0] =	vst.idx.add.f32.msk $0xffff, v2  }
0xac: {  	v11 =	vcvt.f32.s32 v11;
	v14 =	vld [tilespmem:s20+$0xA0]  }
0xad: {  	v15 =	vld [tilespmem:s20+$0xB0]  }
0xae: {  	v11 =	vshll.u32 v11, $0x4;
	[tilespmem:v16+s12+$0x0] =	vst.idx.add.f32.msk $0xffff, v2  }
0xaf: {  	v11 =	vadd.s32 v4, v11;
	v16 =	vld [tilespmem:s20+$0xC0]  }
0xb0: {  	v12 =	vmul.f32 $2.000000000e+01, v12;
	v17 =	vld [tilespmem:s20+$0xD0];
	_ =	sdelay $0x1  }
0xb1: {  	v12 =	vtrunc.f32 v12  }
0xb2: {  	v13 =	vmul.f32 $2.000000000e+01, v13;
	v12 =	vcvt.f32.s32 v12  }
0xb3: {  	[tilespmem:v11+s12+$0x0] =	vst.idx.add.f32.msk $0xffff, v2;
	v14 =	vmul.f32 $2.000000000e+01, v14;
	v11 =	vmul.f32 $2.000000000e+01, v15  }
0xb4: {  	v15 =	vmul.f32 $2.000000000e+01, v16;
	v16 =	vmul.f32 $2.000000000e+01, v17;
	v17 =	vld [tilespmem:s20+$0xE0]  }
0xb5: {  	v13 =	vtrunc.f32 v13  }
0xb6: {  	v12 =	vshll.u32 v12, $0x4;
	v13 =	vcvt.f32.s32 v13;
	v14 =	vtrunc.f32 v14  }
0xb7: {  	v12 =	vadd.s32 v5, v12;
	v11 =	vtrunc.f32 v11;
	v15 =	vtrunc.f32 v15  }
0xb8: {  	v13 =	vshll.u32 v13, $0x4;
	v14 =	vcvt.f32.s32 v14;
	v11 =	vcvt.f32.s32 v11  }
0xb9: {  	v13 =	vadd.s32 v5, v13;
	v16 =	vtrunc.f32 v16;
	v17 =	vmul.f32 $2.000000000e+01, v17  }
0xba: {  	v15 =	vcvt.f32.s32 v15;
	v14 =	vshll.u32 v14, $0x4;
	v16 =	vcvt.f32.s32 v16  }
0xbb: {  	v11 =	vshll.u32 v11, $0x4;
	v14 =	vadd.s32 v5, v14;
	v17 =	vtrunc.f32 v17  }
0xbc: {  	v15 =	vshll.u32 v15, $0x4;
	v11 =	vadd.s32 v5, v11;
	v17 =	vcvt.f32.s32 v17  }
0xbd: {  	[tilespmem:v10+s12+$0x0] =	vst.idx.add.f32.msk $0xffff, v2;
	v10 =	vshll.u32 v16, $0x4;
	v15 =	vadd.s32 v5, v15  }
0xbe: {  	[tilespmem:v13+s12+$0x0] =	vst.idx.add.f32.msk $0xffff, v2;
	v10 =	vadd.s32 v5, v10;
	v13 =	vshll.u32 v17, $0x4  }
0xbf: {  	[tilespmem:v12+s12+$0x0] =	vst.idx.add.f32.msk $0xffff, v2;
	v12 =	vadd.s32 v5, v13  }
0xc0: {  	[tilespmem:v14+s12+$0x0] =	vst.idx.add.f32.msk $0xffff, v2  }
0xc1: {  	[tilespmem:v11+s12+$0x0] =	vst.idx.add.f32.msk $0xffff, v2  }
0xc2: {  	[tilespmem:v15+s12+$0x0] =	vst.idx.add.f32.msk $0xffff, v2  }
0xc3: {  	[tilespmem:v10+s12+$0x0] =	vst.idx.add.f32.msk $0xffff, v2  }
0xc4: {  	[tilespmem:v12+s12+$0x0] =	vst.idx.add.f32.msk $0xffff, v2  }
0xc5: {  	v10 =	vld [tilespmem:s19+$0xFFFFFE80];
	_ =	sdelay $0x4  }
0xc6: {  	v10 =	vmul.f32 $2.000000000e+01, v10;
	_ =	sdelay $0x1  }
0xc7: {  	v11 =	vld [tilespmem:s19+$0xFFFFFE20];
	v10 =	vtrunc.f32 v10  }
0xc8: {  	v12 =	vld [tilespmem:s19+$0xFFFFFE30];
	v10 =	vcvt.f32.s32 v10  }
0xc9: {  	v13 =	vld [tilespmem:s19+$0xFFFFFE40]  }
0xca: {  	v10 =	vshll.u32 v10, $0x4  }
0xcb: {  	v10 =	vadd.s32 v6, v10  }
0xcc: {  	v14 =	vld [tilespmem:s19+$0xFFFFFE10]  }
0xcd: {  	v15 =	vld [tilespmem:s19+$0xFFFFFE50];
	v11 =	vmul.f32 $2.000000000e+01, v11;
	v12 =	vmul.f32 $2.000000000e+01, v12  }
0xce: {  	v13 =	vmul.f32 $2.000000000e+01, v13  }
0xcf: {  	v11 =	vtrunc.f32 v11;
	v12 =	vtrunc.f32 v12  }
0xd0: {  	v13 =	vtrunc.f32 v13;
	[tilespmem:v10+s12+$0x0] =	vst.idx.add.f32.msk $0xffff, v2;
	v10 =	vcvt.f32.s32 v11  }
0xd1: {  	v12 =	vcvt.f32.s32 v12;
	v11 =	vmul.f32 $2.000000000e+01, v14;
	v14 =	vld [tilespmem:s19+$0xFFFFFF00]  }
0xd2: {  	v15 =	vmul.f32 $2.000000000e+01, v15;
	v13 =	vcvt.f32.s32 v13;
	v10 =	vshll.u32 v10, $0x4  }
0xd3: {  	v16 =	vld [tilespmem:s19+$0xFFFFFE60];
	v12 =	vshll.u32 v12, $0x4;
	v11 =	vtrunc.f32 v11;
	v10 =	vadd.s32 v6, v10  }
0xd4: {  	v13 =	vshll.u32 v13, $0x4;
	v12 =	vadd.s32 v6, v12;
	v11 =	vcvt.f32.s32 v11  }
0xd5: {  	v15 =	vtrunc.f32 v15;
	v13 =	vadd.s32 v6, v13  }
0xd6: {  	v15 =	vcvt.f32.s32 v15;
	v11 =	vshll.u32 v11, $0x4;
	v14 =	vmul.f32 $2.000000000e+01, v14  }
0xd7: {  	v17 =	vld [tilespmem:s19+$0xFFFFFE70];
	v11 =	vadd.s32 v6, v11  }
0xd8: {  	v16 =	vmul.f32 $2.000000000e+01, v16;
	v14 =	vtrunc.f32 v14;
	[tilespmem:v10+s12+$0x0] =	vst.idx.add.f32.msk $0xffff, v2;
	v10 =	vshll.u32 v15, $0x4  }
0xd9: {  	[tilespmem:v12+s12+$0x0] =	vst.idx.add.f32.msk $0xffff, v2;
	v14 =	vcvt.f32.s32 v14;
	v10 =	vadd.s32 v6, v10  }
0xda: {  	[tilespmem:v13+s12+$0x0] =	vst.idx.add.f32.msk $0xffff, v2;
	v15 =	vtrunc.f32 v16  }
0xdb: {  	v16 =	vld [tilespmem:s19+$0xFFFFFEA0];
	v15 =	vcvt.f32.s32 v15;
	v12 =	vshll.u32 v14, $0x4  }
0xdc: {  	[tilespmem:v11+s12+$0x0] =	vst.idx.add.f32.msk $0xffff, v2;
	v11 =	vadd.s32 v7, v12  }
0xdd: {  	v12 =	vshll.u32 v15, $0x4;
	v14 =	vld [tilespmem:s19+$0xFFFFFE90];
	v15 =	vmul.f32 $2.000000000e+01, v17  }
0xde: {  	v12 =	vadd.s32 v6, v12;
	[tilespmem:v10+s12+$0x0] =	vst.idx.add.f32.msk $0xffff, v2  }
0xdf: {  	v10 =	vtrunc.f32 v15;
	v15 =	vld [tilespmem:s19+$0xFFFFFEB0]  }
0xe0: {  	v13 =	vmul.f32 $2.000000000e+01, v16;
	v16 =	vld [tilespmem:s19+$0xFFFFFED0]  }
0xe1: {  	v10 =	vcvt.f32.s32 v10;
	[tilespmem:v11+s12+$0x0] =	vst.idx.add.f32.msk $0xffff, v2  }
0xe2: {  	v11 =	vtrunc.f32 v13;
	v13 =	vmul.f32 $2.000000000e+01, v14;
	v14 =	vld [tilespmem:s19+$0xFFFFFF80]  }
0xe3: {  	v10 =	vshll.u32 v10, $0x4;
	v11 =	vcvt.f32.s32 v11;
	[tilespmem:v12+s12+$0x0] =	vst.idx.add.f32.msk $0xffff, v2  }
0xe4: {  	v10 =	vadd.s32 v6, v10;
	v12 =	vld [tilespmem:s19+$0xFFFFFEC0]  }
0xe5: {  	v13 =	vtrunc.f32 v13;
	v15 =	vmul.f32 $2.000000000e+01, v15;
	v11 =	vshll.u32 v11, $0x4  }
0xe6: {  	v13 =	vcvt.f32.s32 v13;
	v11 =	vadd.s32 v7, v11  }
0xe7: {  	v17 =	vld [tilespmem:s19+$0xFFFFFEE0];
	v15 =	vtrunc.f32 v15;
	v14 =	vmul.f32 $2.000000000e+01, v14  }
0xe8: {  	v16 =	vmul.f32 $2.000000000e+01, v16;
	v13 =	vshll.u32 v13, $0x4;
	v15 =	vcvt.f32.s32 v15  }
0xe9: {  	v13 =	vadd.s32 v7, v13;
	[tilespmem:v10+s12+$0x0] =	vst.idx.add.f32.msk $0xffff, v2;
	v10 =	vmul.f32 $2.000000000e+01, v12;
	v12 =	vtrunc.f32 v14  }
0xea: {  	v16 =	vtrunc.f32 v16;
	v15 =	vshll.u32 v15, $0x4;
	v14 =	vld [tilespmem:s19+$0xFFFFFEF0];
	v12 =	vcvt.f32.s32 v12  }
0xeb: {  	v16 =	vcvt.f32.s32 v16;
	v15 =	vadd.s32 v7, v15;
	[tilespmem:v11+s12+$0x0] =	vst.idx.add.f32.msk $0xffff, v2  }
0xec: {  	v10 =	vtrunc.f32 v10;
	v11 =	vmul.f32 $2.000000000e+01, v17;
	v17 =	vld [tilespmem:s19+$0xFFFFFF20];
	v12 =	vshll.u32 v12, $0x4  }
0xed: {  	v16 =	vshll.u32 v16, $0x4;
	v10 =	vcvt.f32.s32 v10;
	v12 =	vadd.s32 v8, v12  }
0xee: {  	v16 =	vadd.s32 v7, v16;
	v11 =	vtrunc.f32 v11;
	[tilespmem:v13+s12+$0x0] =	vst.idx.add.f32.msk $0xffff, v2  }
0xef: {  	v10 =	vshll.u32 v10, $0x4;
	v11 =	vcvt.f32.s32 v11;
	v13 =	vld [tilespmem:s19+$0xFFFFFF10];
	v14 =	vmul.f32 $2.000000000e+01, v14  }
0xf0: {  	v10 =	vadd.s32 v7, v10;
	[tilespmem:v15+s12+$0x0] =	vst.idx.add.f32.msk $0xffff, v2  }
0xf1: {  	v11 =	vshll.u32 v11, $0x4;
	v14 =	vtrunc.f32 v14;
	v15 =	vmul.f32 $2.000000000e+01, v17;
	v17 =	vld [tilespmem:s19+$0xFFFFFF30]  }
0xf2: {  	v11 =	vadd.s32 v7, v11;
	v14 =	vcvt.f32.s32 v14;
	[tilespmem:v12+s12+$0x0] =	vst.idx.add.f32.msk $0xffff, v2  }
0xf3: {  	v12 =	vtrunc.f32 v15;
	v15 =	vld [tilespmem:s19+$0x0]  }
0xf4: {  	[tilespmem:v16+s12+$0x0] =	vst.idx.add.f32.msk $0xffff, v2;
	v13 =	vmul.f32 $2.000000000e+01, v13;
	v14 =	vshll.u32 v14, $0x4  }
0xf5: {  	[tilespmem:v10+s12+$0x0] =	vst.idx.add.f32.msk $0xffff, v2;
	v12 =	vcvt.f32.s32 v12;
	v10 =	vadd.s32 v7, v14  }
0xf6: {  	v16 =	vld [tilespmem:s19+$0xFFFFFF50];
	v13 =	vtrunc.f32 v13  }
0xf7: {  	v12 =	vshll.u32 v12, $0x4;
	[tilespmem:v11+s12+$0x0] =	vst.idx.add.f32.msk $0xffff, v2;
	v11 =	vcvt.f32.s32 v13;
	v13 =	vmul.f32 $2.000000000e+01, v17  }
0xf8: {  	v14 =	vld [tilespmem:s19+$0xFFFFFF40];
	v12 =	vadd.s32 v8, v12;
	v15 =	vmul.f32 $2.000000000e+01, v15  }
0xf9: {  	v18 =	vld [tilespmem:s19+$0xFFFFFF60];
	v11 =	vshll.u32 v11, $0x4;
	v13 =	vtrunc.f32 v13  }
0xfa: {  	v17 =	vadd.s32 v8, v11;
	[tilespmem:v10+s12+$0x0] =	vst.idx.add.f32.msk $0xffff, v2;
	v10 =	vcvt.f32.s32 v13;
	v11 =	vtrunc.f32 v15  }
0xfb: {  	v13 =	vld [tilespmem:s19+$0xFFFFFF70];
	v15 =	vcvt.f32.s32 v11  }
0xfc: {  	v10 =	vshll.u32 v10, $0x4  }
0xfd: {  	v19 =	vmul.f32 $2.000000000e+01, v14;
	[tilespmem:v12+s12+$0x0] =	vst.idx.add.f32.msk $0xffff, v2;
	v11 =	vadd.s32 v8, v10;
	v10 =	vshll.u32 v15, $0x4  }
0xfe: {  	v14 =	vmul.f32 $2.000000000e+01, v16;
	v12 =	vld [tilespmem:s19+$0xFFFFFFA0];
	v10 =	vadd.s32 v9, v10  }
0xff: {  	s21 =	simm.s32 $0x7F0;
	s20 =	simm.s32 $0x0;
	v16 =	vmul.f32 $2.000000000e+01, v18;
	[tilespmem:v17+s12+$0x0] =	vst.idx.add.f32.msk $0xffff, v2;
	v15 =	vtrunc.f32 v19  }
.LBB2_7:
0x100: {  	v17 =	vld [tilespmem:s21+$0xFFFFFE80];
	s20 =	sadd.s32 $0x80, s20;
	v14 =	vtrunc.f32 v14;
	v13 =	vmul.f32 $2.000000000e+01, v13  }
0x101: {  	v15 =	vcvt.f32.s32 v15;
	v18 =	vld [tilespmem:s21+$0xFFFFFE20];
	p1 =	slt.u32 s20, $0x380;
	v16 =	vtrunc.f32 v16  }
0x102: {  	v14 =	vcvt.f32.s32 v14;
	v19 =	vld [tilespmem:s21+$0xFFFFFE30];
	v13 =	vtrunc.f32 v13  }
0x103: {  	v15 =	vshll.u32 v15, $0x4;
	v16 =	vcvt.f32.s32 v16;
	v13 =	vcvt.f32.s32 v13;
	[tilespmem:v10+s12+$0x0] =	vst.idx.add.f32.msk $0xffff, v2  }
0x104: {  	v12 =	vmul.f32 $2.000000000e+01, v12;
	v15 =	vadd.s32 v8, v15;
	v14 =	vshll.u32 v14, $0x4;
	v10 =	vld [tilespmem:s21+$0xFFFFFE40]  }
0x105: {  	v16 =	vshll.u32 v16, $0x4;
	v20 =	vld [tilespmem:s21+$0xFFFFFE50];
	v17 =	vmul.f32 $2.000000000e+01, v17;
	v13 =	vshll.u32 v13, $0x4  }
0x106: {  	v14 =	vadd.s32 v8, v14;
	v16 =	vadd.s32 v8, v16;
	v18 =	vmul.f32 $2.000000000e+01, v18;
	v21 =	vld [tilespmem:s21+$0xFFFFFE60]  }
0x107: {  	v13 =	vadd.s32 v8, v13;
	v19 =	vmul.f32 $2.000000000e+01, v19;
	v22 =	vld [tilespmem:s21+$0xFFFFFE70];
	v17 =	vtrunc.f32 v17  }
0x108: {  	v23 =	vld [tilespmem:s21+$0xFFFFFE10];
	v18 =	vtrunc.f32 v18;
	v17 =	vcvt.f32.s32 v17  }
0x109: {  	v19 =	vtrunc.f32 v19;
	v10 =	vmul.f32 $2.000000000e+01, v10;
	[tilespmem:v11+s12+$0x0] =	vst.idx.add.f32.msk $0xffff, v2  }
0x10a: {  	v11 =	vcvt.f32.s32 v18;
	v18 =	vmul.f32 $2.000000000e+01, v20;
	v17 =	vshll.u32 v17, $0x4;
	[tilespmem:v15+s12+$0x0] =	vst.idx.add.f32.msk $0xffff, v2  }
0x10b: {  	v10 =	vtrunc.f32 v10;
	v15 =	vmul.f32 $2.000000000e+01, v21;
	v17 =	vadd.s32 v6, v17;
	[tilespmem:v14+s12+$0x0] =	vst.idx.add.f32.msk $0xffff, v2  }
0x10c: {  	v11 =	vshll.u32 v11, $0x4;
	v14 =	vtrunc.f32 v18;
	v18 =	vmul.f32 $2.000000000e+01, v22;
	[tilespmem:v16+s12+$0x0] =	vst.idx.add.f32.msk $0xffff, v2  }
0x10d: {  	v11 =	vadd.s32 v6, v11;
	v16 =	vmul.f32 $2.000000000e+01, v23;
	v15 =	vtrunc.f32 v15;
	[tilespmem:v13+s12+$0x0] =	vst.idx.add.f32.msk $0xffff, v2  }
0x10e: {  	v13 =	vcvt.f32.s32 v19;
	v18 =	vtrunc.f32 v18;
	v19 =	vld [tilespmem:s19+$0xFFFFFF90]  }
0x10f: {  	v10 =	vcvt.f32.s32 v10;
	v16 =	vtrunc.f32 v16;
	v20 =	vld [tilespmem:s19+$0xFFFFFFB0]  }
0x110: {  	v14 =	vcvt.f32.s32 v14;
	v13 =	vshll.u32 v13, $0x4;
	v16 =	vcvt.f32.s32 v16;
	[tilespmem:v17+s12+$0x0] =	vst.idx.add.f32.msk $0xffff, v2  }
0x111: {  	v10 =	vshll.u32 v10, $0x4;
	v15 =	vcvt.f32.s32 v15;
	v17 =	vcvt.f32.s32 v18;
	v18 =	vld [tilespmem:s21+$0xFFFFFF00]  }
0x112: {  	v16 =	vshll.u32 v16, $0x4;
	[tilespmem:v11+s12+$0x0] =	vst.idx.add.f32.msk $0xffff, v2;
	v11 =	vadd.s32 v6, v13;
	v13 =	vshll.u32 v14, $0x4  }
0x113: {  	v15 =	vshll.u32 v15, $0x4;
	v17 =	vshll.u32 v17, $0x4;
	v14 =	vadd.s32 v6, v16;
	v16 =	vld [tilespmem:s21+$0xFFFFFEA0]  }
0x114: {  	v10 =	vadd.s32 v6, v10;
	v15 =	vadd.s32 v6, v15;
	v13 =	vadd.s32 v6, v13;
	v21 =	vld [tilespmem:s19+$0xFFFFFFC0]  }
0x115: {  	v17 =	vadd.s32 v6, v17;
	v19 =	vmul.f32 $2.000000000e+01, v19;
	v20 =	vmul.f32 $2.000000000e+01, v20;
	v22 =	vld [tilespmem:s19+$0xFFFFFFD0]  }
0x116: {  	v12 =	vtrunc.f32 v12;
	v18 =	vmul.f32 $2.000000000e+01, v18;
	v23 =	vld [tilespmem:s19+$0xFFFFFFE0]  }
0x117: {  	[tilespmem:v11+s12+$0x0] =	vst.idx.add.f32.msk $0xffff, v2;
	v11 =	vtrunc.f32 v19;
	v19 =	vtrunc.f32 v20  }
0x118: {  	[tilespmem:v14+s12+$0x0] =	vst.idx.add.f32.msk $0xffff, v2;
	v14 =	vmul.f32 $2.000000000e+01, v16;
	v16 =	vtrunc.f32 v18  }
0x119: {  	[tilespmem:v10+s12+$0x0] =	vst.idx.add.f32.msk $0xffff, v2;
	v10 =	vcvt.f32.s32 v16;
	v16 =	vmul.f32 $2.000000000e+01, v21  }
0x11a: {  	v14 =	vtrunc.f32 v14;
	[tilespmem:v13+s12+$0x0] =	vst.idx.add.f32.msk $0xffff, v2;
	v13 =	vmul.f32 $2.000000000e+01, v22  }
0x11b: {  	v14 =	vcvt.f32.s32 v14;
	[tilespmem:v15+s12+$0x0] =	vst.idx.add.f32.msk $0xffff, v2;
	v10 =	vshll.u32 v10, $0x4;
	v15 =	vmul.f32 $2.000000000e+01, v23  }
0x11c: {  	v16 =	vtrunc.f32 v16;
	[tilespmem:v17+s12+$0x0] =	vst.idx.add.f32.msk $0xffff, v2;
	v10 =	vadd.s32 v7, v10;
	v13 =	vtrunc.f32 v13  }
0x11d: {  	v11 =	vcvt.f32.s32 v11;
	v17 =	vld [tilespmem:s21+$0xFFFFFE90];
	v14 =	vshll.u32 v14, $0x4;
	v15 =	vtrunc.f32 v15  }
0x11e: {  	v12 =	vcvt.f32.s32 v12;
	v19 =	vcvt.f32.s32 v19;
	v14 =	vadd.s32 v7, v14;
	v18 =	vld [tilespmem:s21+$0xFFFFFEB0]  }
0x11f: {  	v11 =	vshll.u32 v11, $0x4;
	v16 =	vcvt.f32.s32 v16;
	v13 =	vcvt.f32.s32 v13;
	v20 =	vld [tilespmem:s21+$0xFFFFFEC0]  }
0x120: {  	v12 =	vshll.u32 v12, $0x4;
	v19 =	vshll.u32 v19, $0x4;
	v15 =	vcvt.f32.s32 v15;
	v21 =	vld [tilespmem:s21+$0xFFFFFED0]  }
0x121: {  	v13 =	vshll.u32 v13, $0x4;
	[tilespmem:v10+s12+$0x0] =	vst.idx.add.f32.msk $0xffff, v2;
	v10 =	vadd.s32 v9, v11;
	v11 =	vshll.u32 v16, $0x4  }
0x122: {  	v12 =	vadd.s32 v9, v12;
	v15 =	vshll.u32 v15, $0x4;
	v16 =	vmul.f32 $2.000000000e+01, v17;
	v17 =	vld [tilespmem:s21+$0xFFFFFF80]  }
0x123: {  	v19 =	vadd.s32 v9, v19;
	v11 =	vadd.s32 v9, v11;
	v18 =	vmul.f32 $2.000000000e+01, v18;
	v22 =	vld [tilespmem:s21+$0xFFFFFEE0]  }
0x124: {  	v13 =	vadd.s32 v9, v13;
	v16 =	vtrunc.f32 v16;
	v20 =	vmul.f32 $2.000000000e+01, v20;
	v23 =	vld [tilespmem:s21+$0xFFFFFEF0]  }
0x125: {  	v15 =	vadd.s32 v9, v15;
	[tilespmem:v14+s12+$0x0] =	vst.idx.add.f32.msk $0xffff, v2;
	v14 =	vtrunc.f32 v18;
	v18 =	vmul.f32 $2.000000000e+01, v21  }
0x126: {  	v16 =	vcvt.f32.s32 v16;
	v21 =	vld [tilespmem:s21+$0xFFFFFF20];
	v20 =	vtrunc.f32 v20  }
0x127: {  	v18 =	vtrunc.f32 v18;
	v17 =	vmul.f32 $2.000000000e+01, v17;
	v24 =	vld [tilespmem:s19+$0xFFFFFFF0];
	s19 =	smov.u32 s21  }
0x128: {  	v14 =	vcvt.f32.s32 v14;
	v16 =	vshll.u32 v16, $0x4;
	v22 =	vmul.f32 $2.000000000e+01, v22;
	[tilespmem:v10+s12+$0x0] =	vst.idx.add.f32.msk $0xffff, v2  }
0x129: {  	v10 =	vadd.s32 v7, v16;
	v16 =	vmul.f32 $2.000000000e+01, v23;
	v17 =	vtrunc.f32 v17;
	[tilespmem:v12+s12+$0x0] =	vst.idx.add.f32.msk $0xffff, v2  }
0x12a: {  	v12 =	vshll.u32 v14, $0x4;
	v14 =	vtrunc.f32 v22;
	v17 =	vcvt.f32.s32 v17;
	[tilespmem:v19+s12+$0x0] =	vst.idx.add.f32.msk $0xffff, v2  }
0x12b: {  	v12 =	vadd.s32 v7, v12;
	v19 =	vcvt.f32.s32 v20;
	v16 =	vtrunc.f32 v16;
	[tilespmem:v11+s12+$0x0] =	vst.idx.add.f32.msk $0xffff, v2  }
0x12c: {  	v11 =	vcvt.f32.s32 v18;
	v14 =	vcvt.f32.s32 v14;
	v17 =	vshll.u32 v17, $0x4;
	[tilespmem:v13+s12+$0x0] =	vst.idx.add.f32.msk $0xffff, v2  }
0x12d: {  	v13 =	vshll.u32 v19, $0x4;
	v16 =	vcvt.f32.s32 v16;
	v17 =	vadd.s32 v8, v17;
	[tilespmem:v15+s12+$0x0] =	vst.idx.add.f32.msk $0xffff, v2  }
0x12e: {  	v11 =	vshll.u32 v11, $0x4;
	[tilespmem:v10+s12+$0x0] =	vst.idx.add.f32.msk $0xffff, v2;
	v10 =	vadd.s32 v7, v13;
	v13 =	vshll.u32 v14, $0x4  }
0x12f: {  	v11 =	vadd.s32 v7, v11;
	v15 =	vshll.u32 v16, $0x4;
	v14 =	vld [tilespmem:s21+$0xFFFFFF10];
	v13 =	vadd.s32 v7, v13  }
0x130: {  	v16 =	vmul.f32 $2.000000000e+01, v21;
	[tilespmem:v12+s12+$0x0] =	vst.idx.add.f32.msk $0xffff, v2;
	v12 =	vadd.s32 v7, v15;
	v15 =	vmul.f32 $2.000000000e+01, v24  }
0x131: {  	v18 =	vld [tilespmem:s21+$0xFFFFFF30]  }
0x132: {  	v16 =	vtrunc.f32 v16;
	[tilespmem:v17+s12+$0x0] =	vst.idx.add.f32.msk $0xffff, v2;
	v15 =	vtrunc.f32 v15  }
0x133: {  	v16 =	vcvt.f32.s32 v16;
	v17 =	vld [tilespmem:s21+$0x0];
	v15 =	vcvt.f32.s32 v15  }
0x134: {  	v14 =	vmul.f32 $2.000000000e+01, v14;
	[tilespmem:v10+s12+$0x0] =	vst.idx.add.f32.msk $0xffff, v2  }
0x135: {  	v10 =	vshll.u32 v16, $0x4;
	[tilespmem:v11+s12+$0x0] =	vst.idx.add.f32.msk $0xffff, v2;
	v11 =	vshll.u32 v15, $0x4  }
0x136: {  	v10 =	vadd.s32 v8, v10;
	v14 =	vtrunc.f32 v14;
	v15 =	vmul.f32 $2.000000000e+01, v18;
	[tilespmem:v13+s12+$0x0] =	vst.idx.add.f32.msk $0xffff, v2  }
0x137: {  	v16 =	vadd.s32 v9, v11;
	v13 =	vcvt.f32.s32 v14;
	[tilespmem:v12+s12+$0x0] =	vst.idx.add.f32.msk $0xffff, v2  }
0x138: {  	v11 =	vtrunc.f32 v15;
	v14 =	vld [tilespmem:s21+$0xFFFFFF40];
	v12 =	vmul.f32 $2.000000000e+01, v17  }
0x139: {  	v13 =	vshll.u32 v13, $0x4;
	v11 =	vcvt.f32.s32 v11;
	v15 =	vld [tilespmem:s21+$0xFFFFFF50]  }
0x13a: {  	v17 =	vadd.s32 v8, v13;
	v18 =	vld [tilespmem:s21+$0xFFFFFF60];
	v12 =	vtrunc.f32 v12  }
.Ltmp4:
0x13b: {  	v11 =	vshll.u32 v11, $0x4;
	v13 =	vld [tilespmem:s21+$0xFFFFFF70];
	v19 =	vcvt.f32.s32 v12;
	(pc) =	sbr.rel @p1 .LBB2_7-.Ltmp4, $4  }
0x13c: {  	[tilespmem:v10+s12+$0x0] =	vst.idx.add.f32.msk $0xffff, v2;
	v11 =	vadd.s32 v8, v11  }
0x13d: {  	v12 =	vld [tilespmem:s21+$0xFFFFFFA0];
	v20 =	vmul.f32 $2.000000000e+01, v14;
	v10 =	vshll.u32 v19, $0x4  }
0x13e: {  	v14 =	vmul.f32 $2.000000000e+01, v15;
	v10 =	vadd.s32 v9, v10;
	[tilespmem:v16+s12+$0x0] =	vst.idx.add.f32.msk $0xffff, v2  }
0x13f: {  	s21 =	sadd.s32 $0x400, s21;
	[tilespmem:v17+s12+$0x0] =	vst.idx.add.f32.msk $0xffff, v2;
	v15 =	vtrunc.f32 v20;
	v16 =	vmul.f32 $2.000000000e+01, v18  }
0x140: {  	v14 =	vtrunc.f32 v14;
	v15 =	vcvt.f32.s32 v15  }
0x141: {  	v14 =	vcvt.f32.s32 v14  }
0x142: {  	v15 =	vshll.u32 v15, $0x4  }
0x143: {  	v16 =	vtrunc.f32 v16;
	v15 =	vadd.s32 v8, v15;
	v14 =	vshll.u32 v14, $0x4  }
0x144: {  	v16 =	vcvt.f32.s32 v16;
	v14 =	vadd.s32 v8, v14;
	_ =	sdelay $0x1  }
0x145: {  	[tilespmem:v11+s12+$0x0] =	vst.idx.add.f32.msk $0xffff, v2;
	v16 =	vshll.u32 v16, $0x4  }
0x146: {  	v11 =	vmul.f32 $2.000000000e+01, v13;
	v13 =	vld [tilespmem:s19+$0xFFFFFF90];
	v16 =	vadd.s32 v8, v16  }
0x147: {  	[tilespmem:v15+s12+$0x0] =	vst.idx.add.f32.msk $0xffff, v2  }
0x148: {  	v11 =	vtrunc.f32 v11;
	[tilespmem:v14+s12+$0x0] =	vst.idx.add.f32.msk $0xffff, v2  }
0x149: {  	v11 =	vcvt.f32.s32 v11;
	v14 =	vld [tilespmem:s19+$0xFFFFFFB0]  }
0x14a: {  	v15 =	vld [tilespmem:s19+$0xFFFFFFC0]  }
0x14b: {  	v11 =	vshll.u32 v11, $0x4;
	[tilespmem:v16+s12+$0x0] =	vst.idx.add.f32.msk $0xffff, v2  }
0x14c: {  	v11 =	vadd.s32 v8, v11;
	v16 =	vld [tilespmem:s19+$0xFFFFFFD0]  }
0x14d: {  	v12 =	vmul.f32 $2.000000000e+01, v12;
	v17 =	vld [tilespmem:s19+$0xFFFFFFE0];
	_ =	sdelay $0x1  }
0x14e: {  	v12 =	vtrunc.f32 v12  }
0x14f: {  	v13 =	vmul.f32 $2.000000000e+01, v13;
	v12 =	vcvt.f32.s32 v12  }
0x150: {  	[tilespmem:v11+s12+$0x0] =	vst.idx.add.f32.msk $0xffff, v2;
	v14 =	vmul.f32 $2.000000000e+01, v14;
	v11 =	vmul.f32 $2.000000000e+01, v15  }
0x151: {  	v15 =	vmul.f32 $2.000000000e+01, v16;
	v16 =	vmul.f32 $2.000000000e+01, v17;
	v17 =	vld [tilespmem:s19+$0xFFFFFFF0]  }
0x152: {  	v13 =	vtrunc.f32 v13  }
0x153: {  	v12 =	vshll.u32 v12, $0x4;
	v13 =	vcvt.f32.s32 v13;
	v14 =	vtrunc.f32 v14  }
0x154: {  	v12 =	vadd.s32 v9, v12;
	v11 =	vtrunc.f32 v11;
	v15 =	vtrunc.f32 v15  }
0x155: {  	v13 =	vshll.u32 v13, $0x4;
	v14 =	vcvt.f32.s32 v14;
	v11 =	vcvt.f32.s32 v11  }
0x156: {  	v13 =	vadd.s32 v9, v13;
	v16 =	vtrunc.f32 v16;
	v17 =	vmul.f32 $2.000000000e+01, v17  }
0x157: {  	v15 =	vcvt.f32.s32 v15;
	v14 =	vshll.u32 v14, $0x4;
	v16 =	vcvt.f32.s32 v16  }
0x158: {  	v11 =	vshll.u32 v11, $0x4;
	v14 =	vadd.s32 v9, v14;
	v17 =	vtrunc.f32 v17  }
0x159: {  	v15 =	vshll.u32 v15, $0x4;
	v11 =	vadd.s32 v9, v11;
	v17 =	vcvt.f32.s32 v17  }
0x15a: {  	[tilespmem:v10+s12+$0x0] =	vst.idx.add.f32.msk $0xffff, v2;
	v10 =	vshll.u32 v16, $0x4;
	v15 =	vadd.s32 v9, v15  }
0x15b: {  	[tilespmem:v13+s12+$0x0] =	vst.idx.add.f32.msk $0xffff, v2;
	v10 =	vadd.s32 v9, v10;
	v13 =	vshll.u32 v17, $0x4  }
0x15c: {  	[tilespmem:v12+s12+$0x0] =	vst.idx.add.f32.msk $0xffff, v2;
	v12 =	vadd.s32 v9, v13  }
0x15d: {  	[tilespmem:v14+s12+$0x0] =	vst.idx.add.f32.msk $0xffff, v2  }
0x15e: {  	[tilespmem:v11+s12+$0x0] =	vst.idx.add.f32.msk $0xffff, v2  }
0x15f: {  	[tilespmem:v15+s12+$0x0] =	vst.idx.add.f32.msk $0xffff, v2  }
0x160: {  	[tilespmem:v10+s12+$0x0] =	vst.idx.add.f32.msk $0xffff, v2  }
0x161: {  	s18 =	sadd.s32 s9, s18;
	[tilespmem:v12+s12+$0x0] =	vst.idx.add.f32.msk $0xffff, v2  }
0x162: {  	[tilespmem:s2], [sflag:$0x1] =	stream.linear.gather [hbm4b:s18+s2], $0x2000, $0x38;
	[tilespmem:$0x4E00] =	vst v63  }
0x163: {  	_ =	swait.ge [sflag:s13], $0x2000  }
0x164: {  	[sflag:s13] =	ssyncset.done $0x0  }
0x165: {  	s19 =	simm.s32 $0x2100;
	[sflag:s13] =	ssyncadd.s32 $0xFFFFE000  }
0x166: {  	v10 =	vld [tilespmem:s19+$0xFFFFFF70];
	_ =	sdelay $0x4  }
0x167: {  	v10 =	vmul.f32 $2.000000000e+01, v10;
	_ =	sdelay $0x1  }
0x168: {  	v11 =	vld [tilespmem:s19+$0xFFFFFF10];
	v10 =	vtrunc.f32 v10  }
0x169: {  	v12 =	vld [tilespmem:s19+$0xFFFFFF20];
	v10 =	vcvt.f32.s32 v10  }
0x16a: {  	v13 =	vld [tilespmem:s19+$0xFFFFFF30]  }
0x16b: {  	v10 =	vshll.u32 v10, $0x4  }
0x16c: {  	v10 =	vor.u32 v0, v10  }
0x16d: {  	v14 =	vld [tilespmem:s19+$0xFFFFFF00]  }
0x16e: {  	v15 =	vld [tilespmem:s19+$0xFFFFFF40];
	v11 =	vmul.f32 $2.000000000e+01, v11;
	v12 =	vmul.f32 $2.000000000e+01, v12  }
0x16f: {  	v13 =	vmul.f32 $2.000000000e+01, v13  }
0x170: {  	v11 =	vtrunc.f32 v11;
	v12 =	vtrunc.f32 v12  }
0x171: {  	v13 =	vtrunc.f32 v13;
	[tilespmem:v10+s12+$0x0] =	vst.idx.add.f32.msk $0xffff, v2;
	v10 =	vcvt.f32.s32 v11  }
0x172: {  	v12 =	vcvt.f32.s32 v12;
	v11 =	vmul.f32 $2.000000000e+01, v14;
	v14 =	vld [tilespmem:s19+$0xFFFFFFF0]  }
0x173: {  	v15 =	vmul.f32 $2.000000000e+01, v15;
	v13 =	vcvt.f32.s32 v13;
	v10 =	vshll.u32 v10, $0x4  }
0x174: {  	v16 =	vld [tilespmem:s19+$0xFFFFFF50];
	v12 =	vshll.u32 v12, $0x4;
	v11 =	vtrunc.f32 v11;
	v10 =	vor.u32 v0, v10  }
0x175: {  	v13 =	vshll.u32 v13, $0x4;
	v12 =	vor.u32 v0, v12;
	v11 =	vcvt.f32.s32 v11  }
0x176: {  	v15 =	vtrunc.f32 v15;
	v13 =	vor.u32 v0, v13  }
0x177: {  	v15 =	vcvt.f32.s32 v15;
	v11 =	vshll.u32 v11, $0x4;
	v14 =	vmul.f32 $2.000000000e+01, v14  }
0x178: {  	v17 =	vld [tilespmem:s19+$0xFFFFFF60];
	v11 =	vor.u32 v0, v11  }
0x179: {  	v16 =	vmul.f32 $2.000000000e+01, v16;
	v14 =	vtrunc.f32 v14;
	[tilespmem:v10+s12+$0x0] =	vst.idx.add.f32.msk $0xffff, v2;
	v10 =	vshll.u32 v15, $0x4  }
0x17a: {  	[tilespmem:v12+s12+$0x0] =	vst.idx.add.f32.msk $0xffff, v2;
	v14 =	vcvt.f32.s32 v14;
	v10 =	vor.u32 v0, v10  }
0x17b: {  	[tilespmem:v13+s12+$0x0] =	vst.idx.add.f32.msk $0xffff, v2;
	v15 =	vtrunc.f32 v16  }
0x17c: {  	v16 =	vld [tilespmem:s19+$0xFFFFFF90];
	v15 =	vcvt.f32.s32 v15;
	v12 =	vshll.u32 v14, $0x4  }
0x17d: {  	[tilespmem:v11+s12+$0x0] =	vst.idx.add.f32.msk $0xffff, v2;
	v11 =	vadd.s32 v3, v12  }
0x17e: {  	v12 =	vshll.u32 v15, $0x4;
	v14 =	vld [tilespmem:s19+$0xFFFFFF80];
	v15 =	vmul.f32 $2.000000000e+01, v17  }
0x17f: {  	v12 =	vor.u32 v0, v12;
	[tilespmem:v10+s12+$0x0] =	vst.idx.add.f32.msk $0xffff, v2  }
0x180: {  	v10 =	vtrunc.f32 v15;
	v15 =	vld [tilespmem:s19+$0xFFFFFFA0]  }
0x181: {  	v13 =	vmul.f32 $2.000000000e+01, v16;
	v16 =	vld [tilespmem:s19+$0xFFFFFFC0]  }
0x182: {  	v10 =	vcvt.f32.s32 v10;
	[tilespmem:v11+s12+$0x0] =	vst.idx.add.f32.msk $0xffff, v2  }
0x183: {  	v11 =	vtrunc.f32 v13;
	v13 =	vmul.f32 $2.000000000e+01, v14;
	v14 =	vld [tilespmem:s19+$0x70]  }
0x184: {  	v10 =	vshll.u32 v10, $0x4;
	v11 =	vcvt.f32.s32 v11;
	[tilespmem:v12+s12+$0x0] =	vst.idx.add.f32.msk $0xffff, v2  }
0x185: {  	v10 =	vor.u32 v0, v10;
	v12 =	vld [tilespmem:s19+$0xFFFFFFB0]  }
0x186: {  	v13 =	vtrunc.f32 v13;
	v15 =	vmul.f32 $2.000000000e+01, v15;
	v11 =	vshll.u32 v11, $0x4  }
0x187: {  	v13 =	vcvt.f32.s32 v13;
	v11 =	vadd.s32 v3, v11  }
0x188: {  	v17 =	vld [tilespmem:s19+$0xFFFFFFD0];
	v15 =	vtrunc.f32 v15;
	v14 =	vmul.f32 $2.000000000e+01, v14  }
0x189: {  	v16 =	vmul.f32 $2.000000000e+01, v16;
	v13 =	vshll.u32 v13, $0x4;
	v15 =	vcvt.f32.s32 v15  }
0x18a: {  	v13 =	vadd.s32 v3, v13;
	[tilespmem:v10+s12+$0x0] =	vst.idx.add.f32.msk $0xffff, v2;
	v10 =	vmul.f32 $2.000000000e+01, v12;
	v12 =	vtrunc.f32 v14  }
0x18b: {  	v16 =	vtrunc.f32 v16;
	v15 =	vshll.u32 v15, $0x4;
	v14 =	vld [tilespmem:s19+$0xFFFFFFE0];
	v12 =	vcvt.f32.s32 v12  }
0x18c: {  	v16 =	vcvt.f32.s32 v16;
	v15 =	vadd.s32 v3, v15;
	[tilespmem:v11+s12+$0x0] =	vst.idx.add.f32.msk $0xffff, v2  }
0x18d: {  	v10 =	vtrunc.f32 v10;
	v11 =	vmul.f32 $2.000000000e+01, v17;
	v17 =	vld [tilespmem:s19+$0x10];
	v12 =	vshll.u32 v12, $0x4  }
0x18e: {  	v16 =	vshll.u32 v16, $0x4;
	v10 =	vcvt.f32.s32 v10;
	v12 =	vadd.s32 v4, v12  }
0x18f: {  	v16 =	vadd.s32 v3, v16;
	v11 =	vtrunc.f32 v11;
	[tilespmem:v13+s12+$0x0] =	vst.idx.add.f32.msk $0xffff, v2  }
0x190: {  	v10 =	vshll.u32 v10, $0x4;
	v11 =	vcvt.f32.s32 v11;
	v13 =	vld [tilespmem:s19+$0x0];
	v14 =	vmul.f32 $2.000000000e+01, v14  }
0x191: {  	v10 =	vadd.s32 v3, v10;
	[tilespmem:v15+s12+$0x0] =	vst.idx.add.f32.msk $0xffff, v2  }
0x192: {  	v11 =	vshll.u32 v11, $0x4;
	v14 =	vtrunc.f32 v14;
	v15 =	vmul.f32 $2.000000000e+01, v17;
	v17 =	vld [tilespmem:s19+$0x20]  }
0x193: {  	v11 =	vadd.s32 v3, v11;
	v14 =	vcvt.f32.s32 v14;
	[tilespmem:v12+s12+$0x0] =	vst.idx.add.f32.msk $0xffff, v2  }
0x194: {  	v12 =	vtrunc.f32 v15;
	v15 =	vld [tilespmem:s19+$0xF0]  }
0x195: {  	[tilespmem:v16+s12+$0x0] =	vst.idx.add.f32.msk $0xffff, v2;
	v13 =	vmul.f32 $2.000000000e+01, v13;
	v14 =	vshll.u32 v14, $0x4  }
0x196: {  	[tilespmem:v10+s12+$0x0] =	vst.idx.add.f32.msk $0xffff, v2;
	v12 =	vcvt.f32.s32 v12;
	v10 =	vadd.s32 v3, v14  }
0x197: {  	v16 =	vld [tilespmem:s19+$0x40];
	v13 =	vtrunc.f32 v13  }
0x198: {  	v12 =	vshll.u32 v12, $0x4;
	[tilespmem:v11+s12+$0x0] =	vst.idx.add.f32.msk $0xffff, v2;
	v11 =	vcvt.f32.s32 v13;
	v13 =	vmul.f32 $2.000000000e+01, v17  }
0x199: {  	v14 =	vld [tilespmem:s19+$0x30];
	v12 =	vadd.s32 v4, v12;
	v15 =	vmul.f32 $2.000000000e+01, v15  }
0x19a: {  	v18 =	vld [tilespmem:s19+$0x50];
	v11 =	vshll.u32 v11, $0x4;
	v13 =	vtrunc.f32 v13  }
0x19b: {  	v17 =	vadd.s32 v4, v11;
	[tilespmem:v10+s12+$0x0] =	vst.idx.add.f32.msk $0xffff, v2;
	v10 =	vcvt.f32.s32 v13;
	v11 =	vtrunc.f32 v15  }
0x19c: {  	v13 =	vld [tilespmem:s19+$0x60];
	v15 =	vcvt.f32.s32 v11  }
0x19d: {  	v10 =	vshll.u32 v10, $0x4  }
0x19e: {  	v19 =	vmul.f32 $2.000000000e+01, v14;
	[tilespmem:v12+s12+$0x0] =	vst.idx.add.f32.msk $0xffff, v2;
	v11 =	vadd.s32 v4, v10;
	v10 =	vshll.u32 v15, $0x4  }
0x19f: {  	v14 =	vmul.f32 $2.000000000e+01, v16;
	v12 =	vld [tilespmem:s19+$0x90];
	v10 =	vadd.s32 v5, v10  }
0x1a0: {  	s20 =	simm.s32 $0x0;
	s21 =	simm.s32 $0x2500;
	v16 =	vmul.f32 $2.000000000e+01, v18;
	[tilespmem:v17+s12+$0x0] =	vst.idx.add.f32.msk $0xffff, v2;
	v15 =	vtrunc.f32 v19  }
.LBB2_9:
0x1a1: {  	v17 =	vld [tilespmem:s21+$0xFFFFFF70];
	s20 =	sadd.s32 $0x80, s20;
	v14 =	vtrunc.f32 v14;
	v13 =	vmul.f32 $2.000000000e+01, v13  }
0x1a2: {  	v15 =	vcvt.f32.s32 v15;
	v18 =	vld [tilespmem:s21+$0xFFFFFF10];
	p1 =	slt.u32 s20, $0x380;
	v16 =	vtrunc.f32 v16  }
0x1a3: {  	v14 =	vcvt.f32.s32 v14;
	v19 =	vld [tilespmem:s21+$0xFFFFFF20];
	v13 =	vtrunc.f32 v13  }
0x1a4: {  	s18 =	simm.s32 $0x23F0;
	v15 =	vshll.u32 v15, $0x4;
	v16 =	vcvt.f32.s32 v16;
	v13 =	vcvt.f32.s32 v13;
	[tilespmem:v10+s12+$0x0] =	vst.idx.add.f32.msk $0xffff, v2  }
0x1a5: {  	v12 =	vmul.f32 $2.000000000e+01, v12;
	v15 =	vadd.s32 v4, v15;
	v14 =	vshll.u32 v14, $0x4;
	v10 =	vld [tilespmem:s21+$0xFFFFFF30]  }
0x1a6: {  	v16 =	vshll.u32 v16, $0x4;
	v20 =	vld [tilespmem:s21+$0xFFFFFF40];
	v17 =	vmul.f32 $2.000000000e+01, v17;
	v13 =	vshll.u32 v13, $0x4  }
0x1a7: {  	v14 =	vadd.s32 v4, v14;
	v16 =	vadd.s32 v4, v16;
	v18 =	vmul.f32 $2.000000000e+01, v18;
	v21 =	vld [tilespmem:s21+$0xFFFFFF50]  }
0x1a8: {  	v13 =	vadd.s32 v4, v13;
	v19 =	vmul.f32 $2.000000000e+01, v19;
	v22 =	vld [tilespmem:s21+$0xFFFFFF60];
	v17 =	vtrunc.f32 v17  }
0x1a9: {  	v23 =	vld [tilespmem:s21+$0xFFFFFF00];
	v18 =	vtrunc.f32 v18;
	v17 =	vcvt.f32.s32 v17  }
0x1aa: {  	v19 =	vtrunc.f32 v19;
	v10 =	vmul.f32 $2.000000000e+01, v10;
	[tilespmem:v11+s12+$0x0] =	vst.idx.add.f32.msk $0xffff, v2  }
0x1ab: {  	v11 =	vcvt.f32.s32 v18;
	v18 =	vmul.f32 $2.000000000e+01, v20;
	v17 =	vshll.u32 v17, $0x4;
	[tilespmem:v15+s12+$0x0] =	vst.idx.add.f32.msk $0xffff, v2  }
0x1ac: {  	v10 =	vtrunc.f32 v10;
	v15 =	vmul.f32 $2.000000000e+01, v21;
	v17 =	vor.u32 v0, v17;
	[tilespmem:v14+s12+$0x0] =	vst.idx.add.f32.msk $0xffff, v2  }
0x1ad: {  	v11 =	vshll.u32 v11, $0x4;
	v14 =	vtrunc.f32 v18;
	v18 =	vmul.f32 $2.000000000e+01, v22;
	[tilespmem:v16+s12+$0x0] =	vst.idx.add.f32.msk $0xffff, v2  }
0x1ae: {  	v11 =	vor.u32 v0, v11;
	v16 =	vmul.f32 $2.000000000e+01, v23;
	v15 =	vtrunc.f32 v15;
	[tilespmem:v13+s12+$0x0] =	vst.idx.add.f32.msk $0xffff, v2  }
0x1af: {  	v13 =	vcvt.f32.s32 v19;
	v18 =	vtrunc.f32 v18;
	v19 =	vld [tilespmem:s19+$0x80]  }
0x1b0: {  	v10 =	vcvt.f32.s32 v10;
	v16 =	vtrunc.f32 v16;
	v20 =	vld [tilespmem:s19+$0xA0]  }
0x1b1: {  	v14 =	vcvt.f32.s32 v14;
	v13 =	vshll.u32 v13, $0x4;
	v16 =	vcvt.f32.s32 v16;
	[tilespmem:v17+s12+$0x0] =	vst.idx.add.f32.msk $0xffff, v2  }
0x1b2: {  	v10 =	vshll.u32 v10, $0x4;
	v15 =	vcvt.f32.s32 v15;
	v17 =	vcvt.f32.s32 v18;
	v18 =	vld [tilespmem:s21+$0xFFFFFFF0]  }
0x1b3: {  	v16 =	vshll.u32 v16, $0x4;
	[tilespmem:v11+s12+$0x0] =	vst.idx.add.f32.msk $0xffff, v2;
	v11 =	vor.u32 v0, v13;
	v13 =	vshll.u32 v14, $0x4  }
0x1b4: {  	v15 =	vshll.u32 v15, $0x4;
	v17 =	vshll.u32 v17, $0x4;
	v14 =	vor.u32 v0, v16;
	v16 =	vld [tilespmem:s21+$0xFFFFFF90]  }
0x1b5: {  	v10 =	vor.u32 v0, v10;
	v15 =	vor.u32 v0, v15;
	v13 =	vor.u32 v0, v13;
	v21 =	vld [tilespmem:s19+$0xB0]  }
0x1b6: {  	v17 =	vor.u32 v0, v17;
	v19 =	vmul.f32 $2.000000000e+01, v19;
	v20 =	vmul.f32 $2.000000000e+01, v20;
	v22 =	vld [tilespmem:s19+$0xC0]  }
0x1b7: {  	v12 =	vtrunc.f32 v12;
	v18 =	vmul.f32 $2.000000000e+01, v18;
	v23 =	vld [tilespmem:s19+$0xD0]  }
0x1b8: {  	[tilespmem:v11+s12+$0x0] =	vst.idx.add.f32.msk $0xffff, v2;
	v11 =	vtrunc.f32 v19;
	v19 =	vtrunc.f32 v20  }
0x1b9: {  	[tilespmem:v14+s12+$0x0] =	vst.idx.add.f32.msk $0xffff, v2;
	v14 =	vmul.f32 $2.000000000e+01, v16;
	v16 =	vtrunc.f32 v18  }
0x1ba: {  	[tilespmem:v10+s12+$0x0] =	vst.idx.add.f32.msk $0xffff, v2;
	v10 =	vcvt.f32.s32 v16;
	v16 =	vmul.f32 $2.000000000e+01, v21  }
0x1bb: {  	v14 =	vtrunc.f32 v14;
	[tilespmem:v13+s12+$0x0] =	vst.idx.add.f32.msk $0xffff, v2;
	v13 =	vmul.f32 $2.000000000e+01, v22  }
0x1bc: {  	v14 =	vcvt.f32.s32 v14;
	[tilespmem:v15+s12+$0x0] =	vst.idx.add.f32.msk $0xffff, v2;
	v10 =	vshll.u32 v10, $0x4;
	v15 =	vmul.f32 $2.000000000e+01, v23  }
0x1bd: {  	v16 =	vtrunc.f32 v16;
	[tilespmem:v17+s12+$0x0] =	vst.idx.add.f32.msk $0xffff, v2;
	v10 =	vadd.s32 v3, v10;
	v13 =	vtrunc.f32 v13  }
0x1be: {  	v11 =	vcvt.f32.s32 v11;
	v17 =	vld [tilespmem:s21+$0xFFFFFF80];
	v14 =	vshll.u32 v14, $0x4;
	v15 =	vtrunc.f32 v15  }
0x1bf: {  	v12 =	vcvt.f32.s32 v12;
	v19 =	vcvt.f32.s32 v19;
	v14 =	vadd.s32 v3, v14;
	v18 =	vld [tilespmem:s21+$0xFFFFFFA0]  }
0x1c0: {  	v11 =	vshll.u32 v11, $0x4;
	v16 =	vcvt.f32.s32 v16;
	v13 =	vcvt.f32.s32 v13;
	v20 =	vld [tilespmem:s21+$0xFFFFFFB0]  }
0x1c1: {  	v12 =	vshll.u32 v12, $0x4;
	v19 =	vshll.u32 v19, $0x4;
	v15 =	vcvt.f32.s32 v15;
	v21 =	vld [tilespmem:s21+$0xFFFFFFC0]  }
0x1c2: {  	v13 =	vshll.u32 v13, $0x4;
	[tilespmem:v10+s12+$0x0] =	vst.idx.add.f32.msk $0xffff, v2;
	v10 =	vadd.s32 v5, v11;
	v11 =	vshll.u32 v16, $0x4  }
0x1c3: {  	v12 =	vadd.s32 v5, v12;
	v15 =	vshll.u32 v15, $0x4;
	v16 =	vmul.f32 $2.000000000e+01, v17;
	v17 =	vld [tilespmem:s21+$0x70]  }
0x1c4: {  	v19 =	vadd.s32 v5, v19;
	v11 =	vadd.s32 v5, v11;
	v18 =	vmul.f32 $2.000000000e+01, v18;
	v22 =	vld [tilespmem:s21+$0xFFFFFFD0]  }
0x1c5: {  	v13 =	vadd.s32 v5, v13;
	v16 =	vtrunc.f32 v16;
	v20 =	vmul.f32 $2.000000000e+01, v20;
	v23 =	vld [tilespmem:s21+$0xFFFFFFE0]  }
0x1c6: {  	v15 =	vadd.s32 v5, v15;
	[tilespmem:v14+s12+$0x0] =	vst.idx.add.f32.msk $0xffff, v2;
	v14 =	vtrunc.f32 v18;
	v18 =	vmul.f32 $2.000000000e+01, v21  }
0x1c7: {  	v16 =	vcvt.f32.s32 v16;
	v21 =	vld [tilespmem:s21+$0x10];
	v20 =	vtrunc.f32 v20  }
0x1c8: {  	v18 =	vtrunc.f32 v18;
	v17 =	vmul.f32 $2.000000000e+01, v17;
	v24 =	vld [tilespmem:s19+$0xE0];
	s19 =	smov.u32 s21  }
0x1c9: {  	v14 =	vcvt.f32.s32 v14;
	v16 =	vshll.u32 v16, $0x4;
	v22 =	vmul.f32 $2.000000000e+01, v22;
	[tilespmem:v10+s12+$0x0] =	vst.idx.add.f32.msk $0xffff, v2  }
0x1ca: {  	v10 =	vadd.s32 v3, v16;
	v16 =	vmul.f32 $2.000000000e+01, v23;
	v17 =	vtrunc.f32 v17;
	[tilespmem:v12+s12+$0x0] =	vst.idx.add.f32.msk $0xffff, v2  }
0x1cb: {  	v12 =	vshll.u32 v14, $0x4;
	v14 =	vtrunc.f32 v22;
	v17 =	vcvt.f32.s32 v17;
	[tilespmem:v19+s12+$0x0] =	vst.idx.add.f32.msk $0xffff, v2  }
0x1cc: {  	v12 =	vadd.s32 v3, v12;
	v19 =	vcvt.f32.s32 v20;
	v16 =	vtrunc.f32 v16;
	[tilespmem:v11+s12+$0x0] =	vst.idx.add.f32.msk $0xffff, v2  }
0x1cd: {  	v11 =	vcvt.f32.s32 v18;
	v14 =	vcvt.f32.s32 v14;
	v17 =	vshll.u32 v17, $0x4;
	[tilespmem:v13+s12+$0x0] =	vst.idx.add.f32.msk $0xffff, v2  }
0x1ce: {  	v13 =	vshll.u32 v19, $0x4;
	v16 =	vcvt.f32.s32 v16;
	v17 =	vadd.s32 v4, v17;
	[tilespmem:v15+s12+$0x0] =	vst.idx.add.f32.msk $0xffff, v2  }
0x1cf: {  	v11 =	vshll.u32 v11, $0x4;
	[tilespmem:v10+s12+$0x0] =	vst.idx.add.f32.msk $0xffff, v2;
	v10 =	vadd.s32 v3, v13;
	v13 =	vshll.u32 v14, $0x4  }
0x1d0: {  	v11 =	vadd.s32 v3, v11;
	v15 =	vshll.u32 v16, $0x4;
	v14 =	vld [tilespmem:s21+$0x0];
	v13 =	vadd.s32 v3, v13  }
0x1d1: {  	v16 =	vmul.f32 $2.000000000e+01, v21;
	[tilespmem:v12+s12+$0x0] =	vst.idx.add.f32.msk $0xffff, v2;
	v12 =	vadd.s32 v3, v15;
	v15 =	vmul.f32 $2.000000000e+01, v24  }
0x1d2: {  	v18 =	vld [tilespmem:s21+$0x20]  }
0x1d3: {  	v16 =	vtrunc.f32 v16;
	[tilespmem:v17+s12+$0x0] =	vst.idx.add.f32.msk $0xffff, v2;
	v15 =	vtrunc.f32 v15  }
0x1d4: {  	v16 =	vcvt.f32.s32 v16;
	v17 =	vld [tilespmem:s21+$0xF0];
	v15 =	vcvt.f32.s32 v15  }
0x1d5: {  	v14 =	vmul.f32 $2.000000000e+01, v14;
	[tilespmem:v10+s12+$0x0] =	vst.idx.add.f32.msk $0xffff, v2  }
0x1d6: {  	v10 =	vshll.u32 v16, $0x4;
	[tilespmem:v11+s12+$0x0] =	vst.idx.add.f32.msk $0xffff, v2;
	v11 =	vshll.u32 v15, $0x4  }
0x1d7: {  	v10 =	vadd.s32 v4, v10;
	v14 =	vtrunc.f32 v14;
	v15 =	vmul.f32 $2.000000000e+01, v18;
	[tilespmem:v13+s12+$0x0] =	vst.idx.add.f32.msk $0xffff, v2  }
0x1d8: {  	v16 =	vadd.s32 v5, v11;
	v13 =	vcvt.f32.s32 v14;
	[tilespmem:v12+s12+$0x0] =	vst.idx.add.f32.msk $0xffff, v2  }
0x1d9: {  	v11 =	vtrunc.f32 v15;
	v14 =	vld [tilespmem:s21+$0x30];
	v12 =	vmul.f32 $2.000000000e+01, v17  }
0x1da: {  	v13 =	vshll.u32 v13, $0x4;
	v11 =	vcvt.f32.s32 v11;
	v15 =	vld [tilespmem:s21+$0x40]  }
0x1db: {  	v17 =	vadd.s32 v4, v13;
	v18 =	vld [tilespmem:s21+$0x50];
	v12 =	vtrunc.f32 v12  }
.Ltmp5:
0x1dc: {  	v11 =	vshll.u32 v11, $0x4;
	v13 =	vld [tilespmem:s21+$0x60];
	v19 =	vcvt.f32.s32 v12;
	(pc) =	sbr.rel @p1 .LBB2_9-.Ltmp5, $4  }
0x1dd: {  	[tilespmem:v10+s12+$0x0] =	vst.idx.add.f32.msk $0xffff, v2;
	v11 =	vadd.s32 v4, v11  }
0x1de: {  	v12 =	vld [tilespmem:s21+$0x90];
	v20 =	vmul.f32 $2.000000000e+01, v14;
	v10 =	vshll.u32 v19, $0x4  }
0x1df: {  	v14 =	vmul.f32 $2.000000000e+01, v15;
	v10 =	vadd.s32 v5, v10;
	[tilespmem:v16+s12+$0x0] =	vst.idx.add.f32.msk $0xffff, v2  }
0x1e0: {  	s21 =	sadd.s32 $0x400, s21;
	[tilespmem:v17+s12+$0x0] =	vst.idx.add.f32.msk $0xffff, v2;
	v15 =	vtrunc.f32 v20;
	v16 =	vmul.f32 $2.000000000e+01, v18  }
0x1e1: {  	v14 =	vtrunc.f32 v14;
	v15 =	vcvt.f32.s32 v15  }
0x1e2: {  	v14 =	vcvt.f32.s32 v14  }
0x1e3: {  	v15 =	vshll.u32 v15, $0x4  }
0x1e4: {  	v16 =	vtrunc.f32 v16;
	v15 =	vadd.s32 v4, v15;
	v14 =	vshll.u32 v14, $0x4  }
0x1e5: {  	v16 =	vcvt.f32.s32 v16;
	v14 =	vadd.s32 v4, v14;
	_ =	sdelay $0x1  }
0x1e6: {  	[tilespmem:v11+s12+$0x0] =	vst.idx.add.f32.msk $0xffff, v2;
	v16 =	vshll.u32 v16, $0x4  }
0x1e7: {  	v11 =	vmul.f32 $2.000000000e+01, v13;
	v13 =	vld [tilespmem:s19+$0x80];
	v16 =	vadd.s32 v4, v16  }
0x1e8: {  	[tilespmem:v15+s12+$0x0] =	vst.idx.add.f32.msk $0xffff, v2  }
0x1e9: {  	v11 =	vtrunc.f32 v11;
	[tilespmem:v14+s12+$0x0] =	vst.idx.add.f32.msk $0xffff, v2  }
0x1ea: {  	v11 =	vcvt.f32.s32 v11;
	v14 =	vld [tilespmem:s19+$0xA0]  }
0x1eb: {  	v15 =	vld [tilespmem:s19+$0xB0]  }
0x1ec: {  	v11 =	vshll.u32 v11, $0x4;
	[tilespmem:v16+s12+$0x0] =	vst.idx.add.f32.msk $0xffff, v2  }
0x1ed: {  	v11 =	vadd.s32 v4, v11;
	v16 =	vld [tilespmem:s19+$0xC0]  }
0x1ee: {  	v12 =	vmul.f32 $2.000000000e+01, v12;
	v17 =	vld [tilespmem:s19+$0xD0];
	_ =	sdelay $0x1  }
0x1ef: {  	v12 =	vtrunc.f32 v12  }
0x1f0: {  	v13 =	vmul.f32 $2.000000000e+01, v13;
	v12 =	vcvt.f32.s32 v12  }
0x1f1: {  	[tilespmem:v11+s12+$0x0] =	vst.idx.add.f32.msk $0xffff, v2;
	v14 =	vmul.f32 $2.000000000e+01, v14;
	v11 =	vmul.f32 $2.000000000e+01, v15  }
0x1f2: {  	v15 =	vmul.f32 $2.000000000e+01, v16;
	v16 =	vmul.f32 $2.000000000e+01, v17;
	v17 =	vld [tilespmem:s19+$0xE0]  }
0x1f3: {  	v13 =	vtrunc.f32 v13  }
0x1f4: {  	v12 =	vshll.u32 v12, $0x4;
	v13 =	vcvt.f32.s32 v13;
	v14 =	vtrunc.f32 v14  }
0x1f5: {  	v12 =	vadd.s32 v5, v12;
	v11 =	vtrunc.f32 v11;
	v15 =	vtrunc.f32 v15  }
0x1f6: {  	v13 =	vshll.u32 v13, $0x4;
	v14 =	vcvt.f32.s32 v14;
	v11 =	vcvt.f32.s32 v11  }
0x1f7: {  	v13 =	vadd.s32 v5, v13;
	v16 =	vtrunc.f32 v16;
	v17 =	vmul.f32 $2.000000000e+01, v17  }
0x1f8: {  	v15 =	vcvt.f32.s32 v15;
	v14 =	vshll.u32 v14, $0x4;
	v16 =	vcvt.f32.s32 v16  }
0x1f9: {  	v11 =	vshll.u32 v11, $0x4;
	v14 =	vadd.s32 v5, v14;
	v17 =	vtrunc.f32 v17  }
0x1fa: {  	v15 =	vshll.u32 v15, $0x4;
	v11 =	vadd.s32 v5, v11;
	v17 =	vcvt.f32.s32 v17  }
0x1fb: {  	[tilespmem:v10+s12+$0x0] =	vst.idx.add.f32.msk $0xffff, v2;
	v10 =	vshll.u32 v16, $0x4;
	v15 =	vadd.s32 v5, v15  }
0x1fc: {  	[tilespmem:v13+s12+$0x0] =	vst.idx.add.f32.msk $0xffff, v2;
	v10 =	vadd.s32 v5, v10;
	v13 =	vshll.u32 v17, $0x4  }
0x1fd: {  	[tilespmem:v12+s12+$0x0] =	vst.idx.add.f32.msk $0xffff, v2;
	v12 =	vadd.s32 v5, v13  }
0x1fe: {  	[tilespmem:v14+s12+$0x0] =	vst.idx.add.f32.msk $0xffff, v2  }
0x1ff: {  	[tilespmem:v11+s12+$0x0] =	vst.idx.add.f32.msk $0xffff, v2  }
0x200: {  	[tilespmem:v15+s12+$0x0] =	vst.idx.add.f32.msk $0xffff, v2  }
0x201: {  	[tilespmem:v10+s12+$0x0] =	vst.idx.add.f32.msk $0xffff, v2  }
0x202: {  	[tilespmem:v12+s12+$0x0] =	vst.idx.add.f32.msk $0xffff, v2  }
0x203: {  	v10 =	vld [tilespmem:s18+$0xFFFFFE80];
	_ =	sdelay $0x4  }
0x204: {  	v10 =	vmul.f32 $2.000000000e+01, v10;
	_ =	sdelay $0x1  }
0x205: {  	v11 =	vld [tilespmem:s18+$0xFFFFFE20];
	v10 =	vtrunc.f32 v10  }
0x206: {  	v12 =	vld [tilespmem:s18+$0xFFFFFE30];
	v10 =	vcvt.f32.s32 v10  }
0x207: {  	v13 =	vld [tilespmem:s18+$0xFFFFFE40]  }
0x208: {  	v10 =	vshll.u32 v10, $0x4  }
0x209: {  	v10 =	vadd.s32 v6, v10  }
0x20a: {  	v14 =	vld [tilespmem:s18+$0xFFFFFE10]  }
0x20b: {  	v15 =	vld [tilespmem:s18+$0xFFFFFE50];
	v11 =	vmul.f32 $2.000000000e+01, v11;
	v12 =	vmul.f32 $2.000000000e+01, v12  }
0x20c: {  	v13 =	vmul.f32 $2.000000000e+01, v13  }
0x20d: {  	v11 =	vtrunc.f32 v11;
	v12 =	vtrunc.f32 v12  }
0x20e: {  	v13 =	vtrunc.f32 v13;
	[tilespmem:v10+s12+$0x0] =	vst.idx.add.f32.msk $0xffff, v2;
	v10 =	vcvt.f32.s32 v11  }
0x20f: {  	v12 =	vcvt.f32.s32 v12;
	v11 =	vmul.f32 $2.000000000e+01, v14;
	v14 =	vld [tilespmem:s18+$0xFFFFFF00]  }
0x210: {  	v15 =	vmul.f32 $2.000000000e+01, v15;
	v13 =	vcvt.f32.s32 v13;
	v10 =	vshll.u32 v10, $0x4  }
0x211: {  	v16 =	vld [tilespmem:s18+$0xFFFFFE60];
	v12 =	vshll.u32 v12, $0x4;
	v11 =	vtrunc.f32 v11;
	v10 =	vadd.s32 v6, v10  }
0x212: {  	v13 =	vshll.u32 v13, $0x4;
	v12 =	vadd.s32 v6, v12;
	v11 =	vcvt.f32.s32 v11  }
0x213: {  	v15 =	vtrunc.f32 v15;
	v13 =	vadd.s32 v6, v13  }
0x214: {  	v15 =	vcvt.f32.s32 v15;
	v11 =	vshll.u32 v11, $0x4;
	v14 =	vmul.f32 $2.000000000e+01, v14  }
0x215: {  	v17 =	vld [tilespmem:s18+$0xFFFFFE70];
	v11 =	vadd.s32 v6, v11  }
0x216: {  	v16 =	vmul.f32 $2.000000000e+01, v16;
	v14 =	vtrunc.f32 v14;
	[tilespmem:v10+s12+$0x0] =	vst.idx.add.f32.msk $0xffff, v2;
	v10 =	vshll.u32 v15, $0x4  }
0x217: {  	[tilespmem:v12+s12+$0x0] =	vst.idx.add.f32.msk $0xffff, v2;
	v14 =	vcvt.f32.s32 v14;
	v10 =	vadd.s32 v6, v10  }
0x218: {  	[tilespmem:v13+s12+$0x0] =	vst.idx.add.f32.msk $0xffff, v2;
	v15 =	vtrunc.f32 v16  }
0x219: {  	v16 =	vld [tilespmem:s18+$0xFFFFFEA0];
	v15 =	vcvt.f32.s32 v15;
	v12 =	vshll.u32 v14, $0x4  }
0x21a: {  	[tilespmem:v11+s12+$0x0] =	vst.idx.add.f32.msk $0xffff, v2;
	v11 =	vadd.s32 v7, v12  }
0x21b: {  	v12 =	vshll.u32 v15, $0x4;
	v14 =	vld [tilespmem:s18+$0xFFFFFE90];
	v15 =	vmul.f32 $2.000000000e+01, v17  }
0x21c: {  	v12 =	vadd.s32 v6, v12;
	[tilespmem:v10+s12+$0x0] =	vst.idx.add.f32.msk $0xffff, v2  }
0x21d: {  	v10 =	vtrunc.f32 v15;
	v15 =	vld [tilespmem:s18+$0xFFFFFEB0]  }
0x21e: {  	v13 =	vmul.f32 $2.000000000e+01, v16;
	v16 =	vld [tilespmem:s18+$0xFFFFFED0]  }
0x21f: {  	v10 =	vcvt.f32.s32 v10;
	[tilespmem:v11+s12+$0x0] =	vst.idx.add.f32.msk $0xffff, v2  }
0x220: {  	v11 =	vtrunc.f32 v13;
	v13 =	vmul.f32 $2.000000000e+01, v14;
	v14 =	vld [tilespmem:s18+$0xFFFFFF80]  }
0x221: {  	v10 =	vshll.u32 v10, $0x4;
	v11 =	vcvt.f32.s32 v11;
	[tilespmem:v12+s12+$0x0] =	vst.idx.add.f32.msk $0xffff, v2  }
0x222: {  	v10 =	vadd.s32 v6, v10;
	v12 =	vld [tilespmem:s18+$0xFFFFFEC0]  }
0x223: {  	v13 =	vtrunc.f32 v13;
	v15 =	vmul.f32 $2.000000000e+01, v15;
	v11 =	vshll.u32 v11, $0x4  }
0x224: {  	v13 =	vcvt.f32.s32 v13;
	v11 =	vadd.s32 v7, v11  }
0x225: {  	v17 =	vld [tilespmem:s18+$0xFFFFFEE0];
	v15 =	vtrunc.f32 v15;
	v14 =	vmul.f32 $2.000000000e+01, v14  }
0x226: {  	v16 =	vmul.f32 $2.000000000e+01, v16;
	v13 =	vshll.u32 v13, $0x4;
	v15 =	vcvt.f32.s32 v15  }
0x227: {  	v13 =	vadd.s32 v7, v13;
	[tilespmem:v10+s12+$0x0] =	vst.idx.add.f32.msk $0xffff, v2;
	v10 =	vmul.f32 $2.000000000e+01, v12;
	v12 =	vtrunc.f32 v14  }
0x228: {  	v16 =	vtrunc.f32 v16;
	v15 =	vshll.u32 v15, $0x4;
	v14 =	vld [tilespmem:s18+$0xFFFFFEF0];
	v12 =	vcvt.f32.s32 v12  }
0x229: {  	v16 =	vcvt.f32.s32 v16;
	v15 =	vadd.s32 v7, v15;
	[tilespmem:v11+s12+$0x0] =	vst.idx.add.f32.msk $0xffff, v2  }
0x22a: {  	v10 =	vtrunc.f32 v10;
	v11 =	vmul.f32 $2.000000000e+01, v17;
	v17 =	vld [tilespmem:s18+$0xFFFFFF20];
	v12 =	vshll.u32 v12, $0x4  }
0x22b: {  	v16 =	vshll.u32 v16, $0x4;
	v10 =	vcvt.f32.s32 v10;
	v12 =	vadd.s32 v8, v12  }
0x22c: {  	v16 =	vadd.s32 v7, v16;
	v11 =	vtrunc.f32 v11;
	[tilespmem:v13+s12+$0x0] =	vst.idx.add.f32.msk $0xffff, v2  }
0x22d: {  	v10 =	vshll.u32 v10, $0x4;
	v11 =	vcvt.f32.s32 v11;
	v13 =	vld [tilespmem:s18+$0xFFFFFF10];
	v14 =	vmul.f32 $2.000000000e+01, v14  }
0x22e: {  	v10 =	vadd.s32 v7, v10;
	[tilespmem:v15+s12+$0x0] =	vst.idx.add.f32.msk $0xffff, v2  }
0x22f: {  	v11 =	vshll.u32 v11, $0x4;
	v14 =	vtrunc.f32 v14;
	v15 =	vmul.f32 $2.000000000e+01, v17;
	v17 =	vld [tilespmem:s18+$0xFFFFFF30]  }
0x230: {  	v11 =	vadd.s32 v7, v11;
	v14 =	vcvt.f32.s32 v14;
	[tilespmem:v12+s12+$0x0] =	vst.idx.add.f32.msk $0xffff, v2  }
0x231: {  	v12 =	vtrunc.f32 v15;
	v15 =	vld [tilespmem:s18+$0x0]  }
0x232: {  	[tilespmem:v16+s12+$0x0] =	vst.idx.add.f32.msk $0xffff, v2;
	v13 =	vmul.f32 $2.000000000e+01, v13;
	v14 =	vshll.u32 v14, $0x4  }
0x233: {  	[tilespmem:v10+s12+$0x0] =	vst.idx.add.f32.msk $0xffff, v2;
	v12 =	vcvt.f32.s32 v12;
	v10 =	vadd.s32 v7, v14  }
0x234: {  	v16 =	vld [tilespmem:s18+$0xFFFFFF50];
	v13 =	vtrunc.f32 v13  }
0x235: {  	v12 =	vshll.u32 v12, $0x4;
	[tilespmem:v11+s12+$0x0] =	vst.idx.add.f32.msk $0xffff, v2;
	v11 =	vcvt.f32.s32 v13;
	v13 =	vmul.f32 $2.000000000e+01, v17  }
0x236: {  	v14 =	vld [tilespmem:s18+$0xFFFFFF40];
	v12 =	vadd.s32 v8, v12;
	v15 =	vmul.f32 $2.000000000e+01, v15  }
0x237: {  	v18 =	vld [tilespmem:s18+$0xFFFFFF60];
	v11 =	vshll.u32 v11, $0x4;
	v13 =	vtrunc.f32 v13  }
0x238: {  	v17 =	vadd.s32 v8, v11;
	[tilespmem:v10+s12+$0x0] =	vst.idx.add.f32.msk $0xffff, v2;
	v10 =	vcvt.f32.s32 v13;
	v11 =	vtrunc.f32 v15  }
0x239: {  	v13 =	vld [tilespmem:s18+$0xFFFFFF70];
	v15 =	vcvt.f32.s32 v11  }
0x23a: {  	v10 =	vshll.u32 v10, $0x4  }
0x23b: {  	v19 =	vmul.f32 $2.000000000e+01, v14;
	[tilespmem:v12+s12+$0x0] =	vst.idx.add.f32.msk $0xffff, v2;
	v11 =	vadd.s32 v8, v10;
	v10 =	vshll.u32 v15, $0x4  }
0x23c: {  	v14 =	vmul.f32 $2.000000000e+01, v16;
	v12 =	vld [tilespmem:s18+$0xFFFFFFA0];
	v10 =	vadd.s32 v9, v10  }
0x23d: {  	s20 =	simm.s32 $0x27F0;
	s19 =	simm.s32 $0x0;
	v16 =	vmul.f32 $2.000000000e+01, v18;
	[tilespmem:v17+s12+$0x0] =	vst.idx.add.f32.msk $0xffff, v2;
	v15 =	vtrunc.f32 v19  }
.LBB2_11:
0x23e: {  	v17 =	vld [tilespmem:s20+$0xFFFFFE80];
	s19 =	sadd.s32 $0x80, s19;
	v14 =	vtrunc.f32 v14;
	v13 =	vmul.f32 $2.000000000e+01, v13  }
0x23f: {  	v15 =	vcvt.f32.s32 v15;
	v18 =	vld [tilespmem:s20+$0xFFFFFE20];
	p1 =	slt.u32 s19, $0x380;
	v16 =	vtrunc.f32 v16  }
0x240: {  	v14 =	vcvt.f32.s32 v14;
	v19 =	vld [tilespmem:s20+$0xFFFFFE30];
	v13 =	vtrunc.f32 v13  }
0x241: {  	v15 =	vshll.u32 v15, $0x4;
	v16 =	vcvt.f32.s32 v16;
	v13 =	vcvt.f32.s32 v13;
	[tilespmem:v10+s12+$0x0] =	vst.idx.add.f32.msk $0xffff, v2  }
0x242: {  	v12 =	vmul.f32 $2.000000000e+01, v12;
	v15 =	vadd.s32 v8, v15;
	v14 =	vshll.u32 v14, $0x4;
	v10 =	vld [tilespmem:s20+$0xFFFFFE40]  }
0x243: {  	v16 =	vshll.u32 v16, $0x4;
	v20 =	vld [tilespmem:s20+$0xFFFFFE50];
	v17 =	vmul.f32 $2.000000000e+01, v17;
	v13 =	vshll.u32 v13, $0x4  }
0x244: {  	v14 =	vadd.s32 v8, v14;
	v16 =	vadd.s32 v8, v16;
	v18 =	vmul.f32 $2.000000000e+01, v18;
	v21 =	vld [tilespmem:s20+$0xFFFFFE60]  }
0x245: {  	v13 =	vadd.s32 v8, v13;
	v19 =	vmul.f32 $2.000000000e+01, v19;
	v22 =	vld [tilespmem:s20+$0xFFFFFE70];
	v17 =	vtrunc.f32 v17  }
0x246: {  	v23 =	vld [tilespmem:s20+$0xFFFFFE10];
	v18 =	vtrunc.f32 v18;
	v17 =	vcvt.f32.s32 v17  }
0x247: {  	v19 =	vtrunc.f32 v19;
	v10 =	vmul.f32 $2.000000000e+01, v10;
	[tilespmem:v11+s12+$0x0] =	vst.idx.add.f32.msk $0xffff, v2  }
0x248: {  	v11 =	vcvt.f32.s32 v18;
	v18 =	vmul.f32 $2.000000000e+01, v20;
	v17 =	vshll.u32 v17, $0x4;
	[tilespmem:v15+s12+$0x0] =	vst.idx.add.f32.msk $0xffff, v2  }
0x249: {  	v10 =	vtrunc.f32 v10;
	v15 =	vmul.f32 $2.000000000e+01, v21;
	v17 =	vadd.s32 v6, v17;
	[tilespmem:v14+s12+$0x0] =	vst.idx.add.f32.msk $0xffff, v2  }
0x24a: {  	v11 =	vshll.u32 v11, $0x4;
	v14 =	vtrunc.f32 v18;
	v18 =	vmul.f32 $2.000000000e+01, v22;
	[tilespmem:v16+s12+$0x0] =	vst.idx.add.f32.msk $0xffff, v2  }
0x24b: {  	v11 =	vadd.s32 v6, v11;
	v16 =	vmul.f32 $2.000000000e+01, v23;
	v15 =	vtrunc.f32 v15;
	[tilespmem:v13+s12+$0x0] =	vst.idx.add.f32.msk $0xffff, v2  }
0x24c: {  	v13 =	vcvt.f32.s32 v19;
	v18 =	vtrunc.f32 v18;
	v19 =	vld [tilespmem:s18+$0xFFFFFF90]  }
0x24d: {  	v10 =	vcvt.f32.s32 v10;
	v16 =	vtrunc.f32 v16;
	v20 =	vld [tilespmem:s18+$0xFFFFFFB0]  }
0x24e: {  	v14 =	vcvt.f32.s32 v14;
	v13 =	vshll.u32 v13, $0x4;
	v16 =	vcvt.f32.s32 v16;
	[tilespmem:v17+s12+$0x0] =	vst.idx.add.f32.msk $0xffff, v2  }
0x24f: {  	v10 =	vshll.u32 v10, $0x4;
	v15 =	vcvt.f32.s32 v15;
	v17 =	vcvt.f32.s32 v18;
	v18 =	vld [tilespmem:s20+$0xFFFFFF00]  }
0x250: {  	v16 =	vshll.u32 v16, $0x4;
	[tilespmem:v11+s12+$0x0] =	vst.idx.add.f32.msk $0xffff, v2;
	v11 =	vadd.s32 v6, v13;
	v13 =	vshll.u32 v14, $0x4  }
0x251: {  	v15 =	vshll.u32 v15, $0x4;
	v17 =	vshll.u32 v17, $0x4;
	v14 =	vadd.s32 v6, v16;
	v16 =	vld [tilespmem:s20+$0xFFFFFEA0]  }
0x252: {  	v10 =	vadd.s32 v6, v10;
	v15 =	vadd.s32 v6, v15;
	v13 =	vadd.s32 v6, v13;
	v21 =	vld [tilespmem:s18+$0xFFFFFFC0]  }
0x253: {  	v17 =	vadd.s32 v6, v17;
	v19 =	vmul.f32 $2.000000000e+01, v19;
	v20 =	vmul.f32 $2.000000000e+01, v20;
	v22 =	vld [tilespmem:s18+$0xFFFFFFD0]  }
0x254: {  	v12 =	vtrunc.f32 v12;
	v18 =	vmul.f32 $2.000000000e+01, v18;
	v23 =	vld [tilespmem:s18+$0xFFFFFFE0]  }
0x255: {  	[tilespmem:v11+s12+$0x0] =	vst.idx.add.f32.msk $0xffff, v2;
	v11 =	vtrunc.f32 v19;
	v19 =	vtrunc.f32 v20  }
0x256: {  	[tilespmem:v14+s12+$0x0] =	vst.idx.add.f32.msk $0xffff, v2;
	v14 =	vmul.f32 $2.000000000e+01, v16;
	v16 =	vtrunc.f32 v18  }
0x257: {  	[tilespmem:v10+s12+$0x0] =	vst.idx.add.f32.msk $0xffff, v2;
	v10 =	vcvt.f32.s32 v16;
	v16 =	vmul.f32 $2.000000000e+01, v21  }
0x258: {  	v14 =	vtrunc.f32 v14;
	[tilespmem:v13+s12+$0x0] =	vst.idx.add.f32.msk $0xffff, v2;
	v13 =	vmul.f32 $2.000000000e+01, v22  }
0x259: {  	v14 =	vcvt.f32.s32 v14;
	[tilespmem:v15+s12+$0x0] =	vst.idx.add.f32.msk $0xffff, v2;
	v10 =	vshll.u32 v10, $0x4;
	v15 =	vmul.f32 $2.000000000e+01, v23  }
0x25a: {  	v16 =	vtrunc.f32 v16;
	[tilespmem:v17+s12+$0x0] =	vst.idx.add.f32.msk $0xffff, v2;
	v10 =	vadd.s32 v7, v10;
	v13 =	vtrunc.f32 v13  }
0x25b: {  	v11 =	vcvt.f32.s32 v11;
	v17 =	vld [tilespmem:s20+$0xFFFFFE90];
	v14 =	vshll.u32 v14, $0x4;
	v15 =	vtrunc.f32 v15  }
0x25c: {  	v12 =	vcvt.f32.s32 v12;
	v19 =	vcvt.f32.s32 v19;
	v14 =	vadd.s32 v7, v14;
	v18 =	vld [tilespmem:s20+$0xFFFFFEB0]  }
0x25d: {  	v11 =	vshll.u32 v11, $0x4;
	v16 =	vcvt.f32.s32 v16;
	v13 =	vcvt.f32.s32 v13;
	v20 =	vld [tilespmem:s20+$0xFFFFFEC0]  }
0x25e: {  	v12 =	vshll.u32 v12, $0x4;
	v19 =	vshll.u32 v19, $0x4;
	v15 =	vcvt.f32.s32 v15;
	v21 =	vld [tilespmem:s20+$0xFFFFFED0]  }
0x25f: {  	v13 =	vshll.u32 v13, $0x4;
	[tilespmem:v10+s12+$0x0] =	vst.idx.add.f32.msk $0xffff, v2;
	v10 =	vadd.s32 v9, v11;
	v11 =	vshll.u32 v16, $0x4  }
0x260: {  	v12 =	vadd.s32 v9, v12;
	v15 =	vshll.u32 v15, $0x4;
	v16 =	vmul.f32 $2.000000000e+01, v17;
	v17 =	vld [tilespmem:s20+$0xFFFFFF80]  }
0x261: {  	v19 =	vadd.s32 v9, v19;
	v11 =	vadd.s32 v9, v11;
	v18 =	vmul.f32 $2.000000000e+01, v18;
	v22 =	vld [tilespmem:s20+$0xFFFFFEE0]  }
0x262: {  	v13 =	vadd.s32 v9, v13;
	v16 =	vtrunc.f32 v16;
	v20 =	vmul.f32 $2.000000000e+01, v20;
	v23 =	vld [tilespmem:s20+$0xFFFFFEF0]  }
0x263: {  	v15 =	vadd.s32 v9, v15;
	[tilespmem:v14+s12+$0x0] =	vst.idx.add.f32.msk $0xffff, v2;
	v14 =	vtrunc.f32 v18;
	v18 =	vmul.f32 $2.000000000e+01, v21  }
0x264: {  	v16 =	vcvt.f32.s32 v16;
	v21 =	vld [tilespmem:s20+$0xFFFFFF20];
	v20 =	vtrunc.f32 v20  }
0x265: {  	v18 =	vtrunc.f32 v18;
	v17 =	vmul.f32 $2.000000000e+01, v17;
	v24 =	vld [tilespmem:s18+$0xFFFFFFF0];
	s18 =	smov.u32 s20  }
0x266: {  	v14 =	vcvt.f32.s32 v14;
	v16 =	vshll.u32 v16, $0x4;
	v22 =	vmul.f32 $2.000000000e+01, v22;
	[tilespmem:v10+s12+$0x0] =	vst.idx.add.f32.msk $0xffff, v2  }
0x267: {  	v10 =	vadd.s32 v7, v16;
	v16 =	vmul.f32 $2.000000000e+01, v23;
	v17 =	vtrunc.f32 v17;
	[tilespmem:v12+s12+$0x0] =	vst.idx.add.f32.msk $0xffff, v2  }
0x268: {  	v12 =	vshll.u32 v14, $0x4;
	v14 =	vtrunc.f32 v22;
	v17 =	vcvt.f32.s32 v17;
	[tilespmem:v19+s12+$0x0] =	vst.idx.add.f32.msk $0xffff, v2  }
0x269: {  	v12 =	vadd.s32 v7, v12;
	v19 =	vcvt.f32.s32 v20;
	v16 =	vtrunc.f32 v16;
	[tilespmem:v11+s12+$0x0] =	vst.idx.add.f32.msk $0xffff, v2  }
0x26a: {  	v11 =	vcvt.f32.s32 v18;
	v14 =	vcvt.f32.s32 v14;
	v17 =	vshll.u32 v17, $0x4;
	[tilespmem:v13+s12+$0x0] =	vst.idx.add.f32.msk $0xffff, v2  }
0x26b: {  	v13 =	vshll.u32 v19, $0x4;
	v16 =	vcvt.f32.s32 v16;
	v17 =	vadd.s32 v8, v17;
	[tilespmem:v15+s12+$0x0] =	vst.idx.add.f32.msk $0xffff, v2  }
0x26c: {  	v11 =	vshll.u32 v11, $0x4;
	[tilespmem:v10+s12+$0x0] =	vst.idx.add.f32.msk $0xffff, v2;
	v10 =	vadd.s32 v7, v13;
	v13 =	vshll.u32 v14, $0x4  }
0x26d: {  	v11 =	vadd.s32 v7, v11;
	v15 =	vshll.u32 v16, $0x4;
	v14 =	vld [tilespmem:s20+$0xFFFFFF10];
	v13 =	vadd.s32 v7, v13  }
0x26e: {  	v16 =	vmul.f32 $2.000000000e+01, v21;
	[tilespmem:v12+s12+$0x0] =	vst.idx.add.f32.msk $0xffff, v2;
	v12 =	vadd.s32 v7, v15;
	v15 =	vmul.f32 $2.000000000e+01, v24  }
0x26f: {  	v18 =	vld [tilespmem:s20+$0xFFFFFF30]  }
0x270: {  	v16 =	vtrunc.f32 v16;
	[tilespmem:v17+s12+$0x0] =	vst.idx.add.f32.msk $0xffff, v2;
	v15 =	vtrunc.f32 v15  }
0x271: {  	v16 =	vcvt.f32.s32 v16;
	v17 =	vld [tilespmem:s20+$0x0];
	v15 =	vcvt.f32.s32 v15  }
0x272: {  	v14 =	vmul.f32 $2.000000000e+01, v14;
	[tilespmem:v10+s12+$0x0] =	vst.idx.add.f32.msk $0xffff, v2  }
0x273: {  	v10 =	vshll.u32 v16, $0x4;
	[tilespmem:v11+s12+$0x0] =	vst.idx.add.f32.msk $0xffff, v2;
	v11 =	vshll.u32 v15, $0x4  }
0x274: {  	v10 =	vadd.s32 v8, v10;
	v14 =	vtrunc.f32 v14;
	v15 =	vmul.f32 $2.000000000e+01, v18;
	[tilespmem:v13+s12+$0x0] =	vst.idx.add.f32.msk $0xffff, v2  }
0x275: {  	v16 =	vadd.s32 v9, v11;
	v13 =	vcvt.f32.s32 v14;
	[tilespmem:v12+s12+$0x0] =	vst.idx.add.f32.msk $0xffff, v2  }
0x276: {  	v11 =	vtrunc.f32 v15;
	v14 =	vld [tilespmem:s20+$0xFFFFFF40];
	v12 =	vmul.f32 $2.000000000e+01, v17  }
0x277: {  	v13 =	vshll.u32 v13, $0x4;
	v11 =	vcvt.f32.s32 v11;
	v15 =	vld [tilespmem:s20+$0xFFFFFF50]  }
0x278: {  	v17 =	vadd.s32 v8, v13;
	v18 =	vld [tilespmem:s20+$0xFFFFFF60];
	v12 =	vtrunc.f32 v12  }
.Ltmp6:
0x279: {  	v11 =	vshll.u32 v11, $0x4;
	v13 =	vld [tilespmem:s20+$0xFFFFFF70];
	v19 =	vcvt.f32.s32 v12;
	(pc) =	sbr.rel @p1 .LBB2_11-.Ltmp6, $4  }
0x27a: {  	[tilespmem:v10+s12+$0x0] =	vst.idx.add.f32.msk $0xffff, v2;
	v11 =	vadd.s32 v8, v11  }
0x27b: {  	v12 =	vld [tilespmem:s20+$0xFFFFFFA0];
	v20 =	vmul.f32 $2.000000000e+01, v14;
	v10 =	vshll.u32 v19, $0x4  }
0x27c: {  	v14 =	vmul.f32 $2.000000000e+01, v15;
	v10 =	vadd.s32 v9, v10;
	[tilespmem:v16+s12+$0x0] =	vst.idx.add.f32.msk $0xffff, v2  }
0x27d: {  	s20 =	sadd.s32 $0x400, s20;
	[tilespmem:v17+s12+$0x0] =	vst.idx.add.f32.msk $0xffff, v2;
	v15 =	vtrunc.f32 v20;
	v16 =	vmul.f32 $2.000000000e+01, v18  }
0x27e: {  	_ =	sdelay $0x1  }
0x27f: {  	v14 =	vtrunc.f32 v14;
	v15 =	vcvt.f32.s32 v15  }
0x280: {  	v14 =	vcvt.f32.s32 v14  }
0x281: {  	[tilespmem:v11+s12+$0x0] =	vst.idx.add.f32.msk $0xffff, v2;
	v11 =	vmul.f32 $2.000000000e+01, v13;
	v16 =	vtrunc.f32 v16;
	v15 =	vshll.u32 v15, $0x4  }
0x282: {  	v16 =	vcvt.f32.s32 v16;
	v15 =	vadd.s32 v8, v15;
	v14 =	vshll.u32 v14, $0x4  }
0x283: {  	v14 =	vadd.s32 v8, v14  }
0x284: {  	v11 =	vtrunc.f32 v11;
	v16 =	vshll.u32 v16, $0x4  }
0x285: {  	v56 =	vld [tilespmem:s18+$0xFFFFFF90];
	v11 =	vcvt.f32.s32 v11;
	v16 =	vadd.s32 v8, v16  }
0x286: {  	v57 =	vld [tilespmem:s18+$0xFFFFFFB0]  }
0x287: {  	v11 =	vshll.u32 v11, $0x4;
	[tilespmem:v15+s12+$0x0] =	vst.idx.add.f32.msk $0xffff, v2  }
0x288: {  	v11 =	vadd.s32 v8, v11;
	[tilespmem:v14+s12+$0x0] =	vst.idx.add.f32.msk $0xffff, v2  }
0x289: {  	v15 =	vld [tilespmem:s18+$0xFFFFFFC0]  }
0x28a: {  	v12 =	vmul.f32 $2.000000000e+01, v12;
	[tilespmem:v16+s12+$0x0] =	vst.idx.add.f32.msk $0xffff, v2  }
0x28b: {  	v58 =	vld [tilespmem:s18+$0xFFFFFFD0]  }
0x28c: {  	v12 =	vtrunc.f32 v12;
	v13 =	vmul.f32 $2.000000000e+01, v56;
	v17 =	vld [tilespmem:s18+$0xFFFFFFE0]  }
0x28d: {  	v12 =	vcvt.f32.s32 v12;
	v14 =	vmul.f32 $2.000000000e+01, v57;
	[tilespmem:v11+s12+$0x0] =	vst.idx.add.f32.msk $0xffff, v2  }
0x28e: {  	v13 =	vtrunc.f32 v13;
	v61 =	vld [tilespmem:s18+$0xFFFFFFF0]  }
0x28f: {  	v12 =	vshll.u32 v12, $0x4;
	v13 =	vcvt.f32.s32 v13;
	v14 =	vtrunc.f32 v14  }
0x290: {  	v12 =	vadd.s32 v9, v12;
	v11 =	vmul.f32 $2.000000000e+01, v15;
	v59 =	vmul.f32 $2.000000000e+01, v58  }
0x291: {  	v13 =	vshll.u32 v13, $0x4;
	v14 =	vcvt.f32.s32 v14;
	v60 =	vmul.f32 $2.000000000e+01, v17  }
0x292: {  	v13 =	vadd.s32 v9, v13;
	v11 =	vtrunc.f32 v11;
	v15 =	vtrunc.f32 v59  }
0x293: {  	v14 =	vshll.u32 v14, $0x4;
	v11 =	vcvt.f32.s32 v11;
	v17 =	vmul.f32 $2.000000000e+01, v61  }
0x294: {  	v14 =	vadd.s32 v9, v14;
	v16 =	vtrunc.f32 v60;
	v15 =	vcvt.f32.s32 v15  }
0x295: {  	v16 =	vcvt.f32.s32 v16;
	v11 =	vshll.u32 v11, $0x4;
	v17 =	vtrunc.f32 v17  }
0x296: {  	v15 =	vshll.u32 v15, $0x4;
	v11 =	vadd.s32 v9, v11;
	v17 =	vcvt.f32.s32 v17  }
0x297: {  	[tilespmem:v10+s12+$0x0] =	vst.idx.add.f32.msk $0xffff, v2;
	v10 =	vshll.u32 v16, $0x4;
	v15 =	vadd.s32 v9, v15  }
0x298: {  	s17 =	sadd.s32 $0x1, s17;
	[tilespmem:v12+s12+$0x0] =	vst.idx.add.f32.msk $0xffff, v2;
	v10 =	vadd.s32 v9, v10;
	v62 =	vshll.u32 v17, $0x4  }
0x299: {  	p1 =	sne.s32 s17, $0x1E;
	[tilespmem:v13+s12+$0x0] =	vst.idx.add.f32.msk $0xffff, v2;
	v63 =	vadd.s32 v9, v62  }
.Ltmp7:
0x29a: {  	[tilespmem:v14+s12+$0x0] =	vst.idx.add.f32.msk $0xffff, v2;
	(pc) =	sbr.rel @p1 .LBB2_4-.Ltmp7, $4  }
0x29b: {  	[tilespmem:v11+s12+$0x0] =	vst.idx.add.f32.msk $0xffff, v2  }
0x29c: {  	[tilespmem:v15+s12+$0x0] =	vst.idx.add.f32.msk $0xffff, v2  }
0x29d: {  	[tilespmem:v10+s12+$0x0] =	vst.idx.add.f32.msk $0xffff, v2  }
0x29e: {  	[tilespmem:v63+s12+$0x0] =	vst.idx.add.f32.msk $0xffff, v2  }
0x29f: {  	_ =	swait.ge [sflag:s11], $0x2000  }
0x2a0: {  	[sflag:s11] =	ssyncset.done $0x0  }
0x2a1: {  	s17 =	simm.s32 $0x100;
	[sflag:s11] =	ssyncadd.s32 $0xFFFFE000  }
0x2a2: {  	v10 =	vld [tilespmem:s17+$0xFFFFFF70];
	_ =	sdelay $0x4  }
0x2a3: {  	v10 =	vmul.f32 $2.000000000e+01, v10;
	_ =	sdelay $0x1  }
0x2a4: {  	v11 =	vld [tilespmem:s17+$0xFFFFFF10];
	v10 =	vtrunc.f32 v10  }
0x2a5: {  	v12 =	vld [tilespmem:s17+$0xFFFFFF20];
	v10 =	vcvt.f32.s32 v10  }
0x2a6: {  	v13 =	vld [tilespmem:s17+$0xFFFFFF30]  }
0x2a7: {  	v10 =	vshll.u32 v10, $0x4  }
0x2a8: {  	v10 =	vor.u32 v0, v10  }
0x2a9: {  	v14 =	vld [tilespmem:s17+$0xFFFFFF00]  }
0x2aa: {  	v15 =	vld [tilespmem:s17+$0xFFFFFF40];
	v11 =	vmul.f32 $2.000000000e+01, v11;
	v12 =	vmul.f32 $2.000000000e+01, v12  }
0x2ab: {  	v13 =	vmul.f32 $2.000000000e+01, v13  }
0x2ac: {  	v11 =	vtrunc.f32 v11;
	v12 =	vtrunc.f32 v12  }
0x2ad: {  	v13 =	vtrunc.f32 v13;
	[tilespmem:v10+s12+$0x0] =	vst.idx.add.f32.msk $0xffff, v2;
	v10 =	vcvt.f32.s32 v11  }
0x2ae: {  	v12 =	vcvt.f32.s32 v12;
	v11 =	vmul.f32 $2.000000000e+01, v14;
	v14 =	vld [tilespmem:s17+$0xFFFFFFF0]  }
0x2af: {  	v15 =	vmul.f32 $2.000000000e+01, v15;
	v13 =	vcvt.f32.s32 v13;
	v10 =	vshll.u32 v10, $0x4  }
0x2b0: {  	v16 =	vld [tilespmem:s17+$0xFFFFFF50];
	v12 =	vshll.u32 v12, $0x4;
	v11 =	vtrunc.f32 v11;
	v10 =	vor.u32 v0, v10  }
0x2b1: {  	v13 =	vshll.u32 v13, $0x4;
	v12 =	vor.u32 v0, v12;
	v11 =	vcvt.f32.s32 v11  }
0x2b2: {  	v15 =	vtrunc.f32 v15;
	v13 =	vor.u32 v0, v13  }
0x2b3: {  	v15 =	vcvt.f32.s32 v15;
	v11 =	vshll.u32 v11, $0x4;
	v14 =	vmul.f32 $2.000000000e+01, v14  }
0x2b4: {  	v17 =	vld [tilespmem:s17+$0xFFFFFF60];
	v11 =	vor.u32 v0, v11  }
0x2b5: {  	v16 =	vmul.f32 $2.000000000e+01, v16;
	v14 =	vtrunc.f32 v14;
	[tilespmem:v10+s12+$0x0] =	vst.idx.add.f32.msk $0xffff, v2;
	v10 =	vshll.u32 v15, $0x4  }
0x2b6: {  	[tilespmem:v12+s12+$0x0] =	vst.idx.add.f32.msk $0xffff, v2;
	v14 =	vcvt.f32.s32 v14;
	v10 =	vor.u32 v0, v10  }
0x2b7: {  	[tilespmem:v13+s12+$0x0] =	vst.idx.add.f32.msk $0xffff, v2;
	v15 =	vtrunc.f32 v16  }
0x2b8: {  	v16 =	vld [tilespmem:s17+$0xFFFFFF90];
	v15 =	vcvt.f32.s32 v15;
	v12 =	vshll.u32 v14, $0x4  }
0x2b9: {  	[tilespmem:v11+s12+$0x0] =	vst.idx.add.f32.msk $0xffff, v2;
	v11 =	vadd.s32 v3, v12  }
0x2ba: {  	v12 =	vshll.u32 v15, $0x4;
	v14 =	vld [tilespmem:s17+$0xFFFFFF80];
	v15 =	vmul.f32 $2.000000000e+01, v17  }
0x2bb: {  	v12 =	vor.u32 v0, v12;
	[tilespmem:v10+s12+$0x0] =	vst.idx.add.f32.msk $0xffff, v2  }
0x2bc: {  	v10 =	vtrunc.f32 v15;
	v15 =	vld [tilespmem:s17+$0xFFFFFFA0]  }
0x2bd: {  	v13 =	vmul.f32 $2.000000000e+01, v16;
	v16 =	vld [tilespmem:s17+$0xFFFFFFC0]  }
0x2be: {  	v10 =	vcvt.f32.s32 v10;
	[tilespmem:v11+s12+$0x0] =	vst.idx.add.f32.msk $0xffff, v2  }
0x2bf: {  	v11 =	vtrunc.f32 v13;
	v13 =	vmul.f32 $2.000000000e+01, v14;
	v14 =	vld [tilespmem:s17+$0x70]  }
0x2c0: {  	v10 =	vshll.u32 v10, $0x4;
	v11 =	vcvt.f32.s32 v11;
	[tilespmem:v12+s12+$0x0] =	vst.idx.add.f32.msk $0xffff, v2  }
0x2c1: {  	v10 =	vor.u32 v0, v10;
	v12 =	vld [tilespmem:s17+$0xFFFFFFB0]  }
0x2c2: {  	v13 =	vtrunc.f32 v13;
	v15 =	vmul.f32 $2.000000000e+01, v15;
	v11 =	vshll.u32 v11, $0x4  }
0x2c3: {  	v13 =	vcvt.f32.s32 v13;
	v11 =	vadd.s32 v3, v11  }
0x2c4: {  	v17 =	vld [tilespmem:s17+$0xFFFFFFD0];
	v15 =	vtrunc.f32 v15;
	v14 =	vmul.f32 $2.000000000e+01, v14  }
0x2c5: {  	v16 =	vmul.f32 $2.000000000e+01, v16;
	v13 =	vshll.u32 v13, $0x4;
	v15 =	vcvt.f32.s32 v15  }
0x2c6: {  	v13 =	vadd.s32 v3, v13;
	[tilespmem:v10+s12+$0x0] =	vst.idx.add.f32.msk $0xffff, v2;
	v10 =	vmul.f32 $2.000000000e+01, v12;
	v12 =	vtrunc.f32 v14  }
0x2c7: {  	v16 =	vtrunc.f32 v16;
	v15 =	vshll.u32 v15, $0x4;
	v14 =	vld [tilespmem:s17+$0xFFFFFFE0];
	v12 =	vcvt.f32.s32 v12  }
0x2c8: {  	v16 =	vcvt.f32.s32 v16;
	v15 =	vadd.s32 v3, v15;
	[tilespmem:v11+s12+$0x0] =	vst.idx.add.f32.msk $0xffff, v2  }
0x2c9: {  	v10 =	vtrunc.f32 v10;
	v11 =	vmul.f32 $2.000000000e+01, v17;
	v17 =	vld [tilespmem:s17+$0x10];
	v12 =	vshll.u32 v12, $0x4  }
0x2ca: {  	v16 =	vshll.u32 v16, $0x4;
	v10 =	vcvt.f32.s32 v10;
	v12 =	vadd.s32 v4, v12  }
0x2cb: {  	v16 =	vadd.s32 v3, v16;
	v11 =	vtrunc.f32 v11;
	[tilespmem:v13+s12+$0x0] =	vst.idx.add.f32.msk $0xffff, v2  }
0x2cc: {  	v10 =	vshll.u32 v10, $0x4;
	v11 =	vcvt.f32.s32 v11;
	v13 =	vld [tilespmem:s17+$0x0];
	v14 =	vmul.f32 $2.000000000e+01, v14  }
0x2cd: {  	v10 =	vadd.s32 v3, v10;
	[tilespmem:v15+s12+$0x0] =	vst.idx.add.f32.msk $0xffff, v2  }
0x2ce: {  	v11 =	vshll.u32 v11, $0x4;
	v14 =	vtrunc.f32 v14;
	v15 =	vmul.f32 $2.000000000e+01, v17;
	v17 =	vld [tilespmem:s17+$0x20]  }
0x2cf: {  	v11 =	vadd.s32 v3, v11;
	v14 =	vcvt.f32.s32 v14;
	[tilespmem:v12+s12+$0x0] =	vst.idx.add.f32.msk $0xffff, v2  }
0x2d0: {  	v12 =	vtrunc.f32 v15;
	v15 =	vld [tilespmem:s17+$0xF0]  }
0x2d1: {  	[tilespmem:v16+s12+$0x0] =	vst.idx.add.f32.msk $0xffff, v2;
	v13 =	vmul.f32 $2.000000000e+01, v13;
	v14 =	vshll.u32 v14, $0x4  }
0x2d2: {  	[tilespmem:v10+s12+$0x0] =	vst.idx.add.f32.msk $0xffff, v2;
	v12 =	vcvt.f32.s32 v12;
	v10 =	vadd.s32 v3, v14  }
0x2d3: {  	v16 =	vld [tilespmem:s17+$0x40];
	v13 =	vtrunc.f32 v13  }
0x2d4: {  	v12 =	vshll.u32 v12, $0x4;
	[tilespmem:v11+s12+$0x0] =	vst.idx.add.f32.msk $0xffff, v2;
	v11 =	vcvt.f32.s32 v13;
	v13 =	vmul.f32 $2.000000000e+01, v17  }
0x2d5: {  	v14 =	vld [tilespmem:s17+$0x30];
	v12 =	vadd.s32 v4, v12;
	v15 =	vmul.f32 $2.000000000e+01, v15  }
0x2d6: {  	v18 =	vld [tilespmem:s17+$0x50];
	v11 =	vshll.u32 v11, $0x4;
	v13 =	vtrunc.f32 v13  }
0x2d7: {  	v17 =	vadd.s32 v4, v11;
	[tilespmem:v10+s12+$0x0] =	vst.idx.add.f32.msk $0xffff, v2;
	v10 =	vcvt.f32.s32 v13;
	v11 =	vtrunc.f32 v15  }
0x2d8: {  	v13 =	vld [tilespmem:s17+$0x60];
	v15 =	vcvt.f32.s32 v11  }
0x2d9: {  	v10 =	vshll.u32 v10, $0x4  }
0x2da: {  	v19 =	vmul.f32 $2.000000000e+01, v14;
	[tilespmem:v12+s12+$0x0] =	vst.idx.add.f32.msk $0xffff, v2;
	v11 =	vadd.s32 v4, v10;
	v10 =	vshll.u32 v15, $0x4  }
0x2db: {  	v14 =	vmul.f32 $2.000000000e+01, v16;
	v12 =	vld [tilespmem:s17+$0x90];
	v10 =	vadd.s32 v5, v10  }
0x2dc: {  	s18 =	simm.s32 $0x0;
	s19 =	simm.s32 $0x500;
	v16 =	vmul.f32 $2.000000000e+01, v18;
	[tilespmem:v17+s12+$0x0] =	vst.idx.add.f32.msk $0xffff, v2;
	v15 =	vtrunc.f32 v19  }
.LBB2_14:
0x2dd: {  	v17 =	vld [tilespmem:s19+$0xFFFFFF70];
	s18 =	sadd.s32 $0x80, s18;
	v14 =	vtrunc.f32 v14;
	v13 =	vmul.f32 $2.000000000e+01, v13  }
0x2de: {  	v15 =	vcvt.f32.s32 v15;
	v18 =	vld [tilespmem:s19+$0xFFFFFF10];
	p1 =	slt.u32 s18, $0x380;
	v16 =	vtrunc.f32 v16  }
0x2df: {  	v14 =	vcvt.f32.s32 v14;
	v19 =	vld [tilespmem:s19+$0xFFFFFF20];
	v13 =	vtrunc.f32 v13  }
0x2e0: {  	v15 =	vshll.u32 v15, $0x4;
	v16 =	vcvt.f32.s32 v16;
	v13 =	vcvt.f32.s32 v13;
	[tilespmem:v10+s12+$0x0] =	vst.idx.add.f32.msk $0xffff, v2  }
0x2e1: {  	v12 =	vmul.f32 $2.000000000e+01, v12;
	v15 =	vadd.s32 v4, v15;
	v14 =	vshll.u32 v14, $0x4;
	v10 =	vld [tilespmem:s19+$0xFFFFFF30]  }
0x2e2: {  	v16 =	vshll.u32 v16, $0x4;
	v20 =	vld [tilespmem:s19+$0xFFFFFF40];
	v17 =	vmul.f32 $2.000000000e+01, v17;
	v13 =	vshll.u32 v13, $0x4  }
0x2e3: {  	v14 =	vadd.s32 v4, v14;
	v16 =	vadd.s32 v4, v16;
	v18 =	vmul.f32 $2.000000000e+01, v18;
	v21 =	vld [tilespmem:s19+$0xFFFFFF50]  }
0x2e4: {  	v13 =	vadd.s32 v4, v13;
	v19 =	vmul.f32 $2.000000000e+01, v19;
	v22 =	vld [tilespmem:s19+$0xFFFFFF60];
	v17 =	vtrunc.f32 v17  }
0x2e5: {  	v23 =	vld [tilespmem:s19+$0xFFFFFF00];
	v18 =	vtrunc.f32 v18;
	v17 =	vcvt.f32.s32 v17  }
0x2e6: {  	v19 =	vtrunc.f32 v19;
	v10 =	vmul.f32 $2.000000000e+01, v10;
	[tilespmem:v11+s12+$0x0] =	vst.idx.add.f32.msk $0xffff, v2  }
0x2e7: {  	v11 =	vcvt.f32.s32 v18;
	v18 =	vmul.f32 $2.000000000e+01, v20;
	v17 =	vshll.u32 v17, $0x4;
	[tilespmem:v15+s12+$0x0] =	vst.idx.add.f32.msk $0xffff, v2  }
0x2e8: {  	v10 =	vtrunc.f32 v10;
	v15 =	vmul.f32 $2.000000000e+01, v21;
	v17 =	vor.u32 v0, v17;
	[tilespmem:v14+s12+$0x0] =	vst.idx.add.f32.msk $0xffff, v2  }
0x2e9: {  	v11 =	vshll.u32 v11, $0x4;
	v14 =	vtrunc.f32 v18;
	v18 =	vmul.f32 $2.000000000e+01, v22;
	[tilespmem:v16+s12+$0x0] =	vst.idx.add.f32.msk $0xffff, v2  }
0x2ea: {  	v11 =	vor.u32 v0, v11;
	v16 =	vmul.f32 $2.000000000e+01, v23;
	v15 =	vtrunc.f32 v15;
	[tilespmem:v13+s12+$0x0] =	vst.idx.add.f32.msk $0xffff, v2  }
0x2eb: {  	v13 =	vcvt.f32.s32 v19;
	v18 =	vtrunc.f32 v18;
	v19 =	vld [tilespmem:s17+$0x80]  }
0x2ec: {  	v10 =	vcvt.f32.s32 v10;
	v16 =	vtrunc.f32 v16;
	v20 =	vld [tilespmem:s17+$0xA0]  }
0x2ed: {  	v14 =	vcvt.f32.s32 v14;
	v13 =	vshll.u32 v13, $0x4;
	v16 =	vcvt.f32.s32 v16;
	[tilespmem:v17+s12+$0x0] =	vst.idx.add.f32.msk $0xffff, v2  }
0x2ee: {  	v10 =	vshll.u32 v10, $0x4;
	v15 =	vcvt.f32.s32 v15;
	v17 =	vcvt.f32.s32 v18;
	v18 =	vld [tilespmem:s19+$0xFFFFFFF0]  }
0x2ef: {  	v16 =	vshll.u32 v16, $0x4;
	[tilespmem:v11+s12+$0x0] =	vst.idx.add.f32.msk $0xffff, v2;
	v11 =	vor.u32 v0, v13;
	v13 =	vshll.u32 v14, $0x4  }
0x2f0: {  	v15 =	vshll.u32 v15, $0x4;
	v17 =	vshll.u32 v17, $0x4;
	v14 =	vor.u32 v0, v16;
	v16 =	vld [tilespmem:s19+$0xFFFFFF90]  }
0x2f1: {  	v10 =	vor.u32 v0, v10;
	v15 =	vor.u32 v0, v15;
	v13 =	vor.u32 v0, v13;
	v21 =	vld [tilespmem:s17+$0xB0]  }
0x2f2: {  	v17 =	vor.u32 v0, v17;
	v19 =	vmul.f32 $2.000000000e+01, v19;
	v20 =	vmul.f32 $2.000000000e+01, v20;
	v22 =	vld [tilespmem:s17+$0xC0]  }
0x2f3: {  	v12 =	vtrunc.f32 v12;
	v18 =	vmul.f32 $2.000000000e+01, v18;
	v23 =	vld [tilespmem:s17+$0xD0]  }
0x2f4: {  	[tilespmem:v11+s12+$0x0] =	vst.idx.add.f32.msk $0xffff, v2;
	v11 =	vtrunc.f32 v19;
	v19 =	vtrunc.f32 v20  }
0x2f5: {  	[tilespmem:v14+s12+$0x0] =	vst.idx.add.f32.msk $0xffff, v2;
	v14 =	vmul.f32 $2.000000000e+01, v16;
	v16 =	vtrunc.f32 v18  }
0x2f6: {  	[tilespmem:v10+s12+$0x0] =	vst.idx.add.f32.msk $0xffff, v2;
	v10 =	vcvt.f32.s32 v16;
	v16 =	vmul.f32 $2.000000000e+01, v21  }
0x2f7: {  	v14 =	vtrunc.f32 v14;
	[tilespmem:v13+s12+$0x0] =	vst.idx.add.f32.msk $0xffff, v2;
	v13 =	vmul.f32 $2.000000000e+01, v22  }
0x2f8: {  	v14 =	vcvt.f32.s32 v14;
	[tilespmem:v15+s12+$0x0] =	vst.idx.add.f32.msk $0xffff, v2;
	v10 =	vshll.u32 v10, $0x4;
	v15 =	vmul.f32 $2.000000000e+01, v23  }
0x2f9: {  	v16 =	vtrunc.f32 v16;
	[tilespmem:v17+s12+$0x0] =	vst.idx.add.f32.msk $0xffff, v2;
	v10 =	vadd.s32 v3, v10;
	v13 =	vtrunc.f32 v13  }
0x2fa: {  	v11 =	vcvt.f32.s32 v11;
	v17 =	vld [tilespmem:s19+$0xFFFFFF80];
	v14 =	vshll.u32 v14, $0x4;
	v15 =	vtrunc.f32 v15  }
0x2fb: {  	v12 =	vcvt.f32.s32 v12;
	v19 =	vcvt.f32.s32 v19;
	v14 =	vadd.s32 v3, v14;
	v18 =	vld [tilespmem:s19+$0xFFFFFFA0]  }
0x2fc: {  	v11 =	vshll.u32 v11, $0x4;
	v16 =	vcvt.f32.s32 v16;
	v13 =	vcvt.f32.s32 v13;
	v20 =	vld [tilespmem:s19+$0xFFFFFFB0]  }
0x2fd: {  	v12 =	vshll.u32 v12, $0x4;
	v19 =	vshll.u32 v19, $0x4;
	v15 =	vcvt.f32.s32 v15;
	v21 =	vld [tilespmem:s19+$0xFFFFFFC0]  }
0x2fe: {  	v13 =	vshll.u32 v13, $0x4;
	[tilespmem:v10+s12+$0x0] =	vst.idx.add.f32.msk $0xffff, v2;
	v10 =	vadd.s32 v5, v11;
	v11 =	vshll.u32 v16, $0x4  }
0x2ff: {  	v12 =	vadd.s32 v5, v12;
	v15 =	vshll.u32 v15, $0x4;
	v16 =	vmul.f32 $2.000000000e+01, v17;
	v17 =	vld [tilespmem:s19+$0x70]  }
0x300: {  	v19 =	vadd.s32 v5, v19;
	v11 =	vadd.s32 v5, v11;
	v18 =	vmul.f32 $2.000000000e+01, v18;
	v22 =	vld [tilespmem:s19+$0xFFFFFFD0]  }
0x301: {  	v13 =	vadd.s32 v5, v13;
	v16 =	vtrunc.f32 v16;
	v20 =	vmul.f32 $2.000000000e+01, v20;
	v23 =	vld [tilespmem:s19+$0xFFFFFFE0]  }
0x302: {  	v15 =	vadd.s32 v5, v15;
	[tilespmem:v14+s12+$0x0] =	vst.idx.add.f32.msk $0xffff, v2;
	v14 =	vtrunc.f32 v18;
	v18 =	vmul.f32 $2.000000000e+01, v21  }
0x303: {  	v16 =	vcvt.f32.s32 v16;
	v21 =	vld [tilespmem:s19+$0x10];
	v20 =	vtrunc.f32 v20  }
0x304: {  	v18 =	vtrunc.f32 v18;
	v17 =	vmul.f32 $2.000000000e+01, v17;
	v24 =	vld [tilespmem:s17+$0xE0];
	s17 =	smov.u32 s19  }
0x305: {  	v14 =	vcvt.f32.s32 v14;
	v16 =	vshll.u32 v16, $0x4;
	v22 =	vmul.f32 $2.000000000e+01, v22;
	[tilespmem:v10+s12+$0x0] =	vst.idx.add.f32.msk $0xffff, v2  }
0x306: {  	v10 =	vadd.s32 v3, v16;
	v16 =	vmul.f32 $2.000000000e+01, v23;
	v17 =	vtrunc.f32 v17;
	[tilespmem:v12+s12+$0x0] =	vst.idx.add.f32.msk $0xffff, v2  }
0x307: {  	v12 =	vshll.u32 v14, $0x4;
	v14 =	vtrunc.f32 v22;
	v17 =	vcvt.f32.s32 v17;
	[tilespmem:v19+s12+$0x0] =	vst.idx.add.f32.msk $0xffff, v2  }
0x308: {  	v12 =	vadd.s32 v3, v12;
	v19 =	vcvt.f32.s32 v20;
	v16 =	vtrunc.f32 v16;
	[tilespmem:v11+s12+$0x0] =	vst.idx.add.f32.msk $0xffff, v2  }
0x309: {  	v11 =	vcvt.f32.s32 v18;
	v14 =	vcvt.f32.s32 v14;
	v17 =	vshll.u32 v17, $0x4;
	[tilespmem:v13+s12+$0x0] =	vst.idx.add.f32.msk $0xffff, v2  }
0x30a: {  	v13 =	vshll.u32 v19, $0x4;
	v16 =	vcvt.f32.s32 v16;
	v17 =	vadd.s32 v4, v17;
	[tilespmem:v15+s12+$0x0] =	vst.idx.add.f32.msk $0xffff, v2  }
0x30b: {  	v11 =	vshll.u32 v11, $0x4;
	[tilespmem:v10+s12+$0x0] =	vst.idx.add.f32.msk $0xffff, v2;
	v10 =	vadd.s32 v3, v13;
	v13 =	vshll.u32 v14, $0x4  }
0x30c: {  	v11 =	vadd.s32 v3, v11;
	v15 =	vshll.u32 v16, $0x4;
	v14 =	vld [tilespmem:s19+$0x0];
	v13 =	vadd.s32 v3, v13  }
0x30d: {  	v16 =	vmul.f32 $2.000000000e+01, v21;
	[tilespmem:v12+s12+$0x0] =	vst.idx.add.f32.msk $0xffff, v2;
	v12 =	vadd.s32 v3, v15;
	v15 =	vmul.f32 $2.000000000e+01, v24  }
0x30e: {  	v18 =	vld [tilespmem:s19+$0x20]  }
0x30f: {  	v16 =	vtrunc.f32 v16;
	[tilespmem:v17+s12+$0x0] =	vst.idx.add.f32.msk $0xffff, v2;
	v15 =	vtrunc.f32 v15  }
0x310: {  	v16 =	vcvt.f32.s32 v16;
	v17 =	vld [tilespmem:s19+$0xF0];
	v15 =	vcvt.f32.s32 v15  }
0x311: {  	v14 =	vmul.f32 $2.000000000e+01, v14;
	[tilespmem:v10+s12+$0x0] =	vst.idx.add.f32.msk $0xffff, v2  }
0x312: {  	v10 =	vshll.u32 v16, $0x4;
	[tilespmem:v11+s12+$0x0] =	vst.idx.add.f32.msk $0xffff, v2;
	v11 =	vshll.u32 v15, $0x4  }
0x313: {  	v10 =	vadd.s32 v4, v10;
	v14 =	vtrunc.f32 v14;
	v15 =	vmul.f32 $2.000000000e+01, v18;
	[tilespmem:v13+s12+$0x0] =	vst.idx.add.f32.msk $0xffff, v2  }
0x314: {  	v16 =	vadd.s32 v5, v11;
	v13 =	vcvt.f32.s32 v14;
	[tilespmem:v12+s12+$0x0] =	vst.idx.add.f32.msk $0xffff, v2  }
0x315: {  	v11 =	vtrunc.f32 v15;
	v14 =	vld [tilespmem:s19+$0x30];
	v12 =	vmul.f32 $2.000000000e+01, v17  }
0x316: {  	v13 =	vshll.u32 v13, $0x4;
	v11 =	vcvt.f32.s32 v11;
	v15 =	vld [tilespmem:s19+$0x40]  }
0x317: {  	v17 =	vadd.s32 v4, v13;
	v18 =	vld [tilespmem:s19+$0x50];
	v12 =	vtrunc.f32 v12  }
.Ltmp8:
0x318: {  	v11 =	vshll.u32 v11, $0x4;
	v13 =	vld [tilespmem:s19+$0x60];
	v19 =	vcvt.f32.s32 v12;
	(pc) =	sbr.rel @p1 .LBB2_14-.Ltmp8, $4  }
0x319: {  	[tilespmem:v10+s12+$0x0] =	vst.idx.add.f32.msk $0xffff, v2;
	v11 =	vadd.s32 v4, v11  }
0x31a: {  	v12 =	vld [tilespmem:s19+$0x90];
	v20 =	vmul.f32 $2.000000000e+01, v14;
	v10 =	vshll.u32 v19, $0x4  }
0x31b: {  	v14 =	vmul.f32 $2.000000000e+01, v15;
	v10 =	vadd.s32 v5, v10;
	[tilespmem:v16+s12+$0x0] =	vst.idx.add.f32.msk $0xffff, v2  }
0x31c: {  	s19 =	sadd.s32 $0x400, s19;
	[tilespmem:v17+s12+$0x0] =	vst.idx.add.f32.msk $0xffff, v2;
	v15 =	vtrunc.f32 v20;
	v16 =	vmul.f32 $2.000000000e+01, v18  }
0x31d: {  	v14 =	vtrunc.f32 v14;
	v15 =	vcvt.f32.s32 v15  }
0x31e: {  	v14 =	vcvt.f32.s32 v14  }
0x31f: {  	v15 =	vshll.u32 v15, $0x4  }
0x320: {  	v16 =	vtrunc.f32 v16;
	v15 =	vadd.s32 v4, v15;
	v14 =	vshll.u32 v14, $0x4  }
0x321: {  	v16 =	vcvt.f32.s32 v16;
	v14 =	vadd.s32 v4, v14;
	_ =	sdelay $0x1  }
0x322: {  	[tilespmem:v11+s12+$0x0] =	vst.idx.add.f32.msk $0xffff, v2;
	v16 =	vshll.u32 v16, $0x4  }
0x323: {  	v11 =	vmul.f32 $2.000000000e+01, v13;
	v13 =	vld [tilespmem:s17+$0x80];
	v16 =	vadd.s32 v4, v16  }
0x324: {  	[tilespmem:v15+s12+$0x0] =	vst.idx.add.f32.msk $0xffff, v2  }
0x325: {  	v11 =	vtrunc.f32 v11;
	[tilespmem:v14+s12+$0x0] =	vst.idx.add.f32.msk $0xffff, v2  }
0x326: {  	v11 =	vcvt.f32.s32 v11;
	v14 =	vld [tilespmem:s17+$0xA0]  }
0x327: {  	v15 =	vld [tilespmem:s17+$0xB0]  }
0x328: {  	v11 =	vshll.u32 v11, $0x4;
	[tilespmem:v16+s12+$0x0] =	vst.idx.add.f32.msk $0xffff, v2  }
0x329: {  	v11 =	vadd.s32 v4, v11;
	v16 =	vld [tilespmem:s17+$0xC0]  }
0x32a: {  	v12 =	vmul.f32 $2.000000000e+01, v12;
	v17 =	vld [tilespmem:s17+$0xD0];
	_ =	sdelay $0x1  }
0x32b: {  	v12 =	vtrunc.f32 v12  }
0x32c: {  	v13 =	vmul.f32 $2.000000000e+01, v13;
	v12 =	vcvt.f32.s32 v12  }
0x32d: {  	[tilespmem:v11+s12+$0x0] =	vst.idx.add.f32.msk $0xffff, v2;
	v14 =	vmul.f32 $2.000000000e+01, v14;
	v11 =	vmul.f32 $2.000000000e+01, v15  }
0x32e: {  	v15 =	vmul.f32 $2.000000000e+01, v16;
	v16 =	vmul.f32 $2.000000000e+01, v17;
	v17 =	vld [tilespmem:s17+$0xE0]  }
0x32f: {  	v13 =	vtrunc.f32 v13  }
0x330: {  	v12 =	vshll.u32 v12, $0x4;
	v13 =	vcvt.f32.s32 v13;
	v14 =	vtrunc.f32 v14  }
0x331: {  	v12 =	vadd.s32 v5, v12;
	v11 =	vtrunc.f32 v11;
	v15 =	vtrunc.f32 v15  }
0x332: {  	v13 =	vshll.u32 v13, $0x4;
	v14 =	vcvt.f32.s32 v14;
	v11 =	vcvt.f32.s32 v11  }
0x333: {  	v13 =	vadd.s32 v5, v13;
	v16 =	vtrunc.f32 v16;
	v17 =	vmul.f32 $2.000000000e+01, v17  }
0x334: {  	v15 =	vcvt.f32.s32 v15;
	v14 =	vshll.u32 v14, $0x4;
	v16 =	vcvt.f32.s32 v16  }
0x335: {  	v11 =	vshll.u32 v11, $0x4;
	v14 =	vadd.s32 v5, v14;
	v17 =	vtrunc.f32 v17  }
0x336: {  	v15 =	vshll.u32 v15, $0x4;
	v11 =	vadd.s32 v5, v11;
	v17 =	vcvt.f32.s32 v17  }
0x337: {  	[tilespmem:v10+s12+$0x0] =	vst.idx.add.f32.msk $0xffff, v2;
	v10 =	vshll.u32 v16, $0x4;
	v15 =	vadd.s32 v5, v15  }
0x338: {  	[tilespmem:v13+s12+$0x0] =	vst.idx.add.f32.msk $0xffff, v2;
	v10 =	vadd.s32 v5, v10;
	v13 =	vshll.u32 v17, $0x4  }
0x339: {  	[tilespmem:v12+s12+$0x0] =	vst.idx.add.f32.msk $0xffff, v2;
	v12 =	vadd.s32 v5, v13  }
0x33a: {  	[tilespmem:v14+s12+$0x0] =	vst.idx.add.f32.msk $0xffff, v2  }
0x33b: {  	[tilespmem:v11+s12+$0x0] =	vst.idx.add.f32.msk $0xffff, v2  }
0x33c: {  	[tilespmem:v15+s12+$0x0] =	vst.idx.add.f32.msk $0xffff, v2  }
0x33d: {  	[tilespmem:v10+s12+$0x0] =	vst.idx.add.f32.msk $0xffff, v2  }
0x33e: {  	s17 =	simm.s32 $0x3F0;
	[tilespmem:v12+s12+$0x0] =	vst.idx.add.f32.msk $0xffff, v2  }
0x33f: {  	v10 =	vld [tilespmem:s17+$0xFFFFFE80];
	_ =	sdelay $0x4  }
0x340: {  	v10 =	vmul.f32 $2.000000000e+01, v10;
	_ =	sdelay $0x1  }
0x341: {  	v11 =	vld [tilespmem:s17+$0xFFFFFE20];
	v10 =	vtrunc.f32 v10  }
0x342: {  	v12 =	vld [tilespmem:s17+$0xFFFFFE30];
	v10 =	vcvt.f32.s32 v10  }
0x343: {  	v13 =	vld [tilespmem:s17+$0xFFFFFE40]  }
0x344: {  	v10 =	vshll.u32 v10, $0x4  }
0x345: {  	v10 =	vadd.s32 v6, v10  }
0x346: {  	v14 =	vld [tilespmem:s17+$0xFFFFFE10]  }
0x347: {  	v15 =	vld [tilespmem:s17+$0xFFFFFE50];
	v11 =	vmul.f32 $2.000000000e+01, v11;
	v12 =	vmul.f32 $2.000000000e+01, v12  }
0x348: {  	v13 =	vmul.f32 $2.000000000e+01, v13  }
0x349: {  	v11 =	vtrunc.f32 v11;
	v12 =	vtrunc.f32 v12  }
0x34a: {  	v13 =	vtrunc.f32 v13;
	[tilespmem:v10+s12+$0x0] =	vst.idx.add.f32.msk $0xffff, v2;
	v10 =	vcvt.f32.s32 v11  }
0x34b: {  	v12 =	vcvt.f32.s32 v12;
	v11 =	vmul.f32 $2.000000000e+01, v14;
	v14 =	vld [tilespmem:s17+$0xFFFFFF00]  }
0x34c: {  	v15 =	vmul.f32 $2.000000000e+01, v15;
	v13 =	vcvt.f32.s32 v13;
	v10 =	vshll.u32 v10, $0x4  }
0x34d: {  	v16 =	vld [tilespmem:s17+$0xFFFFFE60];
	v12 =	vshll.u32 v12, $0x4;
	v11 =	vtrunc.f32 v11;
	v10 =	vadd.s32 v6, v10  }
0x34e: {  	v13 =	vshll.u32 v13, $0x4;
	v12 =	vadd.s32 v6, v12;
	v11 =	vcvt.f32.s32 v11  }
0x34f: {  	v15 =	vtrunc.f32 v15;
	v13 =	vadd.s32 v6, v13  }
0x350: {  	v15 =	vcvt.f32.s32 v15;
	v11 =	vshll.u32 v11, $0x4;
	v14 =	vmul.f32 $2.000000000e+01, v14  }
0x351: {  	v17 =	vld [tilespmem:s17+$0xFFFFFE70];
	v11 =	vadd.s32 v6, v11  }
0x352: {  	v16 =	vmul.f32 $2.000000000e+01, v16;
	v14 =	vtrunc.f32 v14;
	[tilespmem:v10+s12+$0x0] =	vst.idx.add.f32.msk $0xffff, v2;
	v10 =	vshll.u32 v15, $0x4  }
0x353: {  	[tilespmem:v12+s12+$0x0] =	vst.idx.add.f32.msk $0xffff, v2;
	v14 =	vcvt.f32.s32 v14;
	v10 =	vadd.s32 v6, v10  }
0x354: {  	[tilespmem:v13+s12+$0x0] =	vst.idx.add.f32.msk $0xffff, v2;
	v15 =	vtrunc.f32 v16  }
0x355: {  	v16 =	vld [tilespmem:s17+$0xFFFFFEA0];
	v15 =	vcvt.f32.s32 v15;
	v12 =	vshll.u32 v14, $0x4  }
0x356: {  	[tilespmem:v11+s12+$0x0] =	vst.idx.add.f32.msk $0xffff, v2;
	v11 =	vadd.s32 v7, v12  }
0x357: {  	v12 =	vshll.u32 v15, $0x4;
	v14 =	vld [tilespmem:s17+$0xFFFFFE90];
	v15 =	vmul.f32 $2.000000000e+01, v17  }
0x358: {  	v12 =	vadd.s32 v6, v12;
	[tilespmem:v10+s12+$0x0] =	vst.idx.add.f32.msk $0xffff, v2  }
0x359: {  	v10 =	vtrunc.f32 v15;
	v15 =	vld [tilespmem:s17+$0xFFFFFEB0]  }
0x35a: {  	v13 =	vmul.f32 $2.000000000e+01, v16;
	v16 =	vld [tilespmem:s17+$0xFFFFFED0]  }
0x35b: {  	v10 =	vcvt.f32.s32 v10;
	[tilespmem:v11+s12+$0x0] =	vst.idx.add.f32.msk $0xffff, v2  }
0x35c: {  	v11 =	vtrunc.f32 v13;
	v13 =	vmul.f32 $2.000000000e+01, v14;
	v14 =	vld [tilespmem:s17+$0xFFFFFF80]  }
0x35d: {  	v10 =	vshll.u32 v10, $0x4;
	v11 =	vcvt.f32.s32 v11;
	[tilespmem:v12+s12+$0x0] =	vst.idx.add.f32.msk $0xffff, v2  }
0x35e: {  	v10 =	vadd.s32 v6, v10;
	v12 =	vld [tilespmem:s17+$0xFFFFFEC0]  }
0x35f: {  	v13 =	vtrunc.f32 v13;
	v15 =	vmul.f32 $2.000000000e+01, v15;
	v11 =	vshll.u32 v11, $0x4  }
0x360: {  	v13 =	vcvt.f32.s32 v13;
	v11 =	vadd.s32 v7, v11  }
0x361: {  	v17 =	vld [tilespmem:s17+$0xFFFFFEE0];
	v15 =	vtrunc.f32 v15;
	v14 =	vmul.f32 $2.000000000e+01, v14  }
0x362: {  	v16 =	vmul.f32 $2.000000000e+01, v16;
	v13 =	vshll.u32 v13, $0x4;
	v15 =	vcvt.f32.s32 v15  }
0x363: {  	v13 =	vadd.s32 v7, v13;
	[tilespmem:v10+s12+$0x0] =	vst.idx.add.f32.msk $0xffff, v2;
	v10 =	vmul.f32 $2.000000000e+01, v12;
	v12 =	vtrunc.f32 v14  }
0x364: {  	v16 =	vtrunc.f32 v16;
	v15 =	vshll.u32 v15, $0x4;
	v14 =	vld [tilespmem:s17+$0xFFFFFEF0];
	v12 =	vcvt.f32.s32 v12  }
0x365: {  	v16 =	vcvt.f32.s32 v16;
	v15 =	vadd.s32 v7, v15;
	[tilespmem:v11+s12+$0x0] =	vst.idx.add.f32.msk $0xffff, v2  }
0x366: {  	v10 =	vtrunc.f32 v10;
	v11 =	vmul.f32 $2.000000000e+01, v17;
	v17 =	vld [tilespmem:s17+$0xFFFFFF20];
	v12 =	vshll.u32 v12, $0x4  }
0x367: {  	v16 =	vshll.u32 v16, $0x4;
	v10 =	vcvt.f32.s32 v10;
	v12 =	vadd.s32 v8, v12  }
0x368: {  	v16 =	vadd.s32 v7, v16;
	v11 =	vtrunc.f32 v11;
	[tilespmem:v13+s12+$0x0] =	vst.idx.add.f32.msk $0xffff, v2  }
0x369: {  	v10 =	vshll.u32 v10, $0x4;
	v11 =	vcvt.f32.s32 v11;
	v13 =	vld [tilespmem:s17+$0xFFFFFF10];
	v14 =	vmul.f32 $2.000000000e+01, v14  }
0x36a: {  	v10 =	vadd.s32 v7, v10;
	[tilespmem:v15+s12+$0x0] =	vst.idx.add.f32.msk $0xffff, v2  }
0x36b: {  	v11 =	vshll.u32 v11, $0x4;
	v14 =	vtrunc.f32 v14;
	v15 =	vmul.f32 $2.000000000e+01, v17;
	v17 =	vld [tilespmem:s17+$0xFFFFFF30]  }
0x36c: {  	v11 =	vadd.s32 v7, v11;
	v14 =	vcvt.f32.s32 v14;
	[tilespmem:v12+s12+$0x0] =	vst.idx.add.f32.msk $0xffff, v2  }
0x36d: {  	v12 =	vtrunc.f32 v15;
	v15 =	vld [tilespmem:s17+$0x0]  }
0x36e: {  	[tilespmem:v16+s12+$0x0] =	vst.idx.add.f32.msk $0xffff, v2;
	v13 =	vmul.f32 $2.000000000e+01, v13;
	v14 =	vshll.u32 v14, $0x4  }
0x36f: {  	[tilespmem:v10+s12+$0x0] =	vst.idx.add.f32.msk $0xffff, v2;
	v12 =	vcvt.f32.s32 v12;
	v10 =	vadd.s32 v7, v14  }
0x370: {  	v16 =	vld [tilespmem:s17+$0xFFFFFF50];
	v13 =	vtrunc.f32 v13  }
0x371: {  	v12 =	vshll.u32 v12, $0x4;
	[tilespmem:v11+s12+$0x0] =	vst.idx.add.f32.msk $0xffff, v2;
	v11 =	vcvt.f32.s32 v13;
	v13 =	vmul.f32 $2.000000000e+01, v17  }
0x372: {  	v14 =	vld [tilespmem:s17+$0xFFFFFF40];
	v12 =	vadd.s32 v8, v12;
	v15 =	vmul.f32 $2.000000000e+01, v15  }
0x373: {  	v18 =	vld [tilespmem:s17+$0xFFFFFF60];
	v11 =	vshll.u32 v11, $0x4;
	v13 =	vtrunc.f32 v13  }
0x374: {  	v17 =	vadd.s32 v8, v11;
	[tilespmem:v10+s12+$0x0] =	vst.idx.add.f32.msk $0xffff, v2;
	v10 =	vcvt.f32.s32 v13;
	v11 =	vtrunc.f32 v15  }
0x375: {  	v13 =	vld [tilespmem:s17+$0xFFFFFF70];
	v15 =	vcvt.f32.s32 v11  }
0x376: {  	v10 =	vshll.u32 v10, $0x4  }
0x377: {  	v19 =	vmul.f32 $2.000000000e+01, v14;
	[tilespmem:v12+s12+$0x0] =	vst.idx.add.f32.msk $0xffff, v2;
	v11 =	vadd.s32 v8, v10;
	v10 =	vshll.u32 v15, $0x4  }
0x378: {  	v14 =	vmul.f32 $2.000000000e+01, v16;
	v12 =	vld [tilespmem:s17+$0xFFFFFFA0];
	v10 =	vadd.s32 v9, v10  }
0x379: {  	s18 =	simm.s32 $0x0;
	s19 =	simm.s32 $0x7F0;
	v16 =	vmul.f32 $2.000000000e+01, v18;
	[tilespmem:v17+s12+$0x0] =	vst.idx.add.f32.msk $0xffff, v2;
	v15 =	vtrunc.f32 v19  }
.LBB2_16:
0x37a: {  	v17 =	vld [tilespmem:s19+$0xFFFFFE80];
	s18 =	sadd.s32 $0x80, s18;
	v14 =	vtrunc.f32 v14;
	v13 =	vmul.f32 $2.000000000e+01, v13  }
0x37b: {  	v15 =	vcvt.f32.s32 v15;
	v18 =	vld [tilespmem:s19+$0xFFFFFE20];
	p1 =	slt.u32 s18, $0x380;
	v16 =	vtrunc.f32 v16  }
0x37c: {  	v14 =	vcvt.f32.s32 v14;
	v19 =	vld [tilespmem:s19+$0xFFFFFE30];
	v13 =	vtrunc.f32 v13  }
0x37d: {  	v15 =	vshll.u32 v15, $0x4;
	v16 =	vcvt.f32.s32 v16;
	v13 =	vcvt.f32.s32 v13;
	[tilespmem:v10+s12+$0x0] =	vst.idx.add.f32.msk $0xffff, v2  }
0x37e: {  	v12 =	vmul.f32 $2.000000000e+01, v12;
	v15 =	vadd.s32 v8, v15;
	v14 =	vshll.u32 v14, $0x4;
	v10 =	vld [tilespmem:s19+$0xFFFFFE40]  }
0x37f: {  	v16 =	vshll.u32 v16, $0x4;
	v20 =	vld [tilespmem:s19+$0xFFFFFE50];
	v17 =	vmul.f32 $2.000000000e+01, v17;
	v13 =	vshll.u32 v13, $0x4  }
0x380: {  	v14 =	vadd.s32 v8, v14;
	v16 =	vadd.s32 v8, v16;
	v18 =	vmul.f32 $2.000000000e+01, v18;
	v21 =	vld [tilespmem:s19+$0xFFFFFE60]  }
0x381: {  	v13 =	vadd.s32 v8, v13;
	v19 =	vmul.f32 $2.000000000e+01, v19;
	v22 =	vld [tilespmem:s19+$0xFFFFFE70];
	v17 =	vtrunc.f32 v17  }
0x382: {  	v23 =	vld [tilespmem:s19+$0xFFFFFE10];
	v18 =	vtrunc.f32 v18;
	v17 =	vcvt.f32.s32 v17  }
0x383: {  	v19 =	vtrunc.f32 v19;
	v10 =	vmul.f32 $2.000000000e+01, v10;
	[tilespmem:v11+s12+$0x0] =	vst.idx.add.f32.msk $0xffff, v2  }
0x384: {  	v11 =	vcvt.f32.s32 v18;
	v18 =	vmul.f32 $2.000000000e+01, v20;
	v17 =	vshll.u32 v17, $0x4;
	[tilespmem:v15+s12+$0x0] =	vst.idx.add.f32.msk $0xffff, v2  }
0x385: {  	v10 =	vtrunc.f32 v10;
	v15 =	vmul.f32 $2.000000000e+01, v21;
	v17 =	vadd.s32 v6, v17;
	[tilespmem:v14+s12+$0x0] =	vst.idx.add.f32.msk $0xffff, v2  }
0x386: {  	v11 =	vshll.u32 v11, $0x4;
	v14 =	vtrunc.f32 v18;
	v18 =	vmul.f32 $2.000000000e+01, v22;
	[tilespmem:v16+s12+$0x0] =	vst.idx.add.f32.msk $0xffff, v2  }
0x387: {  	v11 =	vadd.s32 v6, v11;
	v16 =	vmul.f32 $2.000000000e+01, v23;
	v15 =	vtrunc.f32 v15;
	[tilespmem:v13+s12+$0x0] =	vst.idx.add.f32.msk $0xffff, v2  }
0x388: {  	v13 =	vcvt.f32.s32 v19;
	v18 =	vtrunc.f32 v18;
	v19 =	vld [tilespmem:s17+$0xFFFFFF90]  }
0x389: {  	v10 =	vcvt.f32.s32 v10;
	v16 =	vtrunc.f32 v16;
	v20 =	vld [tilespmem:s17+$0xFFFFFFB0]  }
0x38a: {  	v14 =	vcvt.f32.s32 v14;
	v13 =	vshll.u32 v13, $0x4;
	v16 =	vcvt.f32.s32 v16;
	[tilespmem:v17+s12+$0x0] =	vst.idx.add.f32.msk $0xffff, v2  }
0x38b: {  	v10 =	vshll.u32 v10, $0x4;
	v15 =	vcvt.f32.s32 v15;
	v17 =	vcvt.f32.s32 v18;
	v18 =	vld [tilespmem:s19+$0xFFFFFF00]  }
0x38c: {  	v16 =	vshll.u32 v16, $0x4;
	[tilespmem:v11+s12+$0x0] =	vst.idx.add.f32.msk $0xffff, v2;
	v11 =	vadd.s32 v6, v13;
	v13 =	vshll.u32 v14, $0x4  }
0x38d: {  	v15 =	vshll.u32 v15, $0x4;
	v17 =	vshll.u32 v17, $0x4;
	v14 =	vadd.s32 v6, v16;
	v16 =	vld [tilespmem:s19+$0xFFFFFEA0]  }
0x38e: {  	v10 =	vadd.s32 v6, v10;
	v15 =	vadd.s32 v6, v15;
	v13 =	vadd.s32 v6, v13;
	v21 =	vld [tilespmem:s17+$0xFFFFFFC0]  }
0x38f: {  	v17 =	vadd.s32 v6, v17;
	v19 =	vmul.f32 $2.000000000e+01, v19;
	v20 =	vmul.f32 $2.000000000e+01, v20;
	v22 =	vld [tilespmem:s17+$0xFFFFFFD0]  }
0x390: {  	v12 =	vtrunc.f32 v12;
	v18 =	vmul.f32 $2.000000000e+01, v18;
	v23 =	vld [tilespmem:s17+$0xFFFFFFE0]  }
0x391: {  	[tilespmem:v11+s12+$0x0] =	vst.idx.add.f32.msk $0xffff, v2;
	v11 =	vtrunc.f32 v19;
	v19 =	vtrunc.f32 v20  }
0x392: {  	[tilespmem:v14+s12+$0x0] =	vst.idx.add.f32.msk $0xffff, v2;
	v14 =	vmul.f32 $2.000000000e+01, v16;
	v16 =	vtrunc.f32 v18  }
0x393: {  	[tilespmem:v10+s12+$0x0] =	vst.idx.add.f32.msk $0xffff, v2;
	v10 =	vcvt.f32.s32 v16;
	v16 =	vmul.f32 $2.000000000e+01, v21  }
0x394: {  	v14 =	vtrunc.f32 v14;
	[tilespmem:v13+s12+$0x0] =	vst.idx.add.f32.msk $0xffff, v2;
	v13 =	vmul.f32 $2.000000000e+01, v22  }
0x395: {  	v14 =	vcvt.f32.s32 v14;
	[tilespmem:v15+s12+$0x0] =	vst.idx.add.f32.msk $0xffff, v2;
	v10 =	vshll.u32 v10, $0x4;
	v15 =	vmul.f32 $2.000000000e+01, v23  }
0x396: {  	v16 =	vtrunc.f32 v16;
	[tilespmem:v17+s12+$0x0] =	vst.idx.add.f32.msk $0xffff, v2;
	v10 =	vadd.s32 v7, v10;
	v13 =	vtrunc.f32 v13  }
0x397: {  	v11 =	vcvt.f32.s32 v11;
	v17 =	vld [tilespmem:s19+$0xFFFFFE90];
	v14 =	vshll.u32 v14, $0x4;
	v15 =	vtrunc.f32 v15  }
0x398: {  	v12 =	vcvt.f32.s32 v12;
	v19 =	vcvt.f32.s32 v19;
	v14 =	vadd.s32 v7, v14;
	v18 =	vld [tilespmem:s19+$0xFFFFFEB0]  }
0x399: {  	v11 =	vshll.u32 v11, $0x4;
	v16 =	vcvt.f32.s32 v16;
	v13 =	vcvt.f32.s32 v13;
	v20 =	vld [tilespmem:s19+$0xFFFFFEC0]  }
0x39a: {  	v12 =	vshll.u32 v12, $0x4;
	v19 =	vshll.u32 v19, $0x4;
	v15 =	vcvt.f32.s32 v15;
	v21 =	vld [tilespmem:s19+$0xFFFFFED0]  }
0x39b: {  	v13 =	vshll.u32 v13, $0x4;
	[tilespmem:v10+s12+$0x0] =	vst.idx.add.f32.msk $0xffff, v2;
	v10 =	vadd.s32 v9, v11;
	v11 =	vshll.u32 v16, $0x4  }
0x39c: {  	v12 =	vadd.s32 v9, v12;
	v15 =	vshll.u32 v15, $0x4;
	v16 =	vmul.f32 $2.000000000e+01, v17;
	v17 =	vld [tilespmem:s19+$0xFFFFFF80]  }
0x39d: {  	v19 =	vadd.s32 v9, v19;
	v11 =	vadd.s32 v9, v11;
	v18 =	vmul.f32 $2.000000000e+01, v18;
	v22 =	vld [tilespmem:s19+$0xFFFFFEE0]  }
0x39e: {  	v13 =	vadd.s32 v9, v13;
	v16 =	vtrunc.f32 v16;
	v20 =	vmul.f32 $2.000000000e+01, v20;
	v23 =	vld [tilespmem:s19+$0xFFFFFEF0]  }
0x39f: {  	v15 =	vadd.s32 v9, v15;
	[tilespmem:v14+s12+$0x0] =	vst.idx.add.f32.msk $0xffff, v2;
	v14 =	vtrunc.f32 v18;
	v18 =	vmul.f32 $2.000000000e+01, v21  }
0x3a0: {  	v16 =	vcvt.f32.s32 v16;
	v21 =	vld [tilespmem:s19+$0xFFFFFF20];
	v20 =	vtrunc.f32 v20  }
0x3a1: {  	v18 =	vtrunc.f32 v18;
	v17 =	vmul.f32 $2.000000000e+01, v17;
	v24 =	vld [tilespmem:s17+$0xFFFFFFF0];
	s17 =	smov.u32 s19  }
0x3a2: {  	v14 =	vcvt.f32.s32 v14;
	v16 =	vshll.u32 v16, $0x4;
	v22 =	vmul.f32 $2.000000000e+01, v22;
	[tilespmem:v10+s12+$0x0] =	vst.idx.add.f32.msk $0xffff, v2  }
0x3a3: {  	v10 =	vadd.s32 v7, v16;
	v16 =	vmul.f32 $2.000000000e+01, v23;
	v17 =	vtrunc.f32 v17;
	[tilespmem:v12+s12+$0x0] =	vst.idx.add.f32.msk $0xffff, v2  }
0x3a4: {  	v12 =	vshll.u32 v14, $0x4;
	v14 =	vtrunc.f32 v22;
	v17 =	vcvt.f32.s32 v17;
	[tilespmem:v19+s12+$0x0] =	vst.idx.add.f32.msk $0xffff, v2  }
0x3a5: {  	v12 =	vadd.s32 v7, v12;
	v19 =	vcvt.f32.s32 v20;
	v16 =	vtrunc.f32 v16;
	[tilespmem:v11+s12+$0x0] =	vst.idx.add.f32.msk $0xffff, v2  }
0x3a6: {  	v11 =	vcvt.f32.s32 v18;
	v14 =	vcvt.f32.s32 v14;
	v17 =	vshll.u32 v17, $0x4;
	[tilespmem:v13+s12+$0x0] =	vst.idx.add.f32.msk $0xffff, v2  }
0x3a7: {  	v13 =	vshll.u32 v19, $0x4;
	v16 =	vcvt.f32.s32 v16;
	v17 =	vadd.s32 v8, v17;
	[tilespmem:v15+s12+$0x0] =	vst.idx.add.f32.msk $0xffff, v2  }
0x3a8: {  	v11 =	vshll.u32 v11, $0x4;
	[tilespmem:v10+s12+$0x0] =	vst.idx.add.f32.msk $0xffff, v2;
	v10 =	vadd.s32 v7, v13;
	v13 =	vshll.u32 v14, $0x4  }
0x3a9: {  	v11 =	vadd.s32 v7, v11;
	v15 =	vshll.u32 v16, $0x4;
	v14 =	vld [tilespmem:s19+$0xFFFFFF10];
	v13 =	vadd.s32 v7, v13  }
0x3aa: {  	v16 =	vmul.f32 $2.000000000e+01, v21;
	[tilespmem:v12+s12+$0x0] =	vst.idx.add.f32.msk $0xffff, v2;
	v12 =	vadd.s32 v7, v15;
	v15 =	vmul.f32 $2.000000000e+01, v24  }
0x3ab: {  	v18 =	vld [tilespmem:s19+$0xFFFFFF30]  }
0x3ac: {  	v16 =	vtrunc.f32 v16;
	[tilespmem:v17+s12+$0x0] =	vst.idx.add.f32.msk $0xffff, v2;
	v15 =	vtrunc.f32 v15  }
0x3ad: {  	v16 =	vcvt.f32.s32 v16;
	v17 =	vld [tilespmem:s19+$0x0];
	v15 =	vcvt.f32.s32 v15  }
0x3ae: {  	v14 =	vmul.f32 $2.000000000e+01, v14;
	[tilespmem:v10+s12+$0x0] =	vst.idx.add.f32.msk $0xffff, v2  }
0x3af: {  	v10 =	vshll.u32 v16, $0x4;
	[tilespmem:v11+s12+$0x0] =	vst.idx.add.f32.msk $0xffff, v2;
	v11 =	vshll.u32 v15, $0x4  }
0x3b0: {  	v10 =	vadd.s32 v8, v10;
	v14 =	vtrunc.f32 v14;
	v15 =	vmul.f32 $2.000000000e+01, v18;
	[tilespmem:v13+s12+$0x0] =	vst.idx.add.f32.msk $0xffff, v2  }
0x3b1: {  	v16 =	vadd.s32 v9, v11;
	v13 =	vcvt.f32.s32 v14;
	[tilespmem:v12+s12+$0x0] =	vst.idx.add.f32.msk $0xffff, v2  }
0x3b2: {  	v11 =	vtrunc.f32 v15;
	v14 =	vld [tilespmem:s19+$0xFFFFFF40];
	v12 =	vmul.f32 $2.000000000e+01, v17  }
0x3b3: {  	v13 =	vshll.u32 v13, $0x4;
	v11 =	vcvt.f32.s32 v11;
	v15 =	vld [tilespmem:s19+$0xFFFFFF50]  }
0x3b4: {  	v17 =	vadd.s32 v8, v13;
	v18 =	vld [tilespmem:s19+$0xFFFFFF60];
	v12 =	vtrunc.f32 v12  }
.Ltmp9:
0x3b5: {  	v11 =	vshll.u32 v11, $0x4;
	v13 =	vld [tilespmem:s19+$0xFFFFFF70];
	v19 =	vcvt.f32.s32 v12;
	(pc) =	sbr.rel @p1 .LBB2_16-.Ltmp9, $4  }
0x3b6: {  	[tilespmem:v10+s12+$0x0] =	vst.idx.add.f32.msk $0xffff, v2;
	v11 =	vadd.s32 v8, v11  }
0x3b7: {  	v12 =	vld [tilespmem:s19+$0xFFFFFFA0];
	v20 =	vmul.f32 $2.000000000e+01, v14;
	v10 =	vshll.u32 v19, $0x4  }
0x3b8: {  	v14 =	vmul.f32 $2.000000000e+01, v15;
	v10 =	vadd.s32 v9, v10;
	[tilespmem:v16+s12+$0x0] =	vst.idx.add.f32.msk $0xffff, v2  }
0x3b9: {  	s19 =	sadd.s32 $0x400, s19;
	[tilespmem:v17+s12+$0x0] =	vst.idx.add.f32.msk $0xffff, v2;
	v15 =	vtrunc.f32 v20;
	v16 =	vmul.f32 $2.000000000e+01, v18  }
0x3ba: {  	_ =	sdelay $0x1  }
0x3bb: {  	v14 =	vtrunc.f32 v14;
	v15 =	vcvt.f32.s32 v15  }
0x3bc: {  	v14 =	vcvt.f32.s32 v14  }
0x3bd: {  	[tilespmem:v11+s12+$0x0] =	vst.idx.add.f32.msk $0xffff, v2;
	v11 =	vmul.f32 $2.000000000e+01, v13;
	v16 =	vtrunc.f32 v16;
	v15 =	vshll.u32 v15, $0x4  }
0x3be: {  	v16 =	vcvt.f32.s32 v16;
	v15 =	vadd.s32 v8, v15;
	v14 =	vshll.u32 v14, $0x4  }
0x3bf: {  	v14 =	vadd.s32 v8, v14  }
0x3c0: {  	v11 =	vtrunc.f32 v11;
	v16 =	vshll.u32 v16, $0x4  }
0x3c1: {  	v56 =	vld [tilespmem:s17+$0xFFFFFF90];
	v11 =	vcvt.f32.s32 v11;
	v16 =	vadd.s32 v8, v16  }
0x3c2: {  	v57 =	vld [tilespmem:s17+$0xFFFFFFB0]  }
0x3c3: {  	v11 =	vshll.u32 v11, $0x4;
	[tilespmem:v15+s12+$0x0] =	vst.idx.add.f32.msk $0xffff, v2  }
0x3c4: {  	v11 =	vadd.s32 v8, v11;
	[tilespmem:v14+s12+$0x0] =	vst.idx.add.f32.msk $0xffff, v2  }
0x3c5: {  	v15 =	vld [tilespmem:s17+$0xFFFFFFC0]  }
0x3c6: {  	v12 =	vmul.f32 $2.000000000e+01, v12;
	[tilespmem:v16+s12+$0x0] =	vst.idx.add.f32.msk $0xffff, v2  }
0x3c7: {  	v58 =	vld [tilespmem:s17+$0xFFFFFFD0]  }
0x3c8: {  	v12 =	vtrunc.f32 v12;
	v13 =	vmul.f32 $2.000000000e+01, v56;
	v17 =	vld [tilespmem:s17+$0xFFFFFFE0]  }
0x3c9: {  	v12 =	vcvt.f32.s32 v12;
	v14 =	vmul.f32 $2.000000000e+01, v57;
	[tilespmem:v11+s12+$0x0] =	vst.idx.add.f32.msk $0xffff, v2  }
0x3ca: {  	v13 =	vtrunc.f32 v13;
	v61 =	vld [tilespmem:s17+$0xFFFFFFF0]  }
0x3cb: {  	v12 =	vshll.u32 v12, $0x4;
	v13 =	vcvt.f32.s32 v13;
	v14 =	vtrunc.f32 v14  }
0x3cc: {  	v12 =	vadd.s32 v9, v12;
	v11 =	vmul.f32 $2.000000000e+01, v15;
	v59 =	vmul.f32 $2.000000000e+01, v58  }
0x3cd: {  	v13 =	vshll.u32 v13, $0x4;
	v14 =	vcvt.f32.s32 v14;
	v60 =	vmul.f32 $2.000000000e+01, v17  }
0x3ce: {  	v13 =	vadd.s32 v9, v13;
	v11 =	vtrunc.f32 v11;
	v15 =	vtrunc.f32 v59  }
0x3cf: {  	v14 =	vshll.u32 v14, $0x4;
	v11 =	vcvt.f32.s32 v11;
	v17 =	vmul.f32 $2.000000000e+01, v61  }
0x3d0: {  	v14 =	vadd.s32 v9, v14;
	v16 =	vtrunc.f32 v60;
	v15 =	vcvt.f32.s32 v15  }
0x3d1: {  	v16 =	vcvt.f32.s32 v16;
	v11 =	vshll.u32 v11, $0x4;
	v17 =	vtrunc.f32 v17  }
0x3d2: {  	v15 =	vshll.u32 v15, $0x4;
	v11 =	vadd.s32 v9, v11;
	v17 =	vcvt.f32.s32 v17  }
0x3d3: {  	[tilespmem:v10+s12+$0x0] =	vst.idx.add.f32.msk $0xffff, v2;
	v10 =	vshll.u32 v16, $0x4;
	v15 =	vadd.s32 v9, v15  }
0x3d4: {  	[tilespmem:v12+s12+$0x0] =	vst.idx.add.f32.msk $0xffff, v2;
	v10 =	vadd.s32 v9, v10;
	v62 =	vshll.u32 v17, $0x4  }
0x3d5: {  	[tilespmem:v13+s12+$0x0] =	vst.idx.add.f32.msk $0xffff, v2;
	v63 =	vadd.s32 v9, v62  }
.Ltmp10:
0x3d6: {  	[tilespmem:v14+s12+$0x0] =	vst.idx.add.f32.msk $0xffff, v2;
	(pc) =	sbr.rel @p0 .LBB2_19-.Ltmp10, $4  }
0x3d7: {  	[tilespmem:v11+s12+$0x0] =	vst.idx.add.f32.msk $0xffff, v2  }
0x3d8: {  	[tilespmem:v15+s12+$0x0] =	vst.idx.add.f32.msk $0xffff, v2  }
0x3d9: {  	[tilespmem:v10+s12+$0x0] =	vst.idx.add.f32.msk $0xffff, v2  }
0x3da: {  	[tilespmem:v63+s12+$0x0] =	vst.idx.add.f32.msk $0xffff, v2  }
0x3db: {  	[tilespmem:s14], [sflag:$0x3] =	stream.linear.gather [hbm4b:s5+s2], $0x400, $0x38;
	[tilespmem:$0x4E00] =	vst v63  }
0x3dc: {  	_ =	swait.ge [sflag:s15], $0x400  }
0x3dd: {  	[sflag:s15] =	ssyncset.done $0x0  }
0x3de: {  	[sflag:s15] =	ssyncadd.s32 $0xFFFFFC00  }
0x3df: {  	v10 =	vld [tilespmem:$0x4000];
	_ =	sdelay $0x1  }
0x3e0: {  	v11 =	vld [tilespmem:$0x4010];
	_ =	sdelay $0x1  }
0x3e1: {  	v12 =	vld [tilespmem:$0x4020]  }
0x3e2: {  	v10 =	vmul.f32 $2.000000000e+01, v10  }
0x3e3: {  	v13 =	vld [tilespmem:$0x4030]  }
0x3e4: {  	v11 =	vmul.f32 $2.000000000e+01, v11;
	v10 =	vtrunc.f32 v10  }
0x3e5: {  	v14 =	vld [tilespmem:$0x4040];
	v10 =	vcvt.f32.s32 v10  }
0x3e6: {  	v12 =	vmul.f32 $2.000000000e+01, v12;
	v11 =	vtrunc.f32 v11  }
0x3e7: {  	v15 =	vld [tilespmem:$0x4050];
	v11 =	vcvt.f32.s32 v11;
	v10 =	vshll.u32 v10, $0x4  }
0x3e8: {  	v13 =	vmul.f32 $2.000000000e+01, v13;
	v12 =	vtrunc.f32 v12;
	v10 =	vor.u32 v0, v10  }
0x3e9: {  	v16 =	vld [tilespmem:$0x4060];
	v12 =	vcvt.f32.s32 v12;
	v11 =	vshll.u32 v11, $0x4  }
0x3ea: {  	v14 =	vmul.f32 $2.000000000e+01, v14;
	v13 =	vtrunc.f32 v13;
	v11 =	vor.u32 v0, v11  }
0x3eb: {  	v17 =	vld [tilespmem:$0x4070];
	v13 =	vcvt.f32.s32 v13;
	v12 =	vshll.u32 v12, $0x4  }
0x3ec: {  	v15 =	vmul.f32 $2.000000000e+01, v15;
	v14 =	vtrunc.f32 v14;
	v12 =	vor.u32 v0, v12  }
0x3ed: {  	v38 =	vcvt.f32.s32 v14;
	[tilespmem:v10+s12+$0x0] =	vst.idx.add.f32.msk $0xffff, v2;
	v10 =	vshll.u32 v13, $0x4  }
0x3ee: {  	v16 =	vmul.f32 $2.000000000e+01, v16;
	v15 =	vtrunc.f32 v15;
	v39 =	vld [tilespmem:$0x4080];
	v10 =	vor.u32 v0, v10  }
0x3ef: {  	v40 =	vcvt.f32.s32 v15;
	[tilespmem:v11+s12+$0x0] =	vst.idx.add.f32.msk $0xffff, v2;
	v11 =	vshll.u32 v38, $0x4  }
0x3f0: {  	v17 =	vmul.f32 $2.000000000e+01, v17;
	v16 =	vtrunc.f32 v16;
	v41 =	vld [tilespmem:$0x4090];
	v11 =	vor.u32 v0, v11  }
0x3f1: {  	v43 =	vcvt.f32.s32 v16;
	v42 =	vshll.u32 v40, $0x4;
	[tilespmem:v12+s12+$0x0] =	vst.idx.add.f32.msk $0xffff, v2  }
0x3f2: {  	v17 =	vtrunc.f32 v17;
	v12 =	vor.u32 v0, v42;
	v44 =	vld [tilespmem:$0x40A0]  }
0x3f3: {  	v45 =	vcvt.f32.s32 v17;
	v14 =	vmul.f32 $2.000000000e+01, v39;
	[tilespmem:v10+s12+$0x0] =	vst.idx.add.f32.msk $0xffff, v2;
	v10 =	vshll.u32 v43, $0x4  }
0x3f4: {  	v46 =	vld [tilespmem:$0x40B0];
	v10 =	vor.u32 v0, v10  }
0x3f5: {  	v15 =	vmul.f32 $2.000000000e+01, v41;
	[tilespmem:v11+s12+$0x0] =	vst.idx.add.f32.msk $0xffff, v2;
	v11 =	vshll.u32 v45, $0x4;
	v14 =	vtrunc.f32 v14  }
0x3f6: {  	v48 =	vld [tilespmem:$0x40C0];
	v11 =	vor.u32 v0, v11;
	v47 =	vcvt.f32.s32 v14  }
0x3f7: {  	[tilespmem:v12+s12+$0x0] =	vst.idx.add.f32.msk $0xffff, v2;
	v16 =	vmul.f32 $2.000000000e+01, v44;
	v15 =	vtrunc.f32 v15  }
0x3f8: {  	v51 =	vld [tilespmem:$0x40D0];
	v50 =	vcvt.f32.s32 v15;
	v49 =	vshll.u32 v47, $0x4  }
0x3f9: {  	v16 =	vtrunc.f32 v16;
	v12 =	vadd.s32 v3, v49;
	v17 =	vmul.f32 $2.000000000e+01, v46;
	[tilespmem:v10+s12+$0x0] =	vst.idx.add.f32.msk $0xffff, v2  }
0x3fa: {  	v52 =	vcvt.f32.s32 v16;
	v10 =	vshll.u32 v50, $0x4;
	v53 =	vld [tilespmem:$0x40E0]  }
0x3fb: {  	v14 =	vmul.f32 $2.000000000e+01, v48;
	[tilespmem:v11+s12+$0x0] =	vst.idx.add.f32.msk $0xffff, v2;
	v10 =	vadd.s32 v3, v10;
	v17 =	vtrunc.f32 v17  }
0x3fc: {  	v11 =	vshll.u32 v52, $0x4;
	v55 =	vld [tilespmem:$0x40F0];
	v54 =	vcvt.f32.s32 v17  }
0x3fd: {  	v15 =	vmul.f32 $2.000000000e+01, v51;
	v11 =	vadd.s32 v3, v11;
	v14 =	vtrunc.f32 v14  }
0x3fe: {  	v57 =	vcvt.f32.s32 v14;
	[tilespmem:v12+s12+$0x0] =	vst.idx.add.f32.msk $0xffff, v2;
	v56 =	vshll.u32 v54, $0x4  }
0x3ff: {  	v15 =	vtrunc.f32 v15;
	v58 =	vld [tilespmem:$0x4100];
	v12 =	vadd.s32 v3, v56;
	v16 =	vmul.f32 $2.000000000e+01, v53  }
0x400: {  	v59 =	vcvt.f32.s32 v15;
	[tilespmem:v10+s12+$0x0] =	vst.idx.add.f32.msk $0xffff, v2;
	v10 =	vshll.u32 v57, $0x4  }
0x401: {  	v17 =	vmul.f32 $2.000000000e+01, v55;
	v60 =	vld [tilespmem:$0x4110];
	v10 =	vadd.s32 v3, v10;
	v16 =	vtrunc.f32 v16  }
0x402: {  	[tilespmem:v11+s12+$0x0] =	vst.idx.add.f32.msk $0xffff, v2;
	v11 =	vshll.u32 v59, $0x4;
	v61 =	vcvt.f32.s32 v16  }
0x403: {  	v62 =	vld [tilespmem:$0x4120];
	v11 =	vadd.s32 v3, v11;
	v17 =	vtrunc.f32 v17  }
0x404: {  	v20 =	vcvt.f32.s32 v17;
	v14 =	vmul.f32 $2.000000000e+01, v58;
	[tilespmem:v12+s12+$0x0] =	vst.idx.add.f32.msk $0xffff, v2;
	v63 =	vshll.u32 v61, $0x4  }
0x405: {  	v21 =	vld [tilespmem:$0x4130];
	v12 =	vadd.s32 v3, v63  }
0x406: {  	v15 =	vmul.f32 $2.000000000e+01, v60;
	[tilespmem:v10+s12+$0x0] =	vst.idx.add.f32.msk $0xffff, v2;
	v10 =	vshll.u32 v20, $0x4;
	v14 =	vtrunc.f32 v14  }
0x407: {  	v23 =	vld [tilespmem:$0x4140];
	v10 =	vadd.s32 v3, v10;
	v22 =	vcvt.f32.s32 v14  }
0x408: {  	v16 =	vmul.f32 $2.000000000e+01, v62;
	[tilespmem:v11+s12+$0x0] =	vst.idx.add.f32.msk $0xffff, v2;
	v15 =	vtrunc.f32 v15  }
0x409: {  	v25 =	vld [tilespmem:$0x4150];
	v24 =	vcvt.f32.s32 v15;
	v11 =	vshll.u32 v22, $0x4  }
0x40a: {  	v16 =	vtrunc.f32 v16;
	v11 =	vadd.s32 v4, v11;
	v17 =	vmul.f32 $2.000000000e+01, v21;
	[tilespmem:v12+s12+$0x0] =	vst.idx.add.f32.msk $0xffff, v2  }
0x40b: {  	v27 =	vcvt.f32.s32 v16;
	v26 =	vshll.u32 v24, $0x4;
	v28 =	vld [tilespmem:$0x4160]  }
0x40c: {  	v12 =	vadd.s32 v4, v26;
	v14 =	vmul.f32 $2.000000000e+01, v23;
	[tilespmem:v10+s12+$0x0] =	vst.idx.add.f32.msk $0xffff, v2;
	v17 =	vtrunc.f32 v17  }
0x40d: {  	v10 =	vshll.u32 v27, $0x4;
	v30 =	vld [tilespmem:$0x4170];
	v29 =	vcvt.f32.s32 v17  }
0x40e: {  	v15 =	vmul.f32 $2.000000000e+01, v25;
	v10 =	vadd.s32 v4, v10;
	v14 =	vtrunc.f32 v14  }
0x40f: {  	v31 =	vcvt.f32.s32 v14;
	[tilespmem:v11+s12+$0x0] =	vst.idx.add.f32.msk $0xffff, v2;
	v11 =	vshll.u32 v29, $0x4  }
0x410: {  	v15 =	vtrunc.f32 v15;
	v32 =	vld [tilespmem:$0x4180];
	v11 =	vadd.s32 v4, v11;
	v16 =	vmul.f32 $2.000000000e+01, v28  }
0x411: {  	v34 =	vcvt.f32.s32 v15;
	[tilespmem:v12+s12+$0x0] =	vst.idx.add.f32.msk $0xffff, v2;
	v33 =	vshll.u32 v31, $0x4  }
0x412: {  	v35 =	vld [tilespmem:$0x4190];
	v12 =	vadd.s32 v4, v33;
	v17 =	vmul.f32 $2.000000000e+01, v30;
	v16 =	vtrunc.f32 v16  }
0x413: {  	[tilespmem:v10+s12+$0x0] =	vst.idx.add.f32.msk $0xffff, v2;
	v10 =	vshll.u32 v34, $0x4;
	v36 =	vcvt.f32.s32 v16  }
0x414: {  	v37 =	vld [tilespmem:$0x41A0];
	v10 =	vadd.s32 v4, v10;
	v17 =	vtrunc.f32 v17  }
0x415: {  	v38 =	vcvt.f32.s32 v17;
	[tilespmem:v11+s12+$0x0] =	vst.idx.add.f32.msk $0xffff, v2;
	v11 =	vshll.u32 v36, $0x4  }
0x416: {  	v39 =	vld [tilespmem:$0x41B0];
	v11 =	vadd.s32 v4, v11  }
0x417: {  	[tilespmem:v12+s12+$0x0] =	vst.idx.add.f32.msk $0xffff, v2;
	v40 =	vshll.u32 v38, $0x4  }
0x418: {  	v42 =	vld [tilespmem:$0x41C0];
	v12 =	vadd.s32 v4, v40  }
0x419: {  	v41 =	vmul.f32 $2.000000000e+01, v32;
	[tilespmem:v10+s12+$0x0] =	vst.idx.add.f32.msk $0xffff, v2  }
0x41a: {  	v16 =	vmul.f32 $2.000000000e+01, v37;
	v43 =	vld [tilespmem:$0x41D0]  }
0x41b: {  	v15 =	vmul.f32 $2.000000000e+01, v35;
	v10 =	vtrunc.f32 v41;
	[tilespmem:v11+s12+$0x0] =	vst.idx.add.f32.msk $0xffff, v2  }
0x41c: {  	v10 =	vcvt.f32.s32 v10;
	v16 =	vtrunc.f32 v16;
	v44 =	vld [tilespmem:$0x41E0]  }
0x41d: {  	v15 =	vtrunc.f32 v15;
	v45 =	vcvt.f32.s32 v16;
	[tilespmem:v12+s12+$0x0] =	vst.idx.add.f32.msk $0xffff, v2  }
0x41e: {  	v10 =	vshll.u32 v10, $0x4;
	v11 =	vcvt.f32.s32 v15;
	v17 =	vmul.f32 $2.000000000e+01, v39;
	v46 =	vld [tilespmem:$0x41F0]  }
0x41f: {  	v10 =	vadd.s32 v5, v10;
	v14 =	vmul.f32 $2.000000000e+01, v42;
	v12 =	vshll.u32 v45, $0x4  }
0x420: {  	v11 =	vshll.u32 v11, $0x4;
	v17 =	vtrunc.f32 v17;
	v13 =	vmul.f32 $2.000000000e+01, v43  }
0x421: {  	v12 =	vadd.s32 v5, v12;
	v17 =	vcvt.f32.s32 v17;
	v14 =	vtrunc.f32 v14  }
0x422: {  	v11 =	vadd.s32 v5, v11;
	v14 =	vcvt.f32.s32 v14;
	v15 =	vmul.f32 $2.000000000e+01, v44  }
0x423: {  	v13 =	vtrunc.f32 v13;
	v17 =	vshll.u32 v17, $0x4;
	v16 =	vmul.f32 $2.000000000e+01, v46  }
0x424: {  	v13 =	vcvt.f32.s32 v13;
	v17 =	vadd.s32 v5, v17;
	v15 =	vtrunc.f32 v15  }
0x425: {  	v14 =	vshll.u32 v14, $0x4;
	v15 =	vcvt.f32.s32 v15;
	v16 =	vtrunc.f32 v16  }
0x426: {  	v14 =	vadd.s32 v5, v14;
	v13 =	vshll.u32 v13, $0x4;
	v16 =	vcvt.f32.s32 v16  }
0x427: {  	[tilespmem:v10+s12+$0x0] =	vst.idx.add.f32.msk $0xffff, v2;
	v10 =	vadd.s32 v5, v13;
	v47 =	vshll.u32 v15, $0x4  }
0x428: {  	[tilespmem:v11+s12+$0x0] =	vst.idx.add.f32.msk $0xffff, v2;
	v11 =	vadd.s32 v5, v47;
	v48 =	vshll.u32 v16, $0x4  }
0x429: {  	[tilespmem:v12+s12+$0x0] =	vst.idx.add.f32.msk $0xffff, v2;
	v49 =	vadd.s32 v5, v48  }
0x42a: {  	[tilespmem:v17+s12+$0x0] =	vst.idx.add.f32.msk $0xffff, v2  }
0x42b: {  	[tilespmem:v14+s12+$0x0] =	vst.idx.add.f32.msk $0xffff, v2  }
0x42c: {  	[tilespmem:v10+s12+$0x0] =	vst.idx.add.f32.msk $0xffff, v2  }
0x42d: {  	[tilespmem:v11+s12+$0x0] =	vst.idx.add.f32.msk $0xffff, v2  }
0x42e: {  	[tilespmem:v49+s12+$0x0] =	vst.idx.add.f32.msk $0xffff, v2  }
0x42f: {  	v10 =	vld [tilespmem:$0x4200];
	_ =	sdelay $0x1  }
0x430: {  	v11 =	vld [tilespmem:$0x4210];
	_ =	sdelay $0x1  }
0x431: {  	v12 =	vld [tilespmem:$0x4220]  }
0x432: {  	v10 =	vmul.f32 $2.000000000e+01, v10  }
0x433: {  	v50 =	vld [tilespmem:$0x4230]  }
0x434: {  	v11 =	vmul.f32 $2.000000000e+01, v11;
	v10 =	vtrunc.f32 v10  }
0x435: {  	v14 =	vld [tilespmem:$0x4240];
	v10 =	vcvt.f32.s32 v10  }
0x436: {  	v12 =	vmul.f32 $2.000000000e+01, v12;
	v11 =	vtrunc.f32 v11  }
0x437: {  	v51 =	vld [tilespmem:$0x4250];
	v11 =	vcvt.f32.s32 v11;
	v10 =	vshll.u32 v10, $0x4  }
0x438: {  	v13 =	vmul.f32 $2.000000000e+01, v50;
	v12 =	vtrunc.f32 v12;
	v10 =	vadd.s32 v6, v10  }
0x439: {  	v52 =	vld [tilespmem:$0x4260];
	v12 =	vcvt.f32.s32 v12;
	v11 =	vshll.u32 v11, $0x4  }
0x43a: {  	v14 =	vmul.f32 $2.000000000e+01, v14;
	v13 =	vtrunc.f32 v13;
	v11 =	vadd.s32 v6, v11  }
0x43b: {  	v17 =	vld [tilespmem:$0x4270];
	v13 =	vcvt.f32.s32 v13;
	v12 =	vshll.u32 v12, $0x4  }
0x43c: {  	v15 =	vmul.f32 $2.000000000e+01, v51;
	v14 =	vtrunc.f32 v14;
	v12 =	vadd.s32 v6, v12  }
0x43d: {  	v53 =	vcvt.f32.s32 v14;
	[tilespmem:v10+s12+$0x0] =	vst.idx.add.f32.msk $0xffff, v2;
	v10 =	vshll.u32 v13, $0x4  }
0x43e: {  	v16 =	vmul.f32 $2.000000000e+01, v52;
	v15 =	vtrunc.f32 v15;
	v54 =	vld [tilespmem:$0x4280];
	v10 =	vadd.s32 v6, v10  }
0x43f: {  	v55 =	vcvt.f32.s32 v15;
	[tilespmem:v11+s12+$0x0] =	vst.idx.add.f32.msk $0xffff, v2;
	v11 =	vshll.u32 v53, $0x4  }
0x440: {  	v17 =	vmul.f32 $2.000000000e+01, v17;
	v16 =	vtrunc.f32 v16;
	v56 =	vld [tilespmem:$0x4290];
	v11 =	vadd.s32 v6, v11  }
0x441: {  	v58 =	vcvt.f32.s32 v16;
	v57 =	vshll.u32 v55, $0x4;
	[tilespmem:v12+s12+$0x0] =	vst.idx.add.f32.msk $0xffff, v2  }
0x442: {  	v17 =	vtrunc.f32 v17;
	v12 =	vadd.s32 v6, v57;
	v59 =	vld [tilespmem:$0x42A0]  }
0x443: {  	v60 =	vcvt.f32.s32 v17;
	v14 =	vmul.f32 $2.000000000e+01, v54;
	[tilespmem:v10+s12+$0x0] =	vst.idx.add.f32.msk $0xffff, v2;
	v10 =	vshll.u32 v58, $0x4  }
0x444: {  	v61 =	vld [tilespmem:$0x42B0];
	v10 =	vadd.s32 v6, v10  }
0x445: {  	v15 =	vmul.f32 $2.000000000e+01, v56;
	[tilespmem:v11+s12+$0x0] =	vst.idx.add.f32.msk $0xffff, v2;
	v11 =	vshll.u32 v60, $0x4;
	v14 =	vtrunc.f32 v14  }
0x446: {  	v63 =	vld [tilespmem:$0x42C0];
	v11 =	vadd.s32 v6, v11;
	v62 =	vcvt.f32.s32 v14  }
0x447: {  	[tilespmem:v12+s12+$0x0] =	vst.idx.add.f32.msk $0xffff, v2;
	v16 =	vmul.f32 $2.000000000e+01, v59;
	v15 =	vtrunc.f32 v15  }
0x448: {  	v21 =	vld [tilespmem:$0x42D0];
	v20 =	vcvt.f32.s32 v15;
	v19 =	vshll.u32 v62, $0x4  }
0x449: {  	v16 =	vtrunc.f32 v16;
	v12 =	vadd.s32 v7, v19;
	v17 =	vmul.f32 $2.000000000e+01, v61;
	[tilespmem:v10+s12+$0x0] =	vst.idx.add.f32.msk $0xffff, v2  }
0x44a: {  	v22 =	vcvt.f32.s32 v16;
	v10 =	vshll.u32 v20, $0x4;
	v23 =	vld [tilespmem:$0x42E0]  }
0x44b: {  	v14 =	vmul.f32 $2.000000000e+01, v63;
	[tilespmem:v11+s12+$0x0] =	vst.idx.add.f32.msk $0xffff, v2;
	v10 =	vadd.s32 v7, v10;
	v17 =	vtrunc.f32 v17  }
0x44c: {  	v11 =	vshll.u32 v22, $0x4;
	v25 =	vld [tilespmem:$0x42F0];
	v24 =	vcvt.f32.s32 v17  }
0x44d: {  	v15 =	vmul.f32 $2.000000000e+01, v21;
	v11 =	vadd.s32 v7, v11;
	v14 =	vtrunc.f32 v14  }
0x44e: {  	v27 =	vcvt.f32.s32 v14;
	[tilespmem:v12+s12+$0x0] =	vst.idx.add.f32.msk $0xffff, v2;
	v26 =	vshll.u32 v24, $0x4  }
0x44f: {  	v15 =	vtrunc.f32 v15;
	v28 =	vld [tilespmem:$0x4300];
	v12 =	vadd.s32 v7, v26;
	v16 =	vmul.f32 $2.000000000e+01, v23  }
0x450: {  	v29 =	vcvt.f32.s32 v15;
	[tilespmem:v10+s12+$0x0] =	vst.idx.add.f32.msk $0xffff, v2;
	v10 =	vshll.u32 v27, $0x4  }
0x451: {  	v17 =	vmul.f32 $2.000000000e+01, v25;
	v30 =	vld [tilespmem:$0x4310];
	v10 =	vadd.s32 v7, v10;
	v16 =	vtrunc.f32 v16  }
0x452: {  	[tilespmem:v11+s12+$0x0] =	vst.idx.add.f32.msk $0xffff, v2;
	v11 =	vshll.u32 v29, $0x4;
	v31 =	vcvt.f32.s32 v16  }
0x453: {  	v32 =	vld [tilespmem:$0x4320];
	v11 =	vadd.s32 v7, v11;
	v17 =	vtrunc.f32 v17  }
0x454: {  	v34 =	vcvt.f32.s32 v17;
	v14 =	vmul.f32 $2.000000000e+01, v28;
	[tilespmem:v12+s12+$0x0] =	vst.idx.add.f32.msk $0xffff, v2;
	v33 =	vshll.u32 v31, $0x4  }
0x455: {  	v35 =	vld [tilespmem:$0x4330];
	v12 =	vadd.s32 v7, v33  }
0x456: {  	v15 =	vmul.f32 $2.000000000e+01, v30;
	[tilespmem:v10+s12+$0x0] =	vst.idx.add.f32.msk $0xffff, v2;
	v10 =	vshll.u32 v34, $0x4;
	v14 =	vtrunc.f32 v14  }
0x457: {  	v37 =	vld [tilespmem:$0x4340];
	v10 =	vadd.s32 v7, v10;
	v36 =	vcvt.f32.s32 v14  }
0x458: {  	v16 =	vmul.f32 $2.000000000e+01, v32;
	[tilespmem:v11+s12+$0x0] =	vst.idx.add.f32.msk $0xffff, v2;
	v15 =	vtrunc.f32 v15  }
0x459: {  	v39 =	vld [tilespmem:$0x4350];
	v38 =	vcvt.f32.s32 v15;
	v11 =	vshll.u32 v36, $0x4  }
0x45a: {  	v16 =	vtrunc.f32 v16;
	v11 =	vadd.s32 v8, v11;
	v17 =	vmul.f32 $2.000000000e+01, v35;
	[tilespmem:v12+s12+$0x0] =	vst.idx.add.f32.msk $0xffff, v2  }
0x45b: {  	v41 =	vcvt.f32.s32 v16;
	v40 =	vshll.u32 v38, $0x4;
	v42 =	vld [tilespmem:$0x4360]  }
0x45c: {  	v12 =	vadd.s32 v8, v40;
	v14 =	vmul.f32 $2.000000000e+01, v37;
	[tilespmem:v10+s12+$0x0] =	vst.idx.add.f32.msk $0xffff, v2;
	v17 =	vtrunc.f32 v17  }
0x45d: {  	v10 =	vshll.u32 v41, $0x4;
	v44 =	vld [tilespmem:$0x4370];
	v43 =	vcvt.f32.s32 v17  }
0x45e: {  	v15 =	vmul.f32 $2.000000000e+01, v39;
	v10 =	vadd.s32 v8, v10;
	v14 =	vtrunc.f32 v14  }
0x45f: {  	v45 =	vcvt.f32.s32 v14;
	[tilespmem:v11+s12+$0x0] =	vst.idx.add.f32.msk $0xffff, v2;
	v11 =	vshll.u32 v43, $0x4  }
0x460: {  	v15 =	vtrunc.f32 v15;
	v46 =	vld [tilespmem:$0x4380];
	v11 =	vadd.s32 v8, v11;
	v16 =	vmul.f32 $2.000000000e+01, v42  }
0x461: {  	v48 =	vcvt.f32.s32 v15;
	[tilespmem:v12+s12+$0x0] =	vst.idx.add.f32.msk $0xffff, v2;
	v47 =	vshll.u32 v45, $0x4  }
0x462: {  	v49 =	vld [tilespmem:$0x4390];
	v12 =	vadd.s32 v8, v47;
	v17 =	vmul.f32 $2.000000000e+01, v44;
	v16 =	vtrunc.f32 v16  }
0x463: {  	[tilespmem:v10+s12+$0x0] =	vst.idx.add.f32.msk $0xffff, v2;
	v10 =	vshll.u32 v48, $0x4;
	v50 =	vcvt.f32.s32 v16  }
0x464: {  	v51 =	vld [tilespmem:$0x43A0];
	v10 =	vadd.s32 v8, v10;
	v17 =	vtrunc.f32 v17  }
0x465: {  	v52 =	vcvt.f32.s32 v17;
	[tilespmem:v11+s12+$0x0] =	vst.idx.add.f32.msk $0xffff, v2;
	v11 =	vshll.u32 v50, $0x4  }
0x466: {  	v53 =	vld [tilespmem:$0x43B0];
	v11 =	vadd.s32 v8, v11  }
0x467: {  	[tilespmem:v12+s12+$0x0] =	vst.idx.add.f32.msk $0xffff, v2;
	v54 =	vshll.u32 v52, $0x4  }
0x468: {  	v56 =	vld [tilespmem:$0x43C0];
	v12 =	vadd.s32 v8, v54  }
0x469: {  	v55 =	vmul.f32 $2.000000000e+01, v46;
	[tilespmem:v10+s12+$0x0] =	vst.idx.add.f32.msk $0xffff, v2  }
0x46a: {  	v16 =	vmul.f32 $2.000000000e+01, v51;
	v57 =	vld [tilespmem:$0x43D0]  }
0x46b: {  	v15 =	vmul.f32 $2.000000000e+01, v49;
	v10 =	vtrunc.f32 v55;
	[tilespmem:v11+s12+$0x0] =	vst.idx.add.f32.msk $0xffff, v2  }
0x46c: {  	v10 =	vcvt.f32.s32 v10;
	v16 =	vtrunc.f32 v16;
	v58 =	vld [tilespmem:$0x43E0]  }
0x46d: {  	v15 =	vtrunc.f32 v15;
	v59 =	vcvt.f32.s32 v16;
	[tilespmem:v12+s12+$0x0] =	vst.idx.add.f32.msk $0xffff, v2  }
0x46e: {  	v10 =	vshll.u32 v10, $0x4;
	v11 =	vcvt.f32.s32 v15;
	v17 =	vmul.f32 $2.000000000e+01, v53;
	v60 =	vld [tilespmem:$0x43F0]  }
0x46f: {  	v10 =	vadd.s32 v9, v10;
	v14 =	vmul.f32 $2.000000000e+01, v56;
	v12 =	vshll.u32 v59, $0x4  }
0x470: {  	v11 =	vshll.u32 v11, $0x4;
	v17 =	vtrunc.f32 v17;
	v13 =	vmul.f32 $2.000000000e+01, v57  }
0x471: {  	v12 =	vadd.s32 v9, v12;
	v17 =	vcvt.f32.s32 v17;
	v14 =	vtrunc.f32 v14  }
0x472: {  	v11 =	vadd.s32 v9, v11;
	v14 =	vcvt.f32.s32 v14;
	v15 =	vmul.f32 $2.000000000e+01, v58  }
0x473: {  	v13 =	vtrunc.f32 v13;
	v17 =	vshll.u32 v17, $0x4;
	v16 =	vmul.f32 $2.000000000e+01, v60  }
0x474: {  	v13 =	vcvt.f32.s32 v13;
	v17 =	vadd.s32 v9, v17;
	v15 =	vtrunc.f32 v15  }
0x475: {  	v14 =	vshll.u32 v14, $0x4;
	v15 =	vcvt.f32.s32 v15;
	v16 =	vtrunc.f32 v16  }
0x476: {  	v14 =	vadd.s32 v9, v14;
	v13 =	vshll.u32 v13, $0x4;
	v16 =	vcvt.f32.s32 v16  }
0x477: {  	[tilespmem:v10+s12+$0x0] =	vst.idx.add.f32.msk $0xffff, v2;
	v10 =	vadd.s32 v9, v13;
	v61 =	vshll.u32 v15, $0x4  }
0x478: {  	[tilespmem:v11+s12+$0x0] =	vst.idx.add.f32.msk $0xffff, v2;
	v11 =	vadd.s32 v9, v61;
	v62 =	vshll.u32 v16, $0x4  }
0x479: {  	[tilespmem:v12+s12+$0x0] =	vst.idx.add.f32.msk $0xffff, v2;
	v63 =	vadd.s32 v9, v62  }
.Ltmp11:
0x47a: {  	[tilespmem:v17+s12+$0x0] =	vst.idx.add.f32.msk $0xffff, v2;
	(pc) =	sbr.rel .LBB2_19-.Ltmp11, $4  }
0x47b: {  	[tilespmem:v14+s12+$0x0] =	vst.idx.add.f32.msk $0xffff, v2  }
0x47c: {  	[tilespmem:v10+s12+$0x0] =	vst.idx.add.f32.msk $0xffff, v2  }
0x47d: {  	[tilespmem:v11+s12+$0x0] =	vst.idx.add.f32.msk $0xffff, v2  }
0x47e: {  	[tilespmem:v63+s12+$0x0] =	vst.idx.add.f32.msk $0xffff, v2  }
.LBB2_20:
0x47f: {  	_ =	sfence.sel $0x180000  }
0x480: {  	[bflag:$0x0] =	sbarrier.arrive $0xFFFF  }
0x481: {  	p0 =	sne.s32 s1, $0x0;
	_ =	strace $0x90000047  }
0x482: {  	s0 =	sadd.s32 @!p0 $0x100000, s0;
	[bflag:$0x2] =	sbarrier.arrive $0xFFFF  }
0x483: {  	[sflag:s0] =	ssyncadd.tile.s32 @!p0 $0x1;
	_ =	shalt  }
.Lfunc_end2:
_tile_overlayer_lowered:
.L_overlay_start_2:
0x484: {  	(tag) =	ssettag $0x2  }
0x485: {  	s0 =	rddreg [dreg:$0x0];
	s2 =	stileid.u32  }
0x486: {  	s1 =	rddreg [dreg:$0x1];
	p0 =	sne.s32 s2, $0x0  }
0x487: {  	s3 =	rddreg [dreg:$0x2];
	[bflag:$0x3] =	sbarrier.arrive $0xFFFF;
	s2 =	simm.s32 @!p0 $0x1C03  }
0x488: {  	[timem:s3], [sflag:s2] =	dma.local @!p0 [hbm:s0], s1  }
0x489: {  	s0 =	simm.s32 @!p0 $0x3  }
0x48a: {  	_ =	swait.ge @!p0 [sflag:s0], s1  }
0x48b: {  	s1 =	ssub.s32 @!p0 $0x0, s1;
	[sflag:s0] =	ssyncset.done @!p0 $0x0  }
0x48c: {  	[sflag:s0] =	ssyncadd.s32 @!p0 s1  }
0x48d: {  	[bflag:$0x3] =	sbarrier.arrive $0xFFFF  }
0x48e: {  	_ =	shalt  }

</sc_bundles>
